<compile_context>
chip_gen: v7x
topology: tpu7x:2x2x1
jax: 0.10.2.dev20260603
libtpu: 0.0.44.dev20260713+nightly
codegen_flags: <defaults>
</compile_context>

<pallas_src>
import functools

import jax
import jax.numpy as jnp
from jax import lax
from jax.experimental import pallas as pl
from jax.experimental.pallas import tpu as pltpu
from jax.experimental.pallas import tpu_sc as plsc

NC = 2
NS = 16
NW = NC * NS
G = 128

N_PAD = 10240
ROWS_PER_TILE = N_PAD // NS
ZROWS = 128
BLK = 1280


def _zero_shared(zer_v, acc_sh, sid, width):
  def zrow(i, _):
    for off in range(0, width, 16):
      zer_v[i, pl.ds(off, 16)] = jnp.zeros((16,), jnp.float32)
    return 0
  lax.fori_loop(0, ZROWS, zrow, 0)
  base = pl.multiple_of(sid * ROWS_PER_TILE, ROWS_PER_TILE)
  for j in range(ROWS_PER_TILE // ZROWS):
    pltpu.sync_copy(zer_v, acc_sh.at[pl.ds(base + j * ZROWS, ZROWS)])


def _sc_degree(e4):
  groups = e4.shape[2]
  mesh = plsc.VectorSubcoreMesh(core_axis_name="c", subcore_axis_name="s")

  @functools.partial(
      pl.kernel,
      mesh=mesh,
      out_type=jax.ShapeDtypeStruct((NC, N_PAD), jnp.float32),
      scratch_types=[
          pltpu.VMEM((groups, G), jnp.int32),
          pltpu.VMEM((G,), jnp.float32),
          pltpu.VMEM((ROWS_PER_TILE,), jnp.float32),
          pltpu.VMEM_SHARED((N_PAD,), jnp.float32),
          pltpu.SemaphoreType.DMA,
      ],
  )
  def k(e_hbm, out_hbm, dstv, ones_v, zer_v, acc_sh, sem):
    cid = lax.axis_index("c")
    sid = lax.axis_index("s")
    wid = cid * NS + sid

    for i in range(G // 16):
      ones_v[pl.ds(i * 16, 16)] = jnp.full((16,), 1.0, jnp.float32)
    for i in range(ROWS_PER_TILE // 16):
      zer_v[pl.ds(i * 16, 16)] = jnp.zeros((16,), jnp.float32)
    base = pl.multiple_of(sid * ROWS_PER_TILE, ROWS_PER_TILE)
    pltpu.sync_copy(zer_v, acc_sh.at[pl.ds(base, ROWS_PER_TILE)])
    plsc.subcore_barrier()

    pltpu.sync_copy(e_hbm.at[1, wid], dstv)

    def body(g, _):
      pltpu.async_copy(ones_v, acc_sh.at[dstv.at[g]], sem, add=True)
      return 0
    lax.fori_loop(0, groups, body, 0)

    def drain(g, _):
      pltpu.make_async_copy(ones_v, acc_sh.at[dstv.at[0]], sem).wait()
      return 0
    lax.fori_loop(0, groups, drain, 0)

    plsc.subcore_barrier()
    pltpu.sync_copy(acc_sh.at[pl.ds(base, ROWS_PER_TILE)],
                    out_hbm.at[cid, pl.ds(base, ROWS_PER_TILE)])

  return k(e4)


def _sc_scatter(e4, table):
  groups = e4.shape[2]
  F = table.shape[1]
  mesh = plsc.VectorSubcoreMesh(core_axis_name="c", subcore_axis_name="s")

  R = 8
  A = 4
  assert groups >= R

  @functools.partial(
      pl.kernel,
      mesh=mesh,
      compiler_params=pltpu.CompilerParams(use_tc_tiling_on_sc=False),
      out_type=jax.ShapeDtypeStruct((NC, N_PAD, F), jnp.float32),
      scratch_types=[
          pltpu.VMEM((groups, G), jnp.int32),
          pltpu.VMEM((groups, G), jnp.int32),
          pltpu.VMEM((R, G, F), jnp.float32),
          pltpu.VMEM((ZROWS, F), jnp.float32),
          pltpu.VMEM_SHARED((N_PAD, F), jnp.float32),
          pltpu.SemaphoreType.DMA((R,)),
          pltpu.SemaphoreType.DMA((R,)),
      ],
  )
  def k(e_hbm, tab_hbm, out_hbm,
        srcv, dstv, rows, zer_v, acc_sh, sem_g, sem_s):
    cid = lax.axis_index("c")
    sid = lax.axis_index("s")
    wid = cid * NS + sid

    _zero_shared(zer_v, acc_sh, sid, F)
    plsc.subcore_barrier()

    pltpu.sync_copy(e_hbm.at[0, wid], srcv)
    pltpu.sync_copy(e_hbm.at[1, wid], dstv)

    for a in range(A):
      pltpu.async_copy(tab_hbm.at[srcv.at[a]], rows.at[a], sem_g.at[a])

    def body(g, _):
      @pl.when(g + A < groups)
      def _pref():
        bp = lax.rem(g + A, R)
        @pl.when(g + A >= R)
        def _wait_s():
          pltpu.make_async_copy(
              rows.at[bp], acc_sh.at[dstv.at[0]], sem_s.at[bp]).wait()
        pltpu.async_copy(tab_hbm.at[srcv.at[g + A]], rows.at[bp],
                         sem_g.at[bp])

      b = lax.rem(g, R)
      pltpu.make_async_copy(tab_hbm.at[srcv.at[g]], rows.at[b],
                            sem_g.at[b]).wait()
      pltpu.async_copy(rows.at[b], acc_sh.at[dstv.at[g]], sem_s.at[b],
                       add=True)
      return 0

    lax.fori_loop(0, groups, body, 0)

    for i in range(R):
      b = (groups - R + i) % R
      pltpu.make_async_copy(rows.at[b], acc_sh.at[dstv.at[0]],
                            sem_s.at[b]).wait()

    plsc.subcore_barrier()
    base = pl.multiple_of(sid * ROWS_PER_TILE, ROWS_PER_TILE)
    pltpu.sync_copy(acc_sh.at[pl.ds(base, ROWS_PER_TILE)],
                    out_hbm.at[cid, pl.ds(base, ROWS_PER_TILE)])

  return k(e4, table)


PB = 160


def _selector(width, valid, dtype=jnp.float32):
  seg = lax.broadcasted_iota(jnp.int32, (8, 8 * width), 1) // width
  row = lax.broadcasted_iota(jnp.int32, (8, 8 * width), 0)
  lane = lax.broadcasted_iota(jnp.int32, (8, 8 * width), 1) % width
  return jnp.where((seg == row) & (lane < valid), 1.0, 0.0).astype(dtype)


HI = lax.Precision.HIGHEST


def _dinv8(deg_ref):
  return lax.rsqrt(deg_ref[0] + deg_ref[1] + 1.0)


def _tc_layer1(xp, W1, degpp):
  np8, d8 = xp.shape
  d = d8 // 8

  def body(x_ref, w_ref, deg_ref, y_ref):
    dinvP = jnp.dot(_dinv8(deg_ref), _selector(16, 16), precision=HI,
                    preferred_element_type=jnp.float32)
    xb = x_ref[...]
    w = w_ref[...]
    parts = [jnp.dot(xb[:, j * d:(j + 1) * d], w,
                     preferred_element_type=jnp.float32) for j in range(8)]
    y_ref[...] = jnp.concatenate(parts, axis=1) * dinvP

  return pl.pallas_call(
      body,
      grid=(pl.cdiv(np8, PB),),
      in_specs=[pl.BlockSpec((PB, d8), lambda i: (i, 0)),
                pl.BlockSpec((d, 16), lambda i: (0, 0)),
                pl.BlockSpec((NC, PB, 8), lambda i: (0, i, 0))],
      out_specs=pl.BlockSpec((PB, 128), lambda i: (i, 0)),
      out_shape=jax.ShapeDtypeStruct((np8, 128), jnp.float32),
  )(xp, W1, degpp)


def _tc_layer2(acc1p, y1p, degpp, b1t, W2p):
  np8 = y1p.shape[0]

  def body(a_ref, y1_ref, deg_ref, b_ref, w_ref, y_ref):
    d8 = _dinv8(deg_ref)
    dinv16 = jnp.dot(d8, _selector(16, 16), precision=HI,
                     preferred_element_type=jnp.float32)
    dinv48 = jnp.dot(d8, _selector(48, 48), precision=HI,
                     preferred_element_type=jnp.float32)
    aP = a_ref[0] + a_ref[1] + y1_ref[...]
    hP = jnp.maximum(aP * dinv16 + b_ref[...], 0.0)
    w = w_ref[...]
    parts = [jnp.dot(hP[:, 16 * j:16 * (j + 1)], w,
                     preferred_element_type=jnp.float32) for j in range(8)]
    y_ref[...] = jnp.concatenate(parts, axis=1) * dinv48

  return pl.pallas_call(
      body,
      grid=(pl.cdiv(np8, PB),),
      in_specs=[pl.BlockSpec((NC, PB, 128), lambda i: (0, i, 0)),
                pl.BlockSpec((PB, 128), lambda i: (i, 0)),
                pl.BlockSpec((NC, PB, 8), lambda i: (0, i, 0)),
                pl.BlockSpec((1, 128), lambda i: (0, 0)),
                pl.BlockSpec((16, 48), lambda i: (0, 0))],
      out_specs=pl.BlockSpec((PB, 384), lambda i: (i, 0)),
      out_shape=jax.ShapeDtypeStruct((np8, 384), jnp.float32),
  )(acc1p, y1p, degpp, b1t, W2p)


def _tc_out_packed(acc2p, y2p, degpp, b2t):
  np8 = y2p.shape[0]

  def body(a_ref, y2_ref, deg_ref, b_ref, o_ref):
    d8 = _dinv8(deg_ref)
    dinv48 = jnp.dot(d8, _selector(48, 48), precision=HI,
                     preferred_element_type=jnp.float32)
    sall = _selector(48, 48)
    sreal = _selector(48, 40)
    oP = (a_ref[0] + a_ref[1] + y2_ref[...]) * dinv48 + b_ref[...]
    mean8 = lax.dot_general(oP, sall, (((1,), (1,)), ((), ())),
                            preferred_element_type=jnp.float32) / 48.0
    sP = oP - jnp.dot(mean8, sall, preferred_element_type=jnp.float32)
    se8 = lax.dot_general(jnp.exp(sP), sreal, (((1,), (1,)), ((), ())),
                          precision=HI,
                          preferred_element_type=jnp.float32)
    lseP = jnp.dot(jnp.log(se8), sall, precision=HI,
                   preferred_element_type=jnp.float32)
    o_ref[...] = sP - lseP

  return pl.pallas_call(
      body,
      grid=(pl.cdiv(np8, PB),),
      in_specs=[pl.BlockSpec((NC, PB, 384), lambda i: (0, i, 0)),
                pl.BlockSpec((PB, 384), lambda i: (i, 0)),
                pl.BlockSpec((NC, PB, 8), lambda i: (0, i, 0)),
                pl.BlockSpec((1, 384), lambda i: (0, 0))],
      out_specs=pl.BlockSpec((PB, 384), lambda i: (i, 0)),
      out_shape=jax.ShapeDtypeStruct((np8, 384), jnp.float32),
  )(acc2p, y2p, degpp, b2t)


def kernel(x, edge_index, W1, b1, W2, b2):
  n, d = x.shape
  e = edge_index.shape[1]
  h = W1.shape[1]
  c = W2.shape[1]
  np8 = n // 8

  chunk = NW * G
  ep = chunk * ((e + chunk - 1) // chunk)
  groups = ep // chunk
  pad_iota = jax.lax.iota(edge_index.dtype, ep - e)
  pad_src = jax.lax.rem(pad_iota, jnp.int32(n))[None]
  pad_dst = (n + jax.lax.rem(pad_iota, jnp.int32(N_PAD - n)))[None]
  e4 = jnp.concatenate(
      [edge_index, jnp.concatenate([pad_src, pad_dst], axis=0)],
      axis=1).reshape(2, NW, groups, G)

  W2p = jnp.zeros((h, 48), jnp.float32).at[:, :c].set(W2)
  b1t = jnp.tile(b1, 8).reshape(1, 128)
  b2t = jnp.tile(jnp.concatenate([b2, jnp.zeros((48 - c,), jnp.float32)]),
                 8).reshape(1, 384)
  xp = x.reshape(np8, 8 * d)

  degp = _sc_degree(e4)
  degpp = degp.reshape(NC, N_PAD // 8, 8)
  y1p = _tc_layer1(xp, W1, degpp)
  acc1 = _sc_scatter(e4, y1p.reshape(n, h))
  y2p = _tc_layer2(acc1.reshape(NC, N_PAD // 8, 128), y1p, degpp, b1t, W2p)
  acc2 = _sc_scatter(e4, y2p.reshape(n, 48))
  outp = _tc_out_packed(acc2.reshape(NC, N_PAD // 8, 384), y2p, degpp, b2t)
  return outp.reshape(n, 48)[:, :c]

# --- scband reference (transcript-rebuilt; emitter-appended) ---
"""Pipeline reference for scband-gcn-360777253170 (READ-ONLY COPY).

The authoritative reference and input builder live on the scoring server;
editing this copy changes nothing except your own understanding.
"""

import jax, jax.numpy as jnp
import numpy as np

N = 10000
E = 320000
D = 128
H = 16
C = 40


def setup_inputs(seed: int = 0) -> dict:
    key = jax.random.key(seed)
    k1, k2, k3, k4, k5, k6 = jax.random.split(key, 6)
    x = jax.random.normal(k1, (N, D), dtype=jnp.float32)
    edge_index = jax.random.randint(k2, (2, E), 0, N, dtype=jnp.int32)
    W1 = jax.random.normal(k3, (D, H), dtype=jnp.float32) / np.sqrt(D)
    b1 = jnp.zeros((H,), dtype=jnp.float32)
    W2 = jax.random.normal(k4, (H, C), dtype=jnp.float32) / np.sqrt(H)
    b2 = jnp.zeros((C,), dtype=jnp.float32)
    return {"x": x, "edge_index": edge_index, "W1": W1, "b1": b1, "W2": W2, "b2": b2}


def gcn_conv(x, edge_index, W, b):
    # GCNConv with added self-loops and symmetric normalization (PyG semantics, eval mode)
    lin = x @ W
    loop = jnp.arange(N, dtype=edge_index.dtype)
    src = jnp.concatenate([edge_index[0], loop])
    dst = jnp.concatenate([edge_index[1], loop])
    deg = jnp.zeros((N,), dtype=lin.dtype).at[dst].add(jnp.ones((src.shape[0],), dtype=lin.dtype))
    dinv = jnp.where(deg > 0, jax.lax.rsqrt(deg), 0.0)
    norm = dinv[src] * dinv[dst]
    msg = lin[src] * norm[:, None]
    out = jnp.zeros((N, lin.shape[1]), dtype=lin.dtype).at[dst].add(msg)
    return out + b


def reference(x, edge_index, W1, b1, W2, b2):
    h = jax.nn.relu(gcn_conv(x, edge_index, W1, b1))
    # dropout is identity in eval mode
    out = gcn_conv(h, edge_index, W2, b2)
    return jax.nn.log_softmax(out, axis=1)

if __name__ == "__main__":
    import jax
    _d = setup_inputs()
    print(jax.jit(kernel)(*tuple(_d.values())))

</pallas_src>

<mosaic_0001>
#map = affine_map<(d0, d1) -> (0, 0, 0, 0)>
#map1 = affine_map<(d0, d1) -> (0, 0)>
module attributes {stable_mosaic.version = 14 : i64} {
  func.func @k(%arg0: i32, %arg1: i32, %arg2: memref<2x32x79x128xi32, #tpu.memory_space<hbm>>, %arg3: memref<2x10240xf32, #tpu.memory_space<hbm>>, %arg4: memref<79x128xi32, #tpu.memory_space<vmem>>, %arg5: memref<128xf32, #tpu.memory_space<vmem>>, %arg6: memref<640xf32, #tpu.memory_space<vmem>>, %arg7: memref<10240xf32, #tpu.memory_space<vmem_shared>>, %arg8: memref<!tpu.dma_semaphore, #tpu.memory_space<semaphore_mem>>) attributes {dimension_semantics = [#tpu.dimension_semantics<core_parallel>, #tpu.dimension_semantics<subcore_parallel>], iteration_bounds = array<i64: 2, 16>, scalar_prefetch = 0 : i64, scratch_operands = 5 : i64, tpu.core_type = #tpu.core_type<sc_vector_subcore>, window_params = [{transform_indices = #map}, {transform_indices = #map1}]} {
    %mul3A = arith.constant 16 : i32
    %mul3A_0 = arith.muli %arg0, %mul3A : i32
    %add3A = arith.addi %mul3A_0, %arg1 : i32
    %broadcast_in_dim3A = arith.constant 1.000000e+00 : f32
    %broadcast_in_dim3A_1 = vector.broadcast %broadcast_in_dim3A : f32 to vector<16xf32>
    %swap3A = arith.constant 0 : index
    %swap3A_2 = tpu.vector_load %arg5[%swap3A] {strides = array<i32>} : memref<128xf32, #tpu.memory_space<vmem>>, vector<16xf32>,
    %swap3A_3 = vector.shape_cast %swap3A_2 : vector<16xf32> to vector<16xf32>
    %swap3A_4 = vector.shape_cast %broadcast_in_dim3A_1 : vector<16xf32> to vector<16xf32>
    tpu.vector_store %arg5[%swap3A], %swap3A_4 {strides = array<i32>} : memref<128xf32, #tpu.memory_space<vmem>>, vector<16xf32>,
    %broadcast_in_dim3A_5 = arith.constant 1.000000e+00 : f32
    %broadcast_in_dim3A_6 = vector.broadcast %broadcast_in_dim3A_5 : f32 to vector<16xf32>
    %swap3A_7 = arith.constant 16 : index
    %swap3A_8 = tpu.vector_load %arg5[%swap3A_7] {strides = array<i32>} : memref<128xf32, #tpu.memory_space<vmem>>, vector<16xf32>,
    %swap3A_9 = vector.shape_cast %swap3A_8 : vector<16xf32> to vector<16xf32>
    %swap3A_10 = vector.shape_cast %broadcast_in_dim3A_6 : vector<16xf32> to vector<16xf32>
    tpu.vector_store %arg5[%swap3A_7], %swap3A_10 {strides = array<i32>} : memref<128xf32, #tpu.memory_space<vmem>>, vector<16xf32>,
    %broadcast_in_dim3A_11 = arith.constant 1.000000e+00 : f32
    %broadcast_in_dim3A_12 = vector.broadcast %broadcast_in_dim3A_11 : f32 to vector<16xf32>
    %swap3A_13 = arith.constant 32 : index
    %swap3A_14 = tpu.vector_load %arg5[%swap3A_13] {strides = array<i32>} : memref<128xf32, #tpu.memory_space<vmem>>, vector<16xf32>,
    %swap3A_15 = vector.shape_cast %swap3A_14 : vector<16xf32> to vector<16xf32>
    %swap3A_16 = vector.shape_cast %broadcast_in_dim3A_12 : vector<16xf32> to vector<16xf32>
    tpu.vector_store %arg5[%swap3A_13], %swap3A_16 {strides = array<i32>} : memref<128xf32, #tpu.memory_space<vmem>>, vector<16xf32>,
    %broadcast_in_dim3A_17 = arith.constant 1.000000e+00 : f32
    %broadcast_in_dim3A_18 = vector.broadcast %broadcast_in_dim3A_17 : f32 to vector<16xf32>
    %swap3A_19 = arith.constant 48 : index
    %swap3A_20 = tpu.vector_load %arg5[%swap3A_19] {strides = array<i32>} : memref<128xf32, #tpu.memory_space<vmem>>, vector<16xf32>,
    %swap3A_21 = vector.shape_cast %swap3A_20 : vector<16xf32> to vector<16xf32>
    %swap3A_22 = vector.shape_cast %broadcast_in_dim3A_18 : vector<16xf32> to vector<16xf32>
    tpu.vector_store %arg5[%swap3A_19], %swap3A_22 {strides = array<i32>} : memref<128xf32, #tpu.memory_space<vmem>>, vector<16xf32>,
    %broadcast_in_dim3A_23 = arith.constant 1.000000e+00 : f32
    %broadcast_in_dim3A_24 = vector.broadcast %broadcast_in_dim3A_23 : f32 to vector<16xf32>
    %swap3A_25 = arith.constant 64 : index
    %swap3A_26 = tpu.vector_load %arg5[%swap3A_25] {strides = array<i32>} : memref<128xf32, #tpu.memory_space<vmem>>, vector<16xf32>,
    %swap3A_27 = vector.shape_cast %swap3A_26 : vector<16xf32> to vector<16xf32>
    %swap3A_28 = vector.shape_cast %broadcast_in_dim3A_24 : vector<16xf32> to vector<16xf32>
    tpu.vector_store %arg5[%swap3A_25], %swap3A_28 {strides = array<i32>} : memref<128xf32, #tpu.memory_space<vmem>>, vector<16xf32>,
    %broadcast_in_dim3A_29 = arith.constant 1.000000e+00 : f32
    %broadcast_in_dim3A_30 = vector.broadcast %broadcast_in_dim3A_29 : f32 to vector<16xf32>
    %swap3A_31 = arith.constant 80 : index
    %swap3A_32 = tpu.vector_load %arg5[%swap3A_31] {strides = array<i32>} : memref<128xf32, #tpu.memory_space<vmem>>, vector<16xf32>,
    %swap3A_33 = vector.shape_cast %swap3A_32 : vector<16xf32> to vector<16xf32>
    %swap3A_34 = vector.shape_cast %broadcast_in_dim3A_30 : vector<16xf32> to vector<16xf32>
    tpu.vector_store %arg5[%swap3A_31], %swap3A_34 {strides = array<i32>} : memref<128xf32, #tpu.memory_space<vmem>>, vector<16xf32>,
    %broadcast_in_dim3A_35 = arith.constant 1.000000e+00 : f32
    %broadcast_in_dim3A_36 = vector.broadcast %broadcast_in_dim3A_35 : f32 to vector<16xf32>
    %swap3A_37 = arith.constant 96 : index
    %swap3A_38 = tpu.vector_load %arg5[%swap3A_37] {strides = array<i32>} : memref<128xf32, #tpu.memory_space<vmem>>, vector<16xf32>,
    %swap3A_39 = vector.shape_cast %swap3A_38 : vector<16xf32> to vector<16xf32>
    %swap3A_40 = vector.shape_cast %broadcast_in_dim3A_36 : vector<16xf32> to vector<16xf32>
    tpu.vector_store %arg5[%swap3A_37], %swap3A_40 {strides = array<i32>} : memref<128xf32, #tpu.memory_space<vmem>>, vector<16xf32>,
    %broadcast_in_dim3A_41 = arith.constant 1.000000e+00 : f32
    %broadcast_in_dim3A_42 = vector.broadcast %broadcast_in_dim3A_41 : f32 to vector<16xf32>
    %swap3A_43 = arith.constant 112 : index
    %swap3A_44 = tpu.vector_load %arg5[%swap3A_43] {strides = array<i32>} : memref<128xf32, #tpu.memory_space<vmem>>, vector<16xf32>,
    %swap3A_45 = vector.shape_cast %swap3A_44 : vector<16xf32> to vector<16xf32>
    %swap3A_46 = vector.shape_cast %broadcast_in_dim3A_42 : vector<16xf32> to vector<16xf32>
    tpu.vector_store %arg5[%swap3A_43], %swap3A_46 {strides = array<i32>} : memref<128xf32, #tpu.memory_space<vmem>>, vector<16xf32>,
    %broadcast_in_dim3A_47 = arith.constant 0.000000e+00 : f32
    %broadcast_in_dim3A_48 = vector.broadcast %broadcast_in_dim3A_47 : f32 to vector<16xf32>
    %swap3A_49 = arith.constant 0 : index
    %swap3A_50 = tpu.vector_load %arg6[%swap3A_49] {strides = array<i32>} : memref<640xf32, #tpu.memory_space<vmem>>, vector<16xf32>,
    %swap3A_51 = vector.shape_cast %swap3A_50 : vector<16xf32> to vector<16xf32>
    %swap3A_52 = vector.shape_cast %broadcast_in_dim3A_48 : vector<16xf32> to vector<16xf32>
    tpu.vector_store %arg6[%swap3A_49], %swap3A_52 {strides = array<i32>} : memref<640xf32, #tpu.memory_space<vmem>>, vector<16xf32>,
    %broadcast_in_dim3A_53 = arith.constant 0.000000e+00 : f32
    %broadcast_in_dim3A_54 = vector.broadcast %broadcast_in_dim3A_53 : f32 to vector<16xf32>
    %swap3A_55 = arith.constant 16 : index
    %swap3A_56 = tpu.vector_load %arg6[%swap3A_55] {strides = array<i32>} : memref<640xf32, #tpu.memory_space<vmem>>, vector<16xf32>,
    %swap3A_57 = vector.shape_cast %swap3A_56 : vector<16xf32> to vector<16xf32>
    %swap3A_58 = vector.shape_cast %broadcast_in_dim3A_54 : vector<16xf32> to vector<16xf32>
    tpu.vector_store %arg6[%swap3A_55], %swap3A_58 {strides = array<i32>} : memref<640xf32, #tpu.memory_space<vmem>>, vector<16xf32>,
    %broadcast_in_dim3A_59 = arith.constant 0.000000e+00 : f32
    %broadcast_in_dim3A_60 = vector.broadcast %broadcast_in_dim3A_59 : f32 to vector<16xf32>
    %swap3A_61 = arith.constant 32 : index
    %swap3A_62 = tpu.vector_load %arg6[%swap3A_61] {strides = array<i32>} : memref<640xf32, #tpu.memory_space<vmem>>, vector<16xf32>,
    %swap3A_63 = vector.shape_cast %swap3A_62 : vector<16xf32> to vector<16xf32>
    %swap3A_64 = vector.shape_cast %broadcast_in_dim3A_60 : vector<16xf32> to vector<16xf32>
    tpu.vector_store %arg6[%swap3A_61], %swap3A_64 {strides = array<i32>} : memref<640xf32, #tpu.memory_space<vmem>>, vector<16xf32>,
    %broadcast_in_dim3A_65 = arith.constant 0.000000e+00 : f32
    %broadcast_in_dim3A_66 = vector.broadcast %broadcast_in_dim3A_65 : f32 to vector<16xf32>
    %swap3A_67 = arith.constant 48 : index
    %swap3A_68 = tpu.vector_load %arg6[%swap3A_67] {strides = array<i32>} : memref<640xf32, #tpu.memory_space<vmem>>, vector<16xf32>,
    %swap3A_69 = vector.shape_cast %swap3A_68 : vector<16xf32> to vector<16xf32>
    %swap3A_70 = vector.shape_cast %broadcast_in_dim3A_66 : vector<16xf32> to vector<16xf32>
    tpu.vector_store %arg6[%swap3A_67], %swap3A_70 {strides = array<i32>} : memref<640xf32, #tpu.memory_space<vmem>>, vector<16xf32>,
    %broadcast_in_dim3A_71 = arith.constant 0.000000e+00 : f32
    %broadcast_in_dim3A_72 = vector.broadcast %broadcast_in_dim3A_71 : f32 to vector<16xf32>
    %swap3A_73 = arith.constant 64 : index
    %swap3A_74 = tpu.vector_load %arg6[%swap3A_73] {strides = array<i32>} : memref<640xf32, #tpu.memory_space<vmem>>, vector<16xf32>,
    %swap3A_75 = vector.shape_cast %swap3A_74 : vector<16xf32> to vector<16xf32>
    %swap3A_76 = vector.shape_cast %broadcast_in_dim3A_72 : vector<16xf32> to vector<16xf32>
    tpu.vector_store %arg6[%swap3A_73], %swap3A_76 {strides = array<i32>} : memref<640xf32, #tpu.memory_space<vmem>>, vector<16xf32>,
    %broadcast_in_dim3A_77 = arith.constant 0.000000e+00 : f32
    %broadcast_in_dim3A_78 = vector.broadcast %broadcast_in_dim3A_77 : f32 to vector<16xf32>
    %swap3A_79 = arith.constant 80 : index
    %swap3A_80 = tpu.vector_load %arg6[%swap3A_79] {strides = array<i32>} : memref<640xf32, #tpu.memory_space<vmem>>, vector<16xf32>,
    %swap3A_81 = vector.shape_cast %swap3A_80 : vector<16xf32> to vector<16xf32>
    %swap3A_82 = vector.shape_cast %broadcast_in_dim3A_78 : vector<16xf32> to vector<16xf32>
    tpu.vector_store %arg6[%swap3A_79], %swap3A_82 {strides = array<i32>} : memref<640xf32, #tpu.memory_space<vmem>>, vector<16xf32>,
    %broadcast_in_dim3A_83 = arith.constant 0.000000e+00 : f32
    %broadcast_in_dim3A_84 = vector.broadcast %broadcast_in_dim3A_83 : f32 to vector<16xf32>
    %swap3A_85 = arith.constant 96 : index
    %swap3A_86 = tpu.vector_load %arg6[%swap3A_85] {strides = array<i32>} : memref<640xf32, #tpu.memory_space<vmem>>, vector<16xf32>,
    %swap3A_87 = vector.shape_cast %swap3A_86 : vector<16xf32> to vector<16xf32>
    %swap3A_88 = vector.shape_cast %broadcast_in_dim3A_84 : vector<16xf32> to vector<16xf32>
    tpu.vector_store %arg6[%swap3A_85], %swap3A_88 {strides = array<i32>} : memref<640xf32, #tpu.memory_space<vmem>>, vector<16xf32>,
    %broadcast_in_dim3A_89 = arith.constant 0.000000e+00 : f32
    %broadcast_in_dim3A_90 = vector.broadcast %broadcast_in_dim3A_89 : f32 to vector<16xf32>
    %swap3A_91 = arith.constant 112 : index
    %swap3A_92 = tpu.vector_load %arg6[%swap3A_91] {strides = array<i32>} : memref<640xf32, #tpu.memory_space<vmem>>, vector<16xf32>,
    %swap3A_93 = vector.shape_cast %swap3A_92 : vector<16xf32> to vector<16xf32>
    %swap3A_94 = vector.shape_cast %broadcast_in_dim3A_90 : vector<16xf32> to vector<16xf32>
    tpu.vector_store %arg6[%swap3A_91], %swap3A_94 {strides = array<i32>} : memref<640xf32, #tpu.memory_space<vmem>>, vector<16xf32>,
    %broadcast_in_dim3A_95 = arith.constant 0.000000e+00 : f32
    %broadcast_in_dim3A_96 = vector.broadcast %broadcast_in_dim3A_95 : f32 to vector<16xf32>
    %swap3A_97 = arith.constant 128 : index
    %swap3A_98 = tpu.vector_load %arg6[%swap3A_97] {strides = array<i32>} : memref<640xf32, #tpu.memory_space<vmem>>, vector<16xf32>,
    %swap3A_99 = vector.shape_cast %swap3A_98 : vector<16xf32> to vector<16xf32>
    %swap3A_100 = vector.shape_cast %broadcast_in_dim3A_96 : vector<16xf32> to vector<16xf32>
    tpu.vector_store %arg6[%swap3A_97], %swap3A_100 {strides = array<i32>} : memref<640xf32, #tpu.memory_space<vmem>>, vector<16xf32>,
    %broadcast_in_dim3A_101 = arith.constant 0.000000e+00 : f32
    %broadcast_in_dim3A_102 = vector.broadcast %broadcast_in_dim3A_101 : f32 to vector<16xf32>
    %swap3A_103 = arith.constant 144 : index
    %swap3A_104 = tpu.vector_load %arg6[%swap3A_103] {strides = array<i32>} : memref<640xf32, #tpu.memory_space<vmem>>, vector<16xf32>,
    %swap3A_105 = vector.shape_cast %swap3A_104 : vector<16xf32> to vector<16xf32>
    %swap3A_106 = vector.shape_cast %broadcast_in_dim3A_102 : vector<16xf32> to vector<16xf32>
    tpu.vector_store %arg6[%swap3A_103], %swap3A_106 {strides = array<i32>} : memref<640xf32, #tpu.memory_space<vmem>>, vector<16xf32>,
    %broadcast_in_dim3A_107 = arith.constant 0.000000e+00 : f32
    %broadcast_in_dim3A_108 = vector.broadcast %broadcast_in_dim3A_107 : f32 to vector<16xf32>
    %swap3A_109 = arith.constant 160 : index
    %swap3A_110 = tpu.vector_load %arg6[%swap3A_109] {strides = array<i32>} : memref<640xf32, #tpu.memory_space<vmem>>, vector<16xf32>,
    %swap3A_111 = vector.shape_cast %swap3A_110 : vector<16xf32> to vector<16xf32>
    %swap3A_112 = vector.shape_cast %broadcast_in_dim3A_108 : vector<16xf32> to vector<16xf32>
    tpu.vector_store %arg6[%swap3A_109], %swap3A_112 {strides = array<i32>} : memref<640xf32, #tpu.memory_space<vmem>>, vector<16xf32>,
    %broadcast_in_dim3A_113 = arith.constant 0.000000e+00 : f32
    %broadcast_in_dim3A_114 = vector.broadcast %broadcast_in_dim3A_113 : f32 to vector<16xf32>
    %swap3A_115 = arith.constant 176 : index
    %swap3A_116 = tpu.vector_load %arg6[%swap3A_115] {strides = array<i32>} : memref<640xf32, #tpu.memory_space<vmem>>, vector<16xf32>,
    %swap3A_117 = vector.shape_cast %swap3A_116 : vector<16xf32> to vector<16xf32>
    %swap3A_118 = vector.shape_cast %broadcast_in_dim3A_114 : vector<16xf32> to vector<16xf32>
    tpu.vector_store %arg6[%swap3A_115], %swap3A_118 {strides = array<i32>} : memref<640xf32, #tpu.memory_space<vmem>>, vector<16xf32>,
    %broadcast_in_dim3A_119 = arith.constant 0.000000e+00 : f32
    %broadcast_in_dim3A_120 = vector.broadcast %broadcast_in_dim3A_119 : f32 to vector<16xf32>
    %swap3A_121 = arith.constant 192 : index
    %swap3A_122 = tpu.vector_load %arg6[%swap3A_121] {strides = array<i32>} : memref<640xf32, #tpu.memory_space<vmem>>, vector<16xf32>,
    %swap3A_123 = vector.shape_cast %swap3A_122 : vector<16xf32> to vector<16xf32>
    %swap3A_124 = vector.shape_cast %broadcast_in_dim3A_120 : vector<16xf32> to vector<16xf32>
    tpu.vector_store %arg6[%swap3A_121], %swap3A_124 {strides = array<i32>} : memref<640xf32, #tpu.memory_space<vmem>>, vector<16xf32>,
    %broadcast_in_dim3A_125 = arith.constant 0.000000e+00 : f32
    %broadcast_in_dim3A_126 = vector.broadcast %broadcast_in_dim3A_125 : f32 to vector<16xf32>
    %swap3A_127 = arith.constant 208 : index
    %swap3A_128 = tpu.vector_load %arg6[%swap3A_127] {strides = array<i32>} : memref<640xf32, #tpu.memory_space<vmem>>, vector<16xf32>,
    %swap3A_129 = vector.shape_cast %swap3A_128 : vector<16xf32> to vector<16xf32>
    %swap3A_130 = vector.shape_cast %broadcast_in_dim3A_126 : vector<16xf32> to vector<16xf32>
    tpu.vector_store %arg6[%swap3A_127], %swap3A_130 {strides = array<i32>} : memref<640xf32, #tpu.memory_space<vmem>>, vector<16xf32>,
    %broadcast_in_dim3A_131 = arith.constant 0.000000e+00 : f32
    %broadcast_in_dim3A_132 = vector.broadcast %broadcast_in_dim3A_131 : f32 to vector<16xf32>
    %swap3A_133 = arith.constant 224 : index
    %swap3A_134 = tpu.vector_load %arg6[%swap3A_133] {strides = array<i32>} : memref<640xf32, #tpu.memory_space<vmem>>, vector<16xf32>,
    %swap3A_135 = vector.shape_cast %swap3A_134 : vector<16xf32> to vector<16xf32>
    %swap3A_136 = vector.shape_cast %broadcast_in_dim3A_132 : vector<16xf32> to vector<16xf32>
    tpu.vector_store %arg6[%swap3A_133], %swap3A_136 {strides = array<i32>} : memref<640xf32, #tpu.memory_space<vmem>>, vector<16xf32>,
    %broadcast_in_dim3A_137 = arith.constant 0.000000e+00 : f32
    %broadcast_in_dim3A_138 = vector.broadcast %broadcast_in_dim3A_137 : f32 to vector<16xf32>
    %swap3A_139 = arith.constant 240 : index
    %swap3A_140 = tpu.vector_load %arg6[%swap3A_139] {strides = array<i32>} : memref<640xf32, #tpu.memory_space<vmem>>, vector<16xf32>,
    %swap3A_141 = vector.shape_cast %swap3A_140 : vector<16xf32> to vector<16xf32>
    %swap3A_142 = vector.shape_cast %broadcast_in_dim3A_138 : vector<16xf32> to vector<16xf32>
    tpu.vector_store %arg6[%swap3A_139], %swap3A_142 {strides = array<i32>} : memref<640xf32, #tpu.memory_space<vmem>>, vector<16xf32>,
    %broadcast_in_dim3A_143 = arith.constant 0.000000e+00 : f32
    %broadcast_in_dim3A_144 = vector.broadcast %broadcast_in_dim3A_143 : f32 to vector<16xf32>
    %swap3A_145 = arith.constant 256 : index
    %swap3A_146 = tpu.vector_load %arg6[%swap3A_145] {strides = array<i32>} : memref<640xf32, #tpu.memory_space<vmem>>, vector<16xf32>,
    %swap3A_147 = vector.shape_cast %swap3A_146 : vector<16xf32> to vector<16xf32>
    %swap3A_148 = vector.shape_cast %broadcast_in_dim3A_144 : vector<16xf32> to vector<16xf32>
    tpu.vector_store %arg6[%swap3A_145], %swap3A_148 {strides = array<i32>} : memref<640xf32, #tpu.memory_space<vmem>>, vector<16xf32>,
    %broadcast_in_dim3A_149 = arith.constant 0.000000e+00 : f32
    %broadcast_in_dim3A_150 = vector.broadcast %broadcast_in_dim3A_149 : f32 to vector<16xf32>
    %swap3A_151 = arith.constant 272 : index
    %swap3A_152 = tpu.vector_load %arg6[%swap3A_151] {strides = array<i32>} : memref<640xf32, #tpu.memory_space<vmem>>, vector<16xf32>,
    %swap3A_153 = vector.shape_cast %swap3A_152 : vector<16xf32> to vector<16xf32>
    %swap3A_154 = vector.shape_cast %broadcast_in_dim3A_150 : vector<16xf32> to vector<16xf32>
    tpu.vector_store %arg6[%swap3A_151], %swap3A_154 {strides = array<i32>} : memref<640xf32, #tpu.memory_space<vmem>>, vector<16xf32>,
    %broadcast_in_dim3A_155 = arith.constant 0.000000e+00 : f32
    %broadcast_in_dim3A_156 = vector.broadcast %broadcast_in_dim3A_155 : f32 to vector<16xf32>
    %swap3A_157 = arith.constant 288 : index
    %swap3A_158 = tpu.vector_load %arg6[%swap3A_157] {strides = array<i32>} : memref<640xf32, #tpu.memory_space<vmem>>, vector<16xf32>,
    %swap3A_159 = vector.shape_cast %swap3A_158 : vector<16xf32> to vector<16xf32>
    %swap3A_160 = vector.shape_cast %broadcast_in_dim3A_156 : vector<16xf32> to vector<16xf32>
    tpu.vector_store %arg6[%swap3A_157], %swap3A_160 {strides = array<i32>} : memref<640xf32, #tpu.memory_space<vmem>>, vector<16xf32>,
    %broadcast_in_dim3A_161 = arith.constant 0.000000e+00 : f32
    %broadcast_in_dim3A_162 = vector.broadcast %broadcast_in_dim3A_161 : f32 to vector<16xf32>
    %swap3A_163 = arith.constant 304 : index
    %swap3A_164 = tpu.vector_load %arg6[%swap3A_163] {strides = array<i32>} : memref<640xf32, #tpu.memory_space<vmem>>, vector<16xf32>,
    %swap3A_165 = vector.shape_cast %swap3A_164 : vector<16xf32> to vector<16xf32>
    %swap3A_166 = vector.shape_cast %broadcast_in_dim3A_162 : vector<16xf32> to vector<16xf32>
    tpu.vector_store %arg6[%swap3A_163], %swap3A_166 {strides = array<i32>} : memref<640xf32, #tpu.memory_space<vmem>>, vector<16xf32>,
    %broadcast_in_dim3A_167 = arith.constant 0.000000e+00 : f32
    %broadcast_in_dim3A_168 = vector.broadcast %broadcast_in_dim3A_167 : f32 to vector<16xf32>
    %swap3A_169 = arith.constant 320 : index
    %swap3A_170 = tpu.vector_load %arg6[%swap3A_169] {strides = array<i32>} : memref<640xf32, #tpu.memory_space<vmem>>, vector<16xf32>,
    %swap3A_171 = vector.shape_cast %swap3A_170 : vector<16xf32> to vector<16xf32>
    %swap3A_172 = vector.shape_cast %broadcast_in_dim3A_168 : vector<16xf32> to vector<16xf32>
    tpu.vector_store %arg6[%swap3A_169], %swap3A_172 {strides = array<i32>} : memref<640xf32, #tpu.memory_space<vmem>>, vector<16xf32>,
    %broadcast_in_dim3A_173 = arith.constant 0.000000e+00 : f32
    %broadcast_in_dim3A_174 = vector.broadcast %broadcast_in_dim3A_173 : f32 to vector<16xf32>
    %swap3A_175 = arith.constant 336 : index
    %swap3A_176 = tpu.vector_load %arg6[%swap3A_175] {strides = array<i32>} : memref<640xf32, #tpu.memory_space<vmem>>, vector<16xf32>,
    %swap3A_177 = vector.shape_cast %swap3A_176 : vector<16xf32> to vector<16xf32>
    %swap3A_178 = vector.shape_cast %broadcast_in_dim3A_174 : vector<16xf32> to vector<16xf32>
    tpu.vector_store %arg6[%swap3A_175], %swap3A_178 {strides = array<i32>} : memref<640xf32, #tpu.memory_space<vmem>>, vector<16xf32>,
    %broadcast_in_dim3A_179 = arith.constant 0.000000e+00 : f32
    %broadcast_in_dim3A_180 = vector.broadcast %broadcast_in_dim3A_179 : f32 to vector<16xf32>
    %swap3A_181 = arith.constant 352 : index
    %swap3A_182 = tpu.vector_load %arg6[%swap3A_181] {strides = array<i32>} : memref<640xf32, #tpu.memory_space<vmem>>, vector<16xf32>,
    %swap3A_183 = vector.shape_cast %swap3A_182 : vector<16xf32> to vector<16xf32>
    %swap3A_184 = vector.shape_cast %broadcast_in_dim3A_180 : vector<16xf32> to vector<16xf32>
    tpu.vector_store %arg6[%swap3A_181], %swap3A_184 {strides = array<i32>} : memref<640xf32, #tpu.memory_space<vmem>>, vector<16xf32>,
    %broadcast_in_dim3A_185 = arith.constant 0.000000e+00 : f32
    %broadcast_in_dim3A_186 = vector.broadcast %broadcast_in_dim3A_185 : f32 to vector<16xf32>
    %swap3A_187 = arith.constant 368 : index
    %swap3A_188 = tpu.vector_load %arg6[%swap3A_187] {strides = array<i32>} : memref<640xf32, #tpu.memory_space<vmem>>, vector<16xf32>,
    %swap3A_189 = vector.shape_cast %swap3A_188 : vector<16xf32> to vector<16xf32>
    %swap3A_190 = vector.shape_cast %broadcast_in_dim3A_186 : vector<16xf32> to vector<16xf32>
    tpu.vector_store %arg6[%swap3A_187], %swap3A_190 {strides = array<i32>} : memref<640xf32, #tpu.memory_space<vmem>>, vector<16xf32>,
    %broadcast_in_dim3A_191 = arith.constant 0.000000e+00 : f32
    %broadcast_in_dim3A_192 = vector.broadcast %broadcast_in_dim3A_191 : f32 to vector<16xf32>
    %swap3A_193 = arith.constant 384 : index
    %swap3A_194 = tpu.vector_load %arg6[%swap3A_193] {strides = array<i32>} : memref<640xf32, #tpu.memory_space<vmem>>, vector<16xf32>,
    %swap3A_195 = vector.shape_cast %swap3A_194 : vector<16xf32> to vector<16xf32>
    %swap3A_196 = vector.shape_cast %broadcast_in_dim3A_192 : vector<16xf32> to vector<16xf32>
    tpu.vector_store %arg6[%swap3A_193], %swap3A_196 {strides = array<i32>} : memref<640xf32, #tpu.memory_space<vmem>>, vector<16xf32>,
    %broadcast_in_dim3A_197 = arith.constant 0.000000e+00 : f32
    %broadcast_in_dim3A_198 = vector.broadcast %broadcast_in_dim3A_197 : f32 to vector<16xf32>
    %swap3A_199 = arith.constant 400 : index
    %swap3A_200 = tpu.vector_load %arg6[%swap3A_199] {strides = array<i32>} : memref<640xf32, #tpu.memory_space<vmem>>, vector<16xf32>,
    %swap3A_201 = vector.shape_cast %swap3A_200 : vector<16xf32> to vector<16xf32>
    %swap3A_202 = vector.shape_cast %broadcast_in_dim3A_198 : vector<16xf32> to vector<16xf32>
    tpu.vector_store %arg6[%swap3A_199], %swap3A_202 {strides = array<i32>} : memref<640xf32, #tpu.memory_space<vmem>>, vector<16xf32>,
    %broadcast_in_dim3A_203 = arith.constant 0.000000e+00 : f32
    %broadcast_in_dim3A_204 = vector.broadcast %broadcast_in_dim3A_203 : f32 to vector<16xf32>
    %swap3A_205 = arith.constant 416 : index
    %swap3A_206 = tpu.vector_load %arg6[%swap3A_205] {strides = array<i32>} : memref<640xf32, #tpu.memory_space<vmem>>, vector<16xf32>,
    %swap3A_207 = vector.shape_cast %swap3A_206 : vector<16xf32> to vector<16xf32>
    %swap3A_208 = vector.shape_cast %broadcast_in_dim3A_204 : vector<16xf32> to vector<16xf32>
    tpu.vector_store %arg6[%swap3A_205], %swap3A_208 {strides = array<i32>} : memref<640xf32, #tpu.memory_space<vmem>>, vector<16xf32>,
    %broadcast_in_dim3A_209 = arith.constant 0.000000e+00 : f32
    %broadcast_in_dim3A_210 = vector.broadcast %broadcast_in_dim3A_209 : f32 to vector<16xf32>
    %swap3A_211 = arith.constant 432 : index
    %swap3A_212 = tpu.vector_load %arg6[%swap3A_211] {strides = array<i32>} : memref<640xf32, #tpu.memory_space<vmem>>, vector<16xf32>,
    %swap3A_213 = vector.shape_cast %swap3A_212 : vector<16xf32> to vector<16xf32>
    %swap3A_214 = vector.shape_cast %broadcast_in_dim3A_210 : vector<16xf32> to vector<16xf32>
    tpu.vector_store %arg6[%swap3A_211], %swap3A_214 {strides = array<i32>} : memref<640xf32, #tpu.memory_space<vmem>>, vector<16xf32>,
    %broadcast_in_dim3A_215 = arith.constant 0.000000e+00 : f32
    %broadcast_in_dim3A_216 = vector.broadcast %broadcast_in_dim3A_215 : f32 to vector<16xf32>
    %swap3A_217 = arith.constant 448 : index
    %swap3A_218 = tpu.vector_load %arg6[%swap3A_217] {strides = array<i32>} : memref<640xf32, #tpu.memory_space<vmem>>, vector<16xf32>,
    %swap3A_219 = vector.shape_cast %swap3A_218 : vector<16xf32> to vector<16xf32>
    %swap3A_220 = vector.shape_cast %broadcast_in_dim3A_216 : vector<16xf32> to vector<16xf32>
    tpu.vector_store %arg6[%swap3A_217], %swap3A_220 {strides = array<i32>} : memref<640xf32, #tpu.memory_space<vmem>>, vector<16xf32>,
    %broadcast_in_dim3A_221 = arith.constant 0.000000e+00 : f32
    %broadcast_in_dim3A_222 = vector.broadcast %broadcast_in_dim3A_221 : f32 to vector<16xf32>
    %swap3A_223 = arith.constant 464 : index
    %swap3A_224 = tpu.vector_load %arg6[%swap3A_223] {strides = array<i32>} : memref<640xf32, #tpu.memory_space<vmem>>, vector<16xf32>,
    %swap3A_225 = vector.shape_cast %swap3A_224 : vector<16xf32> to vector<16xf32>
    %swap3A_226 = vector.shape_cast %broadcast_in_dim3A_222 : vector<16xf32> to vector<16xf32>
    tpu.vector_store %arg6[%swap3A_223], %swap3A_226 {strides = array<i32>} : memref<640xf32, #tpu.memory_space<vmem>>, vector<16xf32>,
    %broadcast_in_dim3A_227 = arith.constant 0.000000e+00 : f32
    %broadcast_in_dim3A_228 = vector.broadcast %broadcast_in_dim3A_227 : f32 to vector<16xf32>
    %swap3A_229 = arith.constant 480 : index
    %swap3A_230 = tpu.vector_load %arg6[%swap3A_229] {strides = array<i32>} : memref<640xf32, #tpu.memory_space<vmem>>, vector<16xf32>,
    %swap3A_231 = vector.shape_cast %swap3A_230 : vector<16xf32> to vector<16xf32>
    %swap3A_232 = vector.shape_cast %broadcast_in_dim3A_228 : vector<16xf32> to vector<16xf32>
    tpu.vector_store %arg6[%swap3A_229], %swap3A_232 {strides = array<i32>} : memref<640xf32, #tpu.memory_space<vmem>>, vector<16xf32>,
    %broadcast_in_dim3A_233 = arith.constant 0.000000e+00 : f32
    %broadcast_in_dim3A_234 = vector.broadcast %broadcast_in_dim3A_233 : f32 to vector<16xf32>
    %swap3A_235 = arith.constant 496 : index
    %swap3A_236 = tpu.vector_load %arg6[%swap3A_235] {strides = array<i32>} : memref<640xf32, #tpu.memory_space<vmem>>, vector<16xf32>,
    %swap3A_237 = vector.shape_cast %swap3A_236 : vector<16xf32> to vector<16xf32>
    %swap3A_238 = vector.shape_cast %broadcast_in_dim3A_234 : vector<16xf32> to vector<16xf32>
    tpu.vector_store %arg6[%swap3A_235], %swap3A_238 {strides = array<i32>} : memref<640xf32, #tpu.memory_space<vmem>>, vector<16xf32>,
    %broadcast_in_dim3A_239 = arith.constant 0.000000e+00 : f32
    %broadcast_in_dim3A_240 = vector.broadcast %broadcast_in_dim3A_239 : f32 to vector<16xf32>
    %swap3A_241 = arith.constant 512 : index
    %swap3A_242 = tpu.vector_load %arg6[%swap3A_241] {strides = array<i32>} : memref<640xf32, #tpu.memory_space<vmem>>, vector<16xf32>,
    %swap3A_243 = vector.shape_cast %swap3A_242 : vector<16xf32> to vector<16xf32>
    %swap3A_244 = vector.shape_cast %broadcast_in_dim3A_240 : vector<16xf32> to vector<16xf32>
    tpu.vector_store %arg6[%swap3A_241], %swap3A_244 {strides = array<i32>} : memref<640xf32, #tpu.memory_space<vmem>>, vector<16xf32>,
    %broadcast_in_dim3A_245 = arith.constant 0.000000e+00 : f32
    %broadcast_in_dim3A_246 = vector.broadcast %broadcast_in_dim3A_245 : f32 to vector<16xf32>
    %swap3A_247 = arith.constant 528 : index
    %swap3A_248 = tpu.vector_load %arg6[%swap3A_247] {strides = array<i32>} : memref<640xf32, #tpu.memory_space<vmem>>, vector<16xf32>,
    %swap3A_249 = vector.shape_cast %swap3A_248 : vector<16xf32> to vector<16xf32>
    %swap3A_250 = vector.shape_cast %broadcast_in_dim3A_246 : vector<16xf32> to vector<16xf32>
    tpu.vector_store %arg6[%swap3A_247], %swap3A_250 {strides = array<i32>} : memref<640xf32, #tpu.memory_space<vmem>>, vector<16xf32>,
    %broadcast_in_dim3A_251 = arith.constant 0.000000e+00 : f32
    %broadcast_in_dim3A_252 = vector.broadcast %broadcast_in_dim3A_251 : f32 to vector<16xf32>
    %swap3A_253 = arith.constant 544 : index
    %swap3A_254 = tpu.vector_load %arg6[%swap3A_253] {strides = array<i32>} : memref<640xf32, #tpu.memory_space<vmem>>, vector<16xf32>,
    %swap3A_255 = vector.shape_cast %swap3A_254 : vector<16xf32> to vector<16xf32>
    %swap3A_256 = vector.shape_cast %broadcast_in_dim3A_252 : vector<16xf32> to vector<16xf32>
    tpu.vector_store %arg6[%swap3A_253], %swap3A_256 {strides = array<i32>} : memref<640xf32, #tpu.memory_space<vmem>>, vector<16xf32>,
    %broadcast_in_dim3A_257 = arith.constant 0.000000e+00 : f32
    %broadcast_in_dim3A_258 = vector.broadcast %broadcast_in_dim3A_257 : f32 to vector<16xf32>
    %swap3A_259 = arith.constant 560 : index
    %swap3A_260 = tpu.vector_load %arg6[%swap3A_259] {strides = array<i32>} : memref<640xf32, #tpu.memory_space<vmem>>, vector<16xf32>,
    %swap3A_261 = vector.shape_cast %swap3A_260 : vector<16xf32> to vector<16xf32>
    %swap3A_262 = vector.shape_cast %broadcast_in_dim3A_258 : vector<16xf32> to vector<16xf32>
    tpu.vector_store %arg6[%swap3A_259], %swap3A_262 {strides = array<i32>} : memref<640xf32, #tpu.memory_space<vmem>>, vector<16xf32>,
    %broadcast_in_dim3A_263 = arith.constant 0.000000e+00 : f32
    %broadcast_in_dim3A_264 = vector.broadcast %broadcast_in_dim3A_263 : f32 to vector<16xf32>
    %swap3A_265 = arith.constant 576 : index
    %swap3A_266 = tpu.vector_load %arg6[%swap3A_265] {strides = array<i32>} : memref<640xf32, #tpu.memory_space<vmem>>, vector<16xf32>,
    %swap3A_267 = vector.shape_cast %swap3A_266 : vector<16xf32> to vector<16xf32>
    %swap3A_268 = vector.shape_cast %broadcast_in_dim3A_264 : vector<16xf32> to vector<16xf32>
    tpu.vector_store %arg6[%swap3A_265], %swap3A_268 {strides = array<i32>} : memref<640xf32, #tpu.memory_space<vmem>>, vector<16xf32>,
    %broadcast_in_dim3A_269 = arith.constant 0.000000e+00 : f32
    %broadcast_in_dim3A_270 = vector.broadcast %broadcast_in_dim3A_269 : f32 to vector<16xf32>
    %swap3A_271 = arith.constant 592 : index
    %swap3A_272 = tpu.vector_load %arg6[%swap3A_271] {strides = array<i32>} : memref<640xf32, #tpu.memory_space<vmem>>, vector<16xf32>,
    %swap3A_273 = vector.shape_cast %swap3A_272 : vector<16xf32> to vector<16xf32>
    %swap3A_274 = vector.shape_cast %broadcast_in_dim3A_270 : vector<16xf32> to vector<16xf32>
    tpu.vector_store %arg6[%swap3A_271], %swap3A_274 {strides = array<i32>} : memref<640xf32, #tpu.memory_space<vmem>>, vector<16xf32>,
    %broadcast_in_dim3A_275 = arith.constant 0.000000e+00 : f32
    %broadcast_in_dim3A_276 = vector.broadcast %broadcast_in_dim3A_275 : f32 to vector<16xf32>
    %swap3A_277 = arith.constant 608 : index
    %swap3A_278 = tpu.vector_load %arg6[%swap3A_277] {strides = array<i32>} : memref<640xf32, #tpu.memory_space<vmem>>, vector<16xf32>,
    %swap3A_279 = vector.shape_cast %swap3A_278 : vector<16xf32> to vector<16xf32>
    %swap3A_280 = vector.shape_cast %broadcast_in_dim3A_276 : vector<16xf32> to vector<16xf32>
    tpu.vector_store %arg6[%swap3A_277], %swap3A_280 {strides = array<i32>} : memref<640xf32, #tpu.memory_space<vmem>>, vector<16xf32>,
    %broadcast_in_dim3A_281 = arith.constant 0.000000e+00 : f32
    %broadcast_in_dim3A_282 = vector.broadcast %broadcast_in_dim3A_281 : f32 to vector<16xf32>
    %swap3A_283 = arith.constant 624 : index
    %swap3A_284 = tpu.vector_load %arg6[%swap3A_283] {strides = array<i32>} : memref<640xf32, #tpu.memory_space<vmem>>, vector<16xf32>,
    %swap3A_285 = vector.shape_cast %swap3A_284 : vector<16xf32> to vector<16xf32>
    %swap3A_286 = vector.shape_cast %broadcast_in_dim3A_282 : vector<16xf32> to vector<16xf32>
    tpu.vector_store %arg6[%swap3A_283], %swap3A_286 {strides = array<i32>} : memref<640xf32, #tpu.memory_space<vmem>>, vector<16xf32>,
    %mul3A_287 = arith.constant 640 : i32
    %mul3A_288 = arith.muli %arg1, %mul3A_287 : i32
    %multiple_of3A = tpu.assume_multiple %mul3A_288, 640 : i32
    "tpu.region"() ({
      %run_scoped3A_303 = tpu.sem_alloc : memref<!tpu.dma_semaphore, #tpu.memory_space<semaphore_mem>>
      %dma_start3A = tpu.memref_slice %arg7[%multiple_of3A] : memref<10240xf32, #tpu.memory_space<vmem_shared>> -> memref<640xf32, #tpu.memory_space<vmem_shared>>
      %dma_start3A_304 = tpu.memref_slice %arg7[%multiple_of3A] : memref<10240xf32, #tpu.memory_space<vmem_shared>> -> memref<640xf32, #tpu.memory_space<vmem_shared>>
      tpu.enqueue_dma source(%arg6 : memref<640xf32, #tpu.memory_space<vmem>>) target(%dma_start3A_304 : memref<640xf32, #tpu.memory_space<vmem_shared>>) target_semaphore(%run_scoped3A_303 : memref<!tpu.dma_semaphore, #tpu.memory_space<semaphore_mem>>)
      %dma_wait3A = tpu.memref_slice %arg7[%multiple_of3A] : memref<10240xf32, #tpu.memory_space<vmem_shared>> -> memref<640xf32, #tpu.memory_space<vmem_shared>>
      %dma_wait3A_305 = tpu.memref_slice %arg7[%multiple_of3A] : memref<10240xf32, #tpu.memory_space<vmem_shared>> -> memref<640xf32, #tpu.memory_space<vmem_shared>>
      tpu.wait_dma2 semaphore(%run_scoped3A_303 : memref<!tpu.dma_semaphore, #tpu.memory_space<semaphore_mem>>) src(%arg6 : memref<640xf32, #tpu.memory_space<vmem>>) dst(%dma_wait3A_305 : memref<640xf32, #tpu.memory_space<vmem_shared>>)
      tpu.yield
    }) : () -> ()
    %barrier3A = arith.constant 0 : index
    tpu.barrier barrier_id(%barrier3A)
    %run_scoped3A = arith.constant 1 : i32
    "tpu.region"() ({
      %run_scoped3A_303 = tpu.sem_alloc : memref<!tpu.dma_semaphore, #tpu.memory_space<semaphore_mem>>
      %dma_start3A = arith.constant 0 : i32
      %dma_start3A_304 = arith.constant 0 : i32
      %dma_start3A_305 = tpu.memref_slice %arg2[%run_scoped3A, %add3A, %dma_start3A, %dma_start3A_304] : memref<2x32x79x128xi32, #tpu.memory_space<hbm>> -> memref<1x1x79x128xi32, #tpu.memory_space<hbm>>
      %dma_start3A_306 = tpu.memref_squeeze %dma_start3A_305 : memref<1x1x79x128xi32, #tpu.memory_space<hbm>> -> memref<79x128xi32, #tpu.memory_space<hbm>>
      %dma_start3A_307 = arith.constant 0 : i32
      %dma_start3A_308 = arith.constant 0 : i32
      %dma_start3A_309 = tpu.memref_slice %arg2[%run_scoped3A, %add3A, %dma_start3A_307, %dma_start3A_308] : memref<2x32x79x128xi32, #tpu.memory_space<hbm>> -> memref<1x1x79x128xi32, #tpu.memory_space<hbm>>
      %dma_start3A_310 = tpu.memref_squeeze %dma_start3A_309 : memref<1x1x79x128xi32, #tpu.memory_space<hbm>> -> memref<79x128xi32, #tpu.memory_space<hbm>>
      tpu.enqueue_dma source(%dma_start3A_310 : memref<79x128xi32, #tpu.memory_space<hbm>>) target(%arg4 : memref<79x128xi32, #tpu.memory_space<vmem>>) target_semaphore(%run_scoped3A_303 : memref<!tpu.dma_semaphore, #tpu.memory_space<semaphore_mem>>)
      %dma_wait3A = arith.constant 0 : i32
      %dma_wait3A_311 = arith.constant 0 : i32
      %dma_wait3A_312 = tpu.memref_slice %arg2[%run_scoped3A, %add3A, %dma_wait3A, %dma_wait3A_311] : memref<2x32x79x128xi32, #tpu.memory_space<hbm>> -> memref<1x1x79x128xi32, #tpu.memory_space<hbm>>
      %dma_wait3A_313 = tpu.memref_squeeze %dma_wait3A_312 : memref<1x1x79x128xi32, #tpu.memory_space<hbm>> -> memref<79x128xi32, #tpu.memory_space<hbm>>
      %dma_wait3A_314 = arith.constant 0 : i32
      %dma_wait3A_315 = arith.constant 0 : i32
      %dma_wait3A_316 = tpu.memref_slice %arg2[%run_scoped3A, %add3A, %dma_wait3A_314, %dma_wait3A_315] : memref<2x32x79x128xi32, #tpu.memory_space<hbm>> -> memref<1x1x79x128xi32, #tpu.memory_space<hbm>>
      %dma_wait3A_317 = tpu.memref_squeeze %dma_wait3A_316 : memref<1x1x79x128xi32, #tpu.memory_space<hbm>> -> memref<79x128xi32, #tpu.memory_space<hbm>>
      tpu.wait_dma2 semaphore(%run_scoped3A_303 : memref<!tpu.dma_semaphore, #tpu.memory_space<semaphore_mem>>) src(%dma_wait3A_317 : memref<79x128xi32, #tpu.memory_space<hbm>>) dst(%arg4 : memref<79x128xi32, #tpu.memory_space<vmem>>)
      tpu.yield
    }) : () -> ()
    %scan3A = arith.constant 0 : i32
    %scan3A_289 = arith.constant 0 : i32
    %scan3A_290 = arith.constant 79 : i32
    %scan3A_291 = arith.addi %scan3A_289, %scan3A_290 : i32
    %scan3A_292 = arith.constant 1 : i32
    %scan3A_293 = scf.for %scan3A_303 = %scan3A_289 to %scan3A_291 step %scan3A_292 iter_args(%scan3A_304 = %scan3A) -> (i32)  : i32 {
      %dma_start3A = arith.constant 0 : i32
      %dma_start3A_305 = tpu.memref_slice %arg4[%scan3A_303, %dma_start3A] : memref<79x128xi32, #tpu.memory_space<vmem>> -> memref<1x128xi32, #tpu.memory_space<vmem>>
      %dma_start3A_306 = tpu.memref_squeeze %dma_start3A_305 : memref<1x128xi32, #tpu.memory_space<vmem>> -> memref<128xi32, #tpu.memory_space<vmem>>
      %dma_start3A_307 = arith.constant 0 : i32
      %dma_start3A_308 = tpu.memref_slice %arg7[%dma_start3A_307] : memref<10240xf32, #tpu.memory_space<vmem_shared>> -> memref<10240xf32, #tpu.memory_space<vmem_shared>>
      tpu.enqueue_indirect_dma source(%arg5 : memref<128xf32, #tpu.memory_space<vmem>>) target(%dma_start3A_308 : memref<10240xf32, #tpu.memory_space<vmem_shared>>) offsets(%dma_start3A_306 : memref<128xi32, #tpu.memory_space<vmem>>) semaphore(%arg8 : memref<!tpu.dma_semaphore, #tpu.memory_space<semaphore_mem>>) {add = true}
      %scan3A_309 = arith.constant 0 : i32
      scf.yield %scan3A_309 : i32
    }
    %scan3A_294 = arith.constant 79 : i32
    %scan3A_295 = arith.constant 0 : i32
    %scan3A_296 = arith.constant 0 : i32
    %scan3A_297 = arith.constant 79 : i32
    %scan3A_298 = arith.addi %scan3A_296, %scan3A_297 : i32
    %scan3A_299 = arith.constant 1 : i32
    %scan3A_300 = scf.for %scan3A_303 = %scan3A_296 to %scan3A_298 step %scan3A_299 iter_args(%scan3A_304 = %scan3A_295) -> (i32)  : i32 {
      %dma_wait3A = arith.constant 0 : i32
      %dma_wait3A_305 = arith.constant 0 : i32
      %dma_wait3A_306 = tpu.memref_slice %arg4[%dma_wait3A, %dma_wait3A_305] : memref<79x128xi32, #tpu.memory_space<vmem>> -> memref<1x128xi32, #tpu.memory_space<vmem>>
      %dma_wait3A_307 = tpu.memref_squeeze %dma_wait3A_306 : memref<1x128xi32, #tpu.memory_space<vmem>> -> memref<128xi32, #tpu.memory_space<vmem>>
      %dma_wait3A_308 = arith.constant 0 : i32
      %dma_wait3A_309 = tpu.memref_slice %arg7[%dma_wait3A_308] : memref<10240xf32, #tpu.memory_space<vmem_shared>> -> memref<10240xf32, #tpu.memory_space<vmem_shared>>
      tpu.wait_indirect_dma semaphore(%arg8 : memref<!tpu.dma_semaphore, #tpu.memory_space<semaphore_mem>>) src(%arg5 : memref<128xf32, #tpu.memory_space<vmem>>) dst(%dma_wait3A_309 : memref<10240xf32, #tpu.memory_space<vmem_shared>>)
      %scan3A_310 = arith.constant 0 : i32
      scf.yield %scan3A_310 : i32
    }
    %scan3A_301 = arith.constant 79 : i32
    %barrier3A_302 = arith.constant 0 : index
    tpu.barrier barrier_id(%barrier3A_302)
    "tpu.region"() ({
      %run_scoped3A_303 = tpu.sem_alloc : memref<!tpu.dma_semaphore, #tpu.memory_space<semaphore_mem>>
      %dma_start3A = tpu.memref_slice %arg3[%arg0, %multiple_of3A] : memref<2x10240xf32, #tpu.memory_space<hbm>> -> memref<1x640xf32, #tpu.memory_space<hbm>>
      %dma_start3A_304 = tpu.memref_squeeze %dma_start3A : memref<1x640xf32, #tpu.memory_space<hbm>> -> memref<640xf32, #tpu.memory_space<hbm>>
      %dma_start3A_305 = tpu.memref_slice %arg7[%multiple_of3A] : memref<10240xf32, #tpu.memory_space<vmem_shared>> -> memref<640xf32, #tpu.memory_space<vmem_shared>>
      tpu.enqueue_dma source(%dma_start3A_305 : memref<640xf32, #tpu.memory_space<vmem_shared>>) target(%dma_start3A_304 : memref<640xf32, #tpu.memory_space<hbm>>) target_semaphore(%run_scoped3A_303 : memref<!tpu.dma_semaphore, #tpu.memory_space<semaphore_mem>>)
      %dma_wait3A = tpu.memref_slice %arg3[%arg0, %multiple_of3A] : memref<2x10240xf32, #tpu.memory_space<hbm>> -> memref<1x640xf32, #tpu.memory_space<hbm>>
      %dma_wait3A_306 = tpu.memref_squeeze %dma_wait3A : memref<1x640xf32, #tpu.memory_space<hbm>> -> memref<640xf32, #tpu.memory_space<hbm>>
      %dma_wait3A_307 = tpu.memref_slice %arg7[%multiple_of3A] : memref<10240xf32, #tpu.memory_space<vmem_shared>> -> memref<640xf32, #tpu.memory_space<vmem_shared>>
      tpu.wait_dma2 semaphore(%run_scoped3A_303 : memref<!tpu.dma_semaphore, #tpu.memory_space<semaphore_mem>>) src(%dma_wait3A_307 : memref<640xf32, #tpu.memory_space<vmem_shared>>) dst(%dma_wait3A_306 : memref<640xf32, #tpu.memory_space<hbm>>)
      tpu.yield
    }) : () -> ()
    return
  }
}

#map = affine_map<(d0, d1) -> (0, 0, 0, 0)>
#map1 = affine_map<(d0, d1) -> (0, 0)>
#map2 = affine_map<(d0, d1) -> (0, 0, 0)>
module attributes {stable_mosaic.version = 14 : i64} {
  func.func @k(%arg0: i32, %arg1: i32, %arg2: memref<2x32x79x128xi32, #tpu.memory_space<hbm>>, %arg3: memref<10000x48xf32, #tpu.memory_space<hbm>>, %arg4: memref<2x10240x48xf32, #tpu.memory_space<hbm>>, %arg5: memref<79x128xi32, #tpu.memory_space<vmem>>, %arg6: memref<79x128xi32, #tpu.memory_space<vmem>>, %arg7: memref<8x128x48xf32, #tpu.memory_space<vmem>>, %arg8: memref<128x48xf32, #tpu.memory_space<vmem>>, %arg9: memref<10240x48xf32, #tpu.memory_space<vmem_shared>>, %arg10: memref<8x!tpu.dma_semaphore, #tpu.memory_space<semaphore_mem>>, %arg11: memref<8x!tpu.dma_semaphore, #tpu.memory_space<semaphore_mem>>) attributes {dimension_semantics = [#tpu.dimension_semantics<core_parallel>, #tpu.dimension_semantics<subcore_parallel>], iteration_bounds = array<i64: 2, 16>, scalar_prefetch = 0 : i64, scratch_operands = 7 : i64, tpu.core_type = #tpu.core_type<sc_vector_subcore>, window_params = [{transform_indices = #map}, {transform_indices = #map1}, {transform_indices = #map2}]} {
    %mul3A = arith.constant 16 : i32
    %mul3A_0 = arith.muli %arg0, %mul3A : i32
    %add3A = arith.addi %mul3A_0, %arg1 : i32
    %scan3A = arith.constant 0 : i32
    %scan3A_1 = arith.constant 0 : i32
    %scan3A_2 = arith.constant 128 : i32
    %scan3A_3 = arith.addi %scan3A_1, %scan3A_2 : i32
    %scan3A_4 = arith.constant 1 : i32
    %scan3A_5 = scf.for %scan3A_209 = %scan3A_1 to %scan3A_3 step %scan3A_4 iter_args(%scan3A_210 = %scan3A) -> (i32)  : i32 {
      %broadcast_in_dim3A = arith.constant 0.000000e+00 : f32
      %broadcast_in_dim3A_211 = vector.broadcast %broadcast_in_dim3A : f32 to vector<16xf32>
      %swap3A = arith.index_cast %scan3A_209 : i32 to index
      %swap3A_212 = arith.constant 0 : index
      %swap3A_213 = tpu.vector_load %arg8[%swap3A, %swap3A_212] {strides = array<i32>} : memref<128x48xf32, #tpu.memory_space<vmem>>, vector<1x16xf32>,
      %swap3A_214 = vector.shape_cast %swap3A_213 : vector<1x16xf32> to vector<16xf32>
      %swap3A_215 = vector.shape_cast %broadcast_in_dim3A_211 : vector<16xf32> to vector<1x16xf32>
      tpu.vector_store %arg8[%swap3A, %swap3A_212], %swap3A_215 {strides = array<i32>} : memref<128x48xf32, #tpu.memory_space<vmem>>, vector<1x16xf32>,
      %broadcast_in_dim3A_216 = arith.constant 0.000000e+00 : f32
      %broadcast_in_dim3A_217 = vector.broadcast %broadcast_in_dim3A_216 : f32 to vector<16xf32>
      %swap3A_218 = arith.index_cast %scan3A_209 : i32 to index
      %swap3A_219 = arith.constant 16 : index
      %swap3A_220 = tpu.vector_load %arg8[%swap3A_218, %swap3A_219] {strides = array<i32>} : memref<128x48xf32, #tpu.memory_space<vmem>>, vector<1x16xf32>,
      %swap3A_221 = vector.shape_cast %swap3A_220 : vector<1x16xf32> to vector<16xf32>
      %swap3A_222 = vector.shape_cast %broadcast_in_dim3A_217 : vector<16xf32> to vector<1x16xf32>
      tpu.vector_store %arg8[%swap3A_218, %swap3A_219], %swap3A_222 {strides = array<i32>} : memref<128x48xf32, #tpu.memory_space<vmem>>, vector<1x16xf32>,
      %broadcast_in_dim3A_223 = arith.constant 0.000000e+00 : f32
      %broadcast_in_dim3A_224 = vector.broadcast %broadcast_in_dim3A_223 : f32 to vector<16xf32>
      %swap3A_225 = arith.index_cast %scan3A_209 : i32 to index
      %swap3A_226 = arith.constant 32 : index
      %swap3A_227 = tpu.vector_load %arg8[%swap3A_225, %swap3A_226] {strides = array<i32>} : memref<128x48xf32, #tpu.memory_space<vmem>>, vector<1x16xf32>,
      %swap3A_228 = vector.shape_cast %swap3A_227 : vector<1x16xf32> to vector<16xf32>
      %swap3A_229 = vector.shape_cast %broadcast_in_dim3A_224 : vector<16xf32> to vector<1x16xf32>
      tpu.vector_store %arg8[%swap3A_225, %swap3A_226], %swap3A_229 {strides = array<i32>} : memref<128x48xf32, #tpu.memory_space<vmem>>, vector<1x16xf32>,
      %scan3A_230 = arith.constant 0 : i32
      scf.yield %scan3A_230 : i32
    }
    %scan3A_6 = arith.constant 128 : i32
    %mul3A_7 = arith.constant 640 : i32
    %mul3A_8 = arith.muli %arg1, %mul3A_7 : i32
    %multiple_of3A = tpu.assume_multiple %mul3A_8, 640 : i32
    %add3A_9 = arith.constant 0 : i32
    %add3A_10 = arith.addi %multiple_of3A, %add3A_9 : i32
    "tpu.region"() ({
      %run_scoped3A_209 = tpu.sem_alloc : memref<!tpu.dma_semaphore, #tpu.memory_space<semaphore_mem>>
      %dma_start3A_210 = arith.constant 0 : i32
      %dma_start3A_211 = tpu.memref_slice %arg9[%add3A_10, %dma_start3A_210] : memref<10240x48xf32, #tpu.memory_space<vmem_shared>> -> memref<128x48xf32, #tpu.memory_space<vmem_shared>>
      %dma_start3A_212 = arith.constant 0 : i32
      %dma_start3A_213 = tpu.memref_slice %arg9[%add3A_10, %dma_start3A_212] : memref<10240x48xf32, #tpu.memory_space<vmem_shared>> -> memref<128x48xf32, #tpu.memory_space<vmem_shared>>
      tpu.enqueue_dma source(%arg8 : memref<128x48xf32, #tpu.memory_space<vmem>>) target(%dma_start3A_213 : memref<128x48xf32, #tpu.memory_space<vmem_shared>>) target_semaphore(%run_scoped3A_209 : memref<!tpu.dma_semaphore, #tpu.memory_space<semaphore_mem>>)
      %dma_wait3A_214 = arith.constant 0 : i32
      %dma_wait3A_215 = tpu.memref_slice %arg9[%add3A_10, %dma_wait3A_214] : memref<10240x48xf32, #tpu.memory_space<vmem_shared>> -> memref<128x48xf32, #tpu.memory_space<vmem_shared>>
      %dma_wait3A_216 = arith.constant 0 : i32
      %dma_wait3A_217 = tpu.memref_slice %arg9[%add3A_10, %dma_wait3A_216] : memref<10240x48xf32, #tpu.memory_space<vmem_shared>> -> memref<128x48xf32, #tpu.memory_space<vmem_shared>>
      tpu.wait_dma2 semaphore(%run_scoped3A_209 : memref<!tpu.dma_semaphore, #tpu.memory_space<semaphore_mem>>) src(%arg8 : memref<128x48xf32, #tpu.memory_space<vmem>>) dst(%dma_wait3A_217 : memref<128x48xf32, #tpu.memory_space<vmem_shared>>)
      tpu.yield
    }) : () -> ()
    %add3A_11 = arith.constant 128 : i32
    %add3A_12 = arith.addi %multiple_of3A, %add3A_11 : i32
    "tpu.region"() ({
      %run_scoped3A_209 = tpu.sem_alloc : memref<!tpu.dma_semaphore, #tpu.memory_space<semaphore_mem>>
      %dma_start3A_210 = arith.constant 0 : i32
      %dma_start3A_211 = tpu.memref_slice %arg9[%add3A_12, %dma_start3A_210] : memref<10240x48xf32, #tpu.memory_space<vmem_shared>> -> memref<128x48xf32, #tpu.memory_space<vmem_shared>>
      %dma_start3A_212 = arith.constant 0 : i32
      %dma_start3A_213 = tpu.memref_slice %arg9[%add3A_12, %dma_start3A_212] : memref<10240x48xf32, #tpu.memory_space<vmem_shared>> -> memref<128x48xf32, #tpu.memory_space<vmem_shared>>
      tpu.enqueue_dma source(%arg8 : memref<128x48xf32, #tpu.memory_space<vmem>>) target(%dma_start3A_213 : memref<128x48xf32, #tpu.memory_space<vmem_shared>>) target_semaphore(%run_scoped3A_209 : memref<!tpu.dma_semaphore, #tpu.memory_space<semaphore_mem>>)
      %dma_wait3A_214 = arith.constant 0 : i32
      %dma_wait3A_215 = tpu.memref_slice %arg9[%add3A_12, %dma_wait3A_214] : memref<10240x48xf32, #tpu.memory_space<vmem_shared>> -> memref<128x48xf32, #tpu.memory_space<vmem_shared>>
      %dma_wait3A_216 = arith.constant 0 : i32
      %dma_wait3A_217 = tpu.memref_slice %arg9[%add3A_12, %dma_wait3A_216] : memref<10240x48xf32, #tpu.memory_space<vmem_shared>> -> memref<128x48xf32, #tpu.memory_space<vmem_shared>>
      tpu.wait_dma2 semaphore(%run_scoped3A_209 : memref<!tpu.dma_semaphore, #tpu.memory_space<semaphore_mem>>) src(%arg8 : memref<128x48xf32, #tpu.memory_space<vmem>>) dst(%dma_wait3A_217 : memref<128x48xf32, #tpu.memory_space<vmem_shared>>)
      tpu.yield
    }) : () -> ()
    %add3A_13 = arith.constant 256 : i32
    %add3A_14 = arith.addi %multiple_of3A, %add3A_13 : i32
    "tpu.region"() ({
      %run_scoped3A_209 = tpu.sem_alloc : memref<!tpu.dma_semaphore, #tpu.memory_space<semaphore_mem>>
      %dma_start3A_210 = arith.constant 0 : i32
      %dma_start3A_211 = tpu.memref_slice %arg9[%add3A_14, %dma_start3A_210] : memref<10240x48xf32, #tpu.memory_space<vmem_shared>> -> memref<128x48xf32, #tpu.memory_space<vmem_shared>>
      %dma_start3A_212 = arith.constant 0 : i32
      %dma_start3A_213 = tpu.memref_slice %arg9[%add3A_14, %dma_start3A_212] : memref<10240x48xf32, #tpu.memory_space<vmem_shared>> -> memref<128x48xf32, #tpu.memory_space<vmem_shared>>
      tpu.enqueue_dma source(%arg8 : memref<128x48xf32, #tpu.memory_space<vmem>>) target(%dma_start3A_213 : memref<128x48xf32, #tpu.memory_space<vmem_shared>>) target_semaphore(%run_scoped3A_209 : memref<!tpu.dma_semaphore, #tpu.memory_space<semaphore_mem>>)
      %dma_wait3A_214 = arith.constant 0 : i32
      %dma_wait3A_215 = tpu.memref_slice %arg9[%add3A_14, %dma_wait3A_214] : memref<10240x48xf32, #tpu.memory_space<vmem_shared>> -> memref<128x48xf32, #tpu.memory_space<vmem_shared>>
      %dma_wait3A_216 = arith.constant 0 : i32
      %dma_wait3A_217 = tpu.memref_slice %arg9[%add3A_14, %dma_wait3A_216] : memref<10240x48xf32, #tpu.memory_space<vmem_shared>> -> memref<128x48xf32, #tpu.memory_space<vmem_shared>>
      tpu.wait_dma2 semaphore(%run_scoped3A_209 : memref<!tpu.dma_semaphore, #tpu.memory_space<semaphore_mem>>) src(%arg8 : memref<128x48xf32, #tpu.memory_space<vmem>>) dst(%dma_wait3A_217 : memref<128x48xf32, #tpu.memory_space<vmem_shared>>)
      tpu.yield
    }) : () -> ()
    %add3A_15 = arith.constant 384 : i32
    %add3A_16 = arith.addi %multiple_of3A, %add3A_15 : i32
    "tpu.region"() ({
      %run_scoped3A_209 = tpu.sem_alloc : memref<!tpu.dma_semaphore, #tpu.memory_space<semaphore_mem>>
      %dma_start3A_210 = arith.constant 0 : i32
      %dma_start3A_211 = tpu.memref_slice %arg9[%add3A_16, %dma_start3A_210] : memref<10240x48xf32, #tpu.memory_space<vmem_shared>> -> memref<128x48xf32, #tpu.memory_space<vmem_shared>>
      %dma_start3A_212 = arith.constant 0 : i32
      %dma_start3A_213 = tpu.memref_slice %arg9[%add3A_16, %dma_start3A_212] : memref<10240x48xf32, #tpu.memory_space<vmem_shared>> -> memref<128x48xf32, #tpu.memory_space<vmem_shared>>
      tpu.enqueue_dma source(%arg8 : memref<128x48xf32, #tpu.memory_space<vmem>>) target(%dma_start3A_213 : memref<128x48xf32, #tpu.memory_space<vmem_shared>>) target_semaphore(%run_scoped3A_209 : memref<!tpu.dma_semaphore, #tpu.memory_space<semaphore_mem>>)
      %dma_wait3A_214 = arith.constant 0 : i32
      %dma_wait3A_215 = tpu.memref_slice %arg9[%add3A_16, %dma_wait3A_214] : memref<10240x48xf32, #tpu.memory_space<vmem_shared>> -> memref<128x48xf32, #tpu.memory_space<vmem_shared>>
      %dma_wait3A_216 = arith.constant 0 : i32
      %dma_wait3A_217 = tpu.memref_slice %arg9[%add3A_16, %dma_wait3A_216] : memref<10240x48xf32, #tpu.memory_space<vmem_shared>> -> memref<128x48xf32, #tpu.memory_space<vmem_shared>>
      tpu.wait_dma2 semaphore(%run_scoped3A_209 : memref<!tpu.dma_semaphore, #tpu.memory_space<semaphore_mem>>) src(%arg8 : memref<128x48xf32, #tpu.memory_space<vmem>>) dst(%dma_wait3A_217 : memref<128x48xf32, #tpu.memory_space<vmem_shared>>)
      tpu.yield
    }) : () -> ()
    %add3A_17 = arith.constant 512 : i32
    %add3A_18 = arith.addi %multiple_of3A, %add3A_17 : i32
    "tpu.region"() ({
      %run_scoped3A_209 = tpu.sem_alloc : memref<!tpu.dma_semaphore, #tpu.memory_space<semaphore_mem>>
      %dma_start3A_210 = arith.constant 0 : i32
      %dma_start3A_211 = tpu.memref_slice %arg9[%add3A_18, %dma_start3A_210] : memref<10240x48xf32, #tpu.memory_space<vmem_shared>> -> memref<128x48xf32, #tpu.memory_space<vmem_shared>>
      %dma_start3A_212 = arith.constant 0 : i32
      %dma_start3A_213 = tpu.memref_slice %arg9[%add3A_18, %dma_start3A_212] : memref<10240x48xf32, #tpu.memory_space<vmem_shared>> -> memref<128x48xf32, #tpu.memory_space<vmem_shared>>
      tpu.enqueue_dma source(%arg8 : memref<128x48xf32, #tpu.memory_space<vmem>>) target(%dma_start3A_213 : memref<128x48xf32, #tpu.memory_space<vmem_shared>>) target_semaphore(%run_scoped3A_209 : memref<!tpu.dma_semaphore, #tpu.memory_space<semaphore_mem>>)
      %dma_wait3A_214 = arith.constant 0 : i32
      %dma_wait3A_215 = tpu.memref_slice %arg9[%add3A_18, %dma_wait3A_214] : memref<10240x48xf32, #tpu.memory_space<vmem_shared>> -> memref<128x48xf32, #tpu.memory_space<vmem_shared>>
      %dma_wait3A_216 = arith.constant 0 : i32
      %dma_wait3A_217 = tpu.memref_slice %arg9[%add3A_18, %dma_wait3A_216] : memref<10240x48xf32, #tpu.memory_space<vmem_shared>> -> memref<128x48xf32, #tpu.memory_space<vmem_shared>>
      tpu.wait_dma2 semaphore(%run_scoped3A_209 : memref<!tpu.dma_semaphore, #tpu.memory_space<semaphore_mem>>) src(%arg8 : memref<128x48xf32, #tpu.memory_space<vmem>>) dst(%dma_wait3A_217 : memref<128x48xf32, #tpu.memory_space<vmem_shared>>)
      tpu.yield
    }) : () -> ()
    %barrier3A = arith.constant 0 : index
    tpu.barrier barrier_id(%barrier3A)
    %run_scoped3A = arith.constant 0 : i32
    "tpu.region"() ({
      %run_scoped3A_209 = tpu.sem_alloc : memref<!tpu.dma_semaphore, #tpu.memory_space<semaphore_mem>>
      %dma_start3A_210 = arith.constant 0 : i32
      %dma_start3A_211 = arith.constant 0 : i32
      %dma_start3A_212 = tpu.memref_slice %arg2[%run_scoped3A, %add3A, %dma_start3A_210, %dma_start3A_211] : memref<2x32x79x128xi32, #tpu.memory_space<hbm>> -> memref<1x1x79x128xi32, #tpu.memory_space<hbm>>
      %dma_start3A_213 = tpu.memref_squeeze %dma_start3A_212 : memref<1x1x79x128xi32, #tpu.memory_space<hbm>> -> memref<79x128xi32, #tpu.memory_space<hbm>>
      %dma_start3A_214 = arith.constant 0 : i32
      %dma_start3A_215 = arith.constant 0 : i32
      %dma_start3A_216 = tpu.memref_slice %arg2[%run_scoped3A, %add3A, %dma_start3A_214, %dma_start3A_215] : memref<2x32x79x128xi32, #tpu.memory_space<hbm>> -> memref<1x1x79x128xi32, #tpu.memory_space<hbm>>
      %dma_start3A_217 = tpu.memref_squeeze %dma_start3A_216 : memref<1x1x79x128xi32, #tpu.memory_space<hbm>> -> memref<79x128xi32, #tpu.memory_space<hbm>>
      tpu.enqueue_dma source(%dma_start3A_217 : memref<79x128xi32, #tpu.memory_space<hbm>>) target(%arg5 : memref<79x128xi32, #tpu.memory_space<vmem>>) target_semaphore(%run_scoped3A_209 : memref<!tpu.dma_semaphore, #tpu.memory_space<semaphore_mem>>)
      %dma_wait3A_218 = arith.constant 0 : i32
      %dma_wait3A_219 = arith.constant 0 : i32
      %dma_wait3A_220 = tpu.memref_slice %arg2[%run_scoped3A, %add3A, %dma_wait3A_218, %dma_wait3A_219] : memref<2x32x79x128xi32, #tpu.memory_space<hbm>> -> memref<1x1x79x128xi32, #tpu.memory_space<hbm>>
      %dma_wait3A_221 = tpu.memref_squeeze %dma_wait3A_220 : memref<1x1x79x128xi32, #tpu.memory_space<hbm>> -> memref<79x128xi32, #tpu.memory_space<hbm>>
      %dma_wait3A_222 = arith.constant 0 : i32
      %dma_wait3A_223 = arith.constant 0 : i32
      %dma_wait3A_224 = tpu.memref_slice %arg2[%run_scoped3A, %add3A, %dma_wait3A_222, %dma_wait3A_223] : memref<2x32x79x128xi32, #tpu.memory_space<hbm>> -> memref<1x1x79x128xi32, #tpu.memory_space<hbm>>
      %dma_wait3A_225 = tpu.memref_squeeze %dma_wait3A_224 : memref<1x1x79x128xi32, #tpu.memory_space<hbm>> -> memref<79x128xi32, #tpu.memory_space<hbm>>
      tpu.wait_dma2 semaphore(%run_scoped3A_209 : memref<!tpu.dma_semaphore, #tpu.memory_space<semaphore_mem>>) src(%dma_wait3A_225 : memref<79x128xi32, #tpu.memory_space<hbm>>) dst(%arg5 : memref<79x128xi32, #tpu.memory_space<vmem>>)
      tpu.yield
    }) : () -> ()
    %run_scoped3A_19 = arith.constant 1 : i32
    "tpu.region"() ({
      %run_scoped3A_209 = tpu.sem_alloc : memref<!tpu.dma_semaphore, #tpu.memory_space<semaphore_mem>>
      %dma_start3A_210 = arith.constant 0 : i32
      %dma_start3A_211 = arith.constant 0 : i32
      %dma_start3A_212 = tpu.memref_slice %arg2[%run_scoped3A_19, %add3A, %dma_start3A_210, %dma_start3A_211] : memref<2x32x79x128xi32, #tpu.memory_space<hbm>> -> memref<1x1x79x128xi32, #tpu.memory_space<hbm>>
      %dma_start3A_213 = tpu.memref_squeeze %dma_start3A_212 : memref<1x1x79x128xi32, #tpu.memory_space<hbm>> -> memref<79x128xi32, #tpu.memory_space<hbm>>
      %dma_start3A_214 = arith.constant 0 : i32
      %dma_start3A_215 = arith.constant 0 : i32
      %dma_start3A_216 = tpu.memref_slice %arg2[%run_scoped3A_19, %add3A, %dma_start3A_214, %dma_start3A_215] : memref<2x32x79x128xi32, #tpu.memory_space<hbm>> -> memref<1x1x79x128xi32, #tpu.memory_space<hbm>>
      %dma_start3A_217 = tpu.memref_squeeze %dma_start3A_216 : memref<1x1x79x128xi32, #tpu.memory_space<hbm>> -> memref<79x128xi32, #tpu.memory_space<hbm>>
      tpu.enqueue_dma source(%dma_start3A_217 : memref<79x128xi32, #tpu.memory_space<hbm>>) target(%arg6 : memref<79x128xi32, #tpu.memory_space<vmem>>) target_semaphore(%run_scoped3A_209 : memref<!tpu.dma_semaphore, #tpu.memory_space<semaphore_mem>>)
      %dma_wait3A_218 = arith.constant 0 : i32
      %dma_wait3A_219 = arith.constant 0 : i32
      %dma_wait3A_220 = tpu.memref_slice %arg2[%run_scoped3A_19, %add3A, %dma_wait3A_218, %dma_wait3A_219] : memref<2x32x79x128xi32, #tpu.memory_space<hbm>> -> memref<1x1x79x128xi32, #tpu.memory_space<hbm>>
      %dma_wait3A_221 = tpu.memref_squeeze %dma_wait3A_220 : memref<1x1x79x128xi32, #tpu.memory_space<hbm>> -> memref<79x128xi32, #tpu.memory_space<hbm>>
      %dma_wait3A_222 = arith.constant 0 : i32
      %dma_wait3A_223 = arith.constant 0 : i32
      %dma_wait3A_224 = tpu.memref_slice %arg2[%run_scoped3A_19, %add3A, %dma_wait3A_222, %dma_wait3A_223] : memref<2x32x79x128xi32, #tpu.memory_space<hbm>> -> memref<1x1x79x128xi32, #tpu.memory_space<hbm>>
      %dma_wait3A_225 = tpu.memref_squeeze %dma_wait3A_224 : memref<1x1x79x128xi32, #tpu.memory_space<hbm>> -> memref<79x128xi32, #tpu.memory_space<hbm>>
      tpu.wait_dma2 semaphore(%run_scoped3A_209 : memref<!tpu.dma_semaphore, #tpu.memory_space<semaphore_mem>>) src(%dma_wait3A_225 : memref<79x128xi32, #tpu.memory_space<hbm>>) dst(%arg6 : memref<79x128xi32, #tpu.memory_space<vmem>>)
      tpu.yield
    }) : () -> ()
    %dma_start3A = arith.constant 0 : i32
    %dma_start3A_20 = arith.constant 0 : i32
    %dma_start3A_21 = arith.constant 0 : i32
    %dma_start3A_22 = arith.constant 0 : i32
    %dma_start3A_23 = arith.constant 0 : i32
    %dma_start3A_24 = tpu.memref_slice %arg7[%dma_start3A_20, %dma_start3A_22, %dma_start3A_23] : memref<8x128x48xf32, #tpu.memory_space<vmem>> -> memref<1x128x48xf32, #tpu.memory_space<vmem>>
    %dma_start3A_25 = tpu.memref_squeeze %dma_start3A_24 : memref<1x128x48xf32, #tpu.memory_space<vmem>> -> memref<128x48xf32, #tpu.memory_space<vmem>>
    %dma_start3A_26 = arith.constant 0 : i32
    %dma_start3A_27 = tpu.memref_slice %arg5[%dma_start3A, %dma_start3A_26] : memref<79x128xi32, #tpu.memory_space<vmem>> -> memref<1x128xi32, #tpu.memory_space<vmem>>
    %dma_start3A_28 = tpu.memref_squeeze %dma_start3A_27 : memref<1x128xi32, #tpu.memory_space<vmem>> -> memref<128xi32, #tpu.memory_space<vmem>>
    %dma_start3A_29 = arith.constant 0 : i32
    %dma_start3A_30 = arith.constant 0 : i32
    %dma_start3A_31 = tpu.memref_slice %arg3[%dma_start3A_29, %dma_start3A_30] : memref<10000x48xf32, #tpu.memory_space<hbm>> -> memref<10000x48xf32, #tpu.memory_space<hbm>>
    %dma_start3A_32 = tpu.memref_slice %arg10[%dma_start3A_21] : memref<8x!tpu.dma_semaphore, #tpu.memory_space<semaphore_mem>> -> memref<1x!tpu.dma_semaphore, #tpu.memory_space<semaphore_mem>>
    %dma_start3A_33 = tpu.memref_squeeze %dma_start3A_32 : memref<1x!tpu.dma_semaphore, #tpu.memory_space<semaphore_mem>> -> memref<!tpu.dma_semaphore, #tpu.memory_space<semaphore_mem>>
    tpu.enqueue_indirect_dma source(%dma_start3A_31 : memref<10000x48xf32, #tpu.memory_space<hbm>>) target(%dma_start3A_25 : memref<128x48xf32, #tpu.memory_space<vmem>>) offsets(%dma_start3A_28 : memref<128xi32, #tpu.memory_space<vmem>>) semaphore(%dma_start3A_33 : memref<!tpu.dma_semaphore, #tpu.memory_space<semaphore_mem>>)
    %dma_start3A_34 = arith.constant 1 : i32
    %dma_start3A_35 = arith.constant 1 : i32
    %dma_start3A_36 = arith.constant 1 : i32
    %dma_start3A_37 = arith.constant 0 : i32
    %dma_start3A_38 = arith.constant 0 : i32
    %dma_start3A_39 = tpu.memref_slice %arg7[%dma_start3A_35, %dma_start3A_37, %dma_start3A_38] : memref<8x128x48xf32, #tpu.memory_space<vmem>> -> memref<1x128x48xf32, #tpu.memory_space<vmem>>
    %dma_start3A_40 = tpu.memref_squeeze %dma_start3A_39 : memref<1x128x48xf32, #tpu.memory_space<vmem>> -> memref<128x48xf32, #tpu.memory_space<vmem>>
    %dma_start3A_41 = arith.constant 0 : i32
    %dma_start3A_42 = tpu.memref_slice %arg5[%dma_start3A_34, %dma_start3A_41] : memref<79x128xi32, #tpu.memory_space<vmem>> -> memref<1x128xi32, #tpu.memory_space<vmem>>
    %dma_start3A_43 = tpu.memref_squeeze %dma_start3A_42 : memref<1x128xi32, #tpu.memory_space<vmem>> -> memref<128xi32, #tpu.memory_space<vmem>>
    %dma_start3A_44 = arith.constant 0 : i32
    %dma_start3A_45 = arith.constant 0 : i32
    %dma_start3A_46 = tpu.memref_slice %arg3[%dma_start3A_44, %dma_start3A_45] : memref<10000x48xf32, #tpu.memory_space<hbm>> -> memref<10000x48xf32, #tpu.memory_space<hbm>>
    %dma_start3A_47 = tpu.memref_slice %arg10[%dma_start3A_36] : memref<8x!tpu.dma_semaphore, #tpu.memory_space<semaphore_mem>> -> memref<1x!tpu.dma_semaphore, #tpu.memory_space<semaphore_mem>>
    %dma_start3A_48 = tpu.memref_squeeze %dma_start3A_47 : memref<1x!tpu.dma_semaphore, #tpu.memory_space<semaphore_mem>> -> memref<!tpu.dma_semaphore, #tpu.memory_space<semaphore_mem>>
    tpu.enqueue_indirect_dma source(%dma_start3A_46 : memref<10000x48xf32, #tpu.memory_space<hbm>>) target(%dma_start3A_40 : memref<128x48xf32, #tpu.memory_space<vmem>>) offsets(%dma_start3A_43 : memref<128xi32, #tpu.memory_space<vmem>>) semaphore(%dma_start3A_48 : memref<!tpu.dma_semaphore, #tpu.memory_space<semaphore_mem>>)
    %dma_start3A_49 = arith.constant 2 : i32
    %dma_start3A_50 = arith.constant 2 : i32
    %dma_start3A_51 = arith.constant 2 : i32
    %dma_start3A_52 = arith.constant 0 : i32
    %dma_start3A_53 = arith.constant 0 : i32
    %dma_start3A_54 = tpu.memref_slice %arg7[%dma_start3A_50, %dma_start3A_52, %dma_start3A_53] : memref<8x128x48xf32, #tpu.memory_space<vmem>> -> memref<1x128x48xf32, #tpu.memory_space<vmem>>
    %dma_start3A_55 = tpu.memref_squeeze %dma_start3A_54 : memref<1x128x48xf32, #tpu.memory_space<vmem>> -> memref<128x48xf32, #tpu.memory_space<vmem>>
    %dma_start3A_56 = arith.constant 0 : i32
    %dma_start3A_57 = tpu.memref_slice %arg5[%dma_start3A_49, %dma_start3A_56] : memref<79x128xi32, #tpu.memory_space<vmem>> -> memref<1x128xi32, #tpu.memory_space<vmem>>
    %dma_start3A_58 = tpu.memref_squeeze %dma_start3A_57 : memref<1x128xi32, #tpu.memory_space<vmem>> -> memref<128xi32, #tpu.memory_space<vmem>>
    %dma_start3A_59 = arith.constant 0 : i32
    %dma_start3A_60 = arith.constant 0 : i32
    %dma_start3A_61 = tpu.memref_slice %arg3[%dma_start3A_59, %dma_start3A_60] : memref<10000x48xf32, #tpu.memory_space<hbm>> -> memref<10000x48xf32, #tpu.memory_space<hbm>>
    %dma_start3A_62 = tpu.memref_slice %arg10[%dma_start3A_51] : memref<8x!tpu.dma_semaphore, #tpu.memory_space<semaphore_mem>> -> memref<1x!tpu.dma_semaphore, #tpu.memory_space<semaphore_mem>>
    %dma_start3A_63 = tpu.memref_squeeze %dma_start3A_62 : memref<1x!tpu.dma_semaphore, #tpu.memory_space<semaphore_mem>> -> memref<!tpu.dma_semaphore, #tpu.memory_space<semaphore_mem>>
    tpu.enqueue_indirect_dma source(%dma_start3A_61 : memref<10000x48xf32, #tpu.memory_space<hbm>>) target(%dma_start3A_55 : memref<128x48xf32, #tpu.memory_space<vmem>>) offsets(%dma_start3A_58 : memref<128xi32, #tpu.memory_space<vmem>>) semaphore(%dma_start3A_63 : memref<!tpu.dma_semaphore, #tpu.memory_space<semaphore_mem>>)
    %dma_start3A_64 = arith.constant 3 : i32
    %dma_start3A_65 = arith.constant 3 : i32
    %dma_start3A_66 = arith.constant 3 : i32
    %dma_start3A_67 = arith.constant 0 : i32
    %dma_start3A_68 = arith.constant 0 : i32
    %dma_start3A_69 = tpu.memref_slice %arg7[%dma_start3A_65, %dma_start3A_67, %dma_start3A_68] : memref<8x128x48xf32, #tpu.memory_space<vmem>> -> memref<1x128x48xf32, #tpu.memory_space<vmem>>
    %dma_start3A_70 = tpu.memref_squeeze %dma_start3A_69 : memref<1x128x48xf32, #tpu.memory_space<vmem>> -> memref<128x48xf32, #tpu.memory_space<vmem>>
    %dma_start3A_71 = arith.constant 0 : i32
    %dma_start3A_72 = tpu.memref_slice %arg5[%dma_start3A_64, %dma_start3A_71] : memref<79x128xi32, #tpu.memory_space<vmem>> -> memref<1x128xi32, #tpu.memory_space<vmem>>
    %dma_start3A_73 = tpu.memref_squeeze %dma_start3A_72 : memref<1x128xi32, #tpu.memory_space<vmem>> -> memref<128xi32, #tpu.memory_space<vmem>>
    %dma_start3A_74 = arith.constant 0 : i32
    %dma_start3A_75 = arith.constant 0 : i32
    %dma_start3A_76 = tpu.memref_slice %arg3[%dma_start3A_74, %dma_start3A_75] : memref<10000x48xf32, #tpu.memory_space<hbm>> -> memref<10000x48xf32, #tpu.memory_space<hbm>>
    %dma_start3A_77 = tpu.memref_slice %arg10[%dma_start3A_66] : memref<8x!tpu.dma_semaphore, #tpu.memory_space<semaphore_mem>> -> memref<1x!tpu.dma_semaphore, #tpu.memory_space<semaphore_mem>>
    %dma_start3A_78 = tpu.memref_squeeze %dma_start3A_77 : memref<1x!tpu.dma_semaphore, #tpu.memory_space<semaphore_mem>> -> memref<!tpu.dma_semaphore, #tpu.memory_space<semaphore_mem>>
    tpu.enqueue_indirect_dma source(%dma_start3A_76 : memref<10000x48xf32, #tpu.memory_space<hbm>>) target(%dma_start3A_70 : memref<128x48xf32, #tpu.memory_space<vmem>>) offsets(%dma_start3A_73 : memref<128xi32, #tpu.memory_space<vmem>>) semaphore(%dma_start3A_78 : memref<!tpu.dma_semaphore, #tpu.memory_space<semaphore_mem>>)
    %scan3A_79 = arith.constant 0 : i32
    %scan3A_80 = arith.constant 0 : i32
    %scan3A_81 = arith.constant 79 : i32
    %scan3A_82 = arith.addi %scan3A_80, %scan3A_81 : i32
    %scan3A_83 = arith.constant 1 : i32
    %scan3A_84 = scf.for %scan3A_209 = %scan3A_80 to %scan3A_82 step %scan3A_83 iter_args(%scan3A_210 = %scan3A_79) -> (i32)  : i32 {
      %add3A_211 = arith.constant 4 : i32
      %add3A_212 = arith.addi %scan3A_209, %add3A_211 : i32
      %lt3A = arith.constant 79 : i32
      %lt3A_213 = arith.cmpi slt, %add3A_212, %lt3A : i32
      %convert_element_type3A = arith.extui %lt3A_213 : i1 to i32
      %cond3A = arith.constant 0 : i32
      %cond3A_214 = arith.cmpi ne, %convert_element_type3A, %cond3A : i32
      scf.if %cond3A_214 {
        %add3A_241 = arith.constant 4 : i32
        %add3A_242 = arith.addi %scan3A_209, %add3A_241 : i32
        %rem3A_243 = arith.constant 8 : i32
        %rem3A_244 = arith.remsi %add3A_242, %rem3A_243 : i32
        %add3A_245 = arith.constant 4 : i32
        %add3A_246 = arith.addi %scan3A_209, %add3A_245 : i32
        %ge3A = arith.constant 8 : i32
        %ge3A_247 = arith.cmpi sge, %add3A_246, %ge3A : i32
        %convert_element_type3A_248 = arith.extui %ge3A_247 : i1 to i32
        %cond3A_249 = arith.constant 0 : i32
        %cond3A_250 = arith.cmpi ne, %convert_element_type3A_248, %cond3A_249 : i32
        scf.if %cond3A_250 {
          %dma_wait3A_265 = arith.constant 0 : i32
          %dma_wait3A_266 = arith.constant 0 : i32
          %dma_wait3A_267 = arith.constant 0 : i32
          %dma_wait3A_268 = tpu.memref_slice %arg7[%rem3A_244, %dma_wait3A_266, %dma_wait3A_267] : memref<8x128x48xf32, #tpu.memory_space<vmem>> -> memref<1x128x48xf32, #tpu.memory_space<vmem>>
          %dma_wait3A_269 = tpu.memref_squeeze %dma_wait3A_268 : memref<1x128x48xf32, #tpu.memory_space<vmem>> -> memref<128x48xf32, #tpu.memory_space<vmem>>
          %dma_wait3A_270 = arith.constant 0 : i32
          %dma_wait3A_271 = tpu.memref_slice %arg6[%dma_wait3A_265, %dma_wait3A_270] : memref<79x128xi32, #tpu.memory_space<vmem>> -> memref<1x128xi32, #tpu.memory_space<vmem>>
          %dma_wait3A_272 = tpu.memref_squeeze %dma_wait3A_271 : memref<1x128xi32, #tpu.memory_space<vmem>> -> memref<128xi32, #tpu.memory_space<vmem>>
          %dma_wait3A_273 = arith.constant 0 : i32
          %dma_wait3A_274 = arith.constant 0 : i32
          %dma_wait3A_275 = tpu.memref_slice %arg9[%dma_wait3A_273, %dma_wait3A_274] : memref<10240x48xf32, #tpu.memory_space<vmem_shared>> -> memref<10240x48xf32, #tpu.memory_space<vmem_shared>>
          %dma_wait3A_276 = tpu.memref_slice %arg11[%rem3A_244] : memref<8x!tpu.dma_semaphore, #tpu.memory_space<semaphore_mem>> -> memref<1x!tpu.dma_semaphore, #tpu.memory_space<semaphore_mem>>
          %dma_wait3A_277 = tpu.memref_squeeze %dma_wait3A_276 : memref<1x!tpu.dma_semaphore, #tpu.memory_space<semaphore_mem>> -> memref<!tpu.dma_semaphore, #tpu.memory_space<semaphore_mem>>
          tpu.wait_indirect_dma semaphore(%dma_wait3A_277 : memref<!tpu.dma_semaphore, #tpu.memory_space<semaphore_mem>>) src(%dma_wait3A_269 : memref<128x48xf32, #tpu.memory_space<vmem>>) dst(%dma_wait3A_275 : memref<10240x48xf32, #tpu.memory_space<vmem_shared>>)
        } else {
        }
        %add3A_251 = arith.constant 4 : i32
        %add3A_252 = arith.addi %scan3A_209, %add3A_251 : i32
        %dma_start3A_253 = arith.constant 0 : i32
        %dma_start3A_254 = arith.constant 0 : i32
        %dma_start3A_255 = tpu.memref_slice %arg7[%rem3A_244, %dma_start3A_253, %dma_start3A_254] : memref<8x128x48xf32, #tpu.memory_space<vmem>> -> memref<1x128x48xf32, #tpu.memory_space<vmem>>
        %dma_start3A_256 = tpu.memref_squeeze %dma_start3A_255 : memref<1x128x48xf32, #tpu.memory_space<vmem>> -> memref<128x48xf32, #tpu.memory_space<vmem>>
        %dma_start3A_257 = arith.constant 0 : i32
        %dma_start3A_258 = tpu.memref_slice %arg5[%add3A_252, %dma_start3A_257] : memref<79x128xi32, #tpu.memory_space<vmem>> -> memref<1x128xi32, #tpu.memory_space<vmem>>
        %dma_start3A_259 = tpu.memref_squeeze %dma_start3A_258 : memref<1x128xi32, #tpu.memory_space<vmem>> -> memref<128xi32, #tpu.memory_space<vmem>>
        %dma_start3A_260 = arith.constant 0 : i32
        %dma_start3A_261 = arith.constant 0 : i32
        %dma_start3A_262 = tpu.memref_slice %arg3[%dma_start3A_260, %dma_start3A_261] : memref<10000x48xf32, #tpu.memory_space<hbm>> -> memref<10000x48xf32, #tpu.memory_space<hbm>>
        %dma_start3A_263 = tpu.memref_slice %arg10[%rem3A_244] : memref<8x!tpu.dma_semaphore, #tpu.memory_space<semaphore_mem>> -> memref<1x!tpu.dma_semaphore, #tpu.memory_space<semaphore_mem>>
        %dma_start3A_264 = tpu.memref_squeeze %dma_start3A_263 : memref<1x!tpu.dma_semaphore, #tpu.memory_space<semaphore_mem>> -> memref<!tpu.dma_semaphore, #tpu.memory_space<semaphore_mem>>
        tpu.enqueue_indirect_dma source(%dma_start3A_262 : memref<10000x48xf32, #tpu.memory_space<hbm>>) target(%dma_start3A_256 : memref<128x48xf32, #tpu.memory_space<vmem>>) offsets(%dma_start3A_259 : memref<128xi32, #tpu.memory_space<vmem>>) semaphore(%dma_start3A_264 : memref<!tpu.dma_semaphore, #tpu.memory_space<semaphore_mem>>)
      } else {
      }
      %rem3A = arith.constant 8 : i32
      %rem3A_215 = arith.remsi %scan3A_209, %rem3A : i32
      %dma_wait3A_216 = arith.constant 0 : i32
      %dma_wait3A_217 = arith.constant 0 : i32
      %dma_wait3A_218 = tpu.memref_slice %arg7[%rem3A_215, %dma_wait3A_216, %dma_wait3A_217] : memref<8x128x48xf32, #tpu.memory_space<vmem>> -> memref<1x128x48xf32, #tpu.memory_space<vmem>>
      %dma_wait3A_219 = tpu.memref_squeeze %dma_wait3A_218 : memref<1x128x48xf32, #tpu.memory_space<vmem>> -> memref<128x48xf32, #tpu.memory_space<vmem>>
      %dma_wait3A_220 = arith.constant 0 : i32
      %dma_wait3A_221 = tpu.memref_slice %arg5[%scan3A_209, %dma_wait3A_220] : memref<79x128xi32, #tpu.memory_space<vmem>> -> memref<1x128xi32, #tpu.memory_space<vmem>>
      %dma_wait3A_222 = tpu.memref_squeeze %dma_wait3A_221 : memref<1x128xi32, #tpu.memory_space<vmem>> -> memref<128xi32, #tpu.memory_space<vmem>>
      %dma_wait3A_223 = arith.constant 0 : i32
      %dma_wait3A_224 = arith.constant 0 : i32
      %dma_wait3A_225 = tpu.memref_slice %arg3[%dma_wait3A_223, %dma_wait3A_224] : memref<10000x48xf32, #tpu.memory_space<hbm>> -> memref<10000x48xf32, #tpu.memory_space<hbm>>
      %dma_wait3A_226 = tpu.memref_slice %arg10[%rem3A_215] : memref<8x!tpu.dma_semaphore, #tpu.memory_space<semaphore_mem>> -> memref<1x!tpu.dma_semaphore, #tpu.memory_space<semaphore_mem>>
      %dma_wait3A_227 = tpu.memref_squeeze %dma_wait3A_226 : memref<1x!tpu.dma_semaphore, #tpu.memory_space<semaphore_mem>> -> memref<!tpu.dma_semaphore, #tpu.memory_space<semaphore_mem>>
      tpu.wait_indirect_dma semaphore(%dma_wait3A_227 : memref<!tpu.dma_semaphore, #tpu.memory_space<semaphore_mem>>) src(%dma_wait3A_225 : memref<10000x48xf32, #tpu.memory_space<hbm>>) dst(%dma_wait3A_219 : memref<128x48xf32, #tpu.memory_space<vmem>>)
      %dma_start3A_228 = arith.constant 0 : i32
      %dma_start3A_229 = arith.constant 0 : i32
      %dma_start3A_230 = tpu.memref_slice %arg7[%rem3A_215, %dma_start3A_228, %dma_start3A_229] : memref<8x128x48xf32, #tpu.memory_space<vmem>> -> memref<1x128x48xf32, #tpu.memory_space<vmem>>
      %dma_start3A_231 = tpu.memref_squeeze %dma_start3A_230 : memref<1x128x48xf32, #tpu.memory_space<vmem>> -> memref<128x48xf32, #tpu.memory_space<vmem>>
      %dma_start3A_232 = arith.constant 0 : i32
      %dma_start3A_233 = tpu.memref_slice %arg6[%scan3A_209, %dma_start3A_232] : memref<79x128xi32, #tpu.memory_space<vmem>> -> memref<1x128xi32, #tpu.memory_space<vmem>>
      %dma_start3A_234 = tpu.memref_squeeze %dma_start3A_233 : memref<1x128xi32, #tpu.memory_space<vmem>> -> memref<128xi32, #tpu.memory_space<vmem>>
      %dma_start3A_235 = arith.constant 0 : i32
      %dma_start3A_236 = arith.constant 0 : i32
      %dma_start3A_237 = tpu.memref_slice %arg9[%dma_start3A_235, %dma_start3A_236] : memref<10240x48xf32, #tpu.memory_space<vmem_shared>> -> memref<10240x48xf32, #tpu.memory_space<vmem_shared>>
      %dma_start3A_238 = tpu.memref_slice %arg11[%rem3A_215] : memref<8x!tpu.dma_semaphore, #tpu.memory_space<semaphore_mem>> -> memref<1x!tpu.dma_semaphore, #tpu.memory_space<semaphore_mem>>
      %dma_start3A_239 = tpu.memref_squeeze %dma_start3A_238 : memref<1x!tpu.dma_semaphore, #tpu.memory_space<semaphore_mem>> -> memref<!tpu.dma_semaphore, #tpu.memory_space<semaphore_mem>>
      tpu.enqueue_indirect_dma source(%dma_start3A_231 : memref<128x48xf32, #tpu.memory_space<vmem>>) target(%dma_start3A_237 : memref<10240x48xf32, #tpu.memory_space<vmem_shared>>) offsets(%dma_start3A_234 : memref<128xi32, #tpu.memory_space<vmem>>) semaphore(%dma_start3A_239 : memref<!tpu.dma_semaphore, #tpu.memory_space<semaphore_mem>>) {add = true}
      %scan3A_240 = arith.constant 0 : i32
      scf.yield %scan3A_240 : i32
    }
    %scan3A_85 = arith.constant 79 : i32
    %dma_wait3A = arith.constant 7 : i32
    %dma_wait3A_86 = arith.constant 0 : i32
    %dma_wait3A_87 = arith.constant 7 : i32
    %dma_wait3A_88 = arith.constant 0 : i32
    %dma_wait3A_89 = arith.constant 0 : i32
    %dma_wait3A_90 = tpu.memref_slice %arg7[%dma_wait3A, %dma_wait3A_88, %dma_wait3A_89] : memref<8x128x48xf32, #tpu.memory_space<vmem>> -> memref<1x128x48xf32, #tpu.memory_space<vmem>>
    %dma_wait3A_91 = tpu.memref_squeeze %dma_wait3A_90 : memref<1x128x48xf32, #tpu.memory_space<vmem>> -> memref<128x48xf32, #tpu.memory_space<vmem>>
    %dma_wait3A_92 = arith.constant 0 : i32
    %dma_wait3A_93 = tpu.memref_slice %arg6[%dma_wait3A_86, %dma_wait3A_92] : memref<79x128xi32, #tpu.memory_space<vmem>> -> memref<1x128xi32, #tpu.memory_space<vmem>>
    %dma_wait3A_94 = tpu.memref_squeeze %dma_wait3A_93 : memref<1x128xi32, #tpu.memory_space<vmem>> -> memref<128xi32, #tpu.memory_space<vmem>>
    %dma_wait3A_95 = arith.constant 0 : i32
    %dma_wait3A_96 = arith.constant 0 : i32
    %dma_wait3A_97 = tpu.memref_slice %arg9[%dma_wait3A_95, %dma_wait3A_96] : memref<10240x48xf32, #tpu.memory_space<vmem_shared>> -> memref<10240x48xf32, #tpu.memory_space<vmem_shared>>
    %dma_wait3A_98 = tpu.memref_slice %arg11[%dma_wait3A_87] : memref<8x!tpu.dma_semaphore, #tpu.memory_space<semaphore_mem>> -> memref<1x!tpu.dma_semaphore, #tpu.memory_space<semaphore_mem>>
    %dma_wait3A_99 = tpu.memref_squeeze %dma_wait3A_98 : memref<1x!tpu.dma_semaphore, #tpu.memory_space<semaphore_mem>> -> memref<!tpu.dma_semaphore, #tpu.memory_space<semaphore_mem>>
    tpu.wait_indirect_dma semaphore(%dma_wait3A_99 : memref<!tpu.dma_semaphore, #tpu.memory_space<semaphore_mem>>) src(%dma_wait3A_91 : memref<128x48xf32, #tpu.memory_space<vmem>>) dst(%dma_wait3A_97 : memref<10240x48xf32, #tpu.memory_space<vmem_shared>>)
    %dma_wait3A_100 = arith.constant 0 : i32
    %dma_wait3A_101 = arith.constant 0 : i32
    %dma_wait3A_102 = arith.constant 0 : i32
    %dma_wait3A_103 = arith.constant 0 : i32
    %dma_wait3A_104 = arith.constant 0 : i32
    %dma_wait3A_105 = tpu.memref_slice %arg7[%dma_wait3A_100, %dma_wait3A_103, %dma_wait3A_104] : memref<8x128x48xf32, #tpu.memory_space<vmem>> -> memref<1x128x48xf32, #tpu.memory_space<vmem>>
    %dma_wait3A_106 = tpu.memref_squeeze %dma_wait3A_105 : memref<1x128x48xf32, #tpu.memory_space<vmem>> -> memref<128x48xf32, #tpu.memory_space<vmem>>
    %dma_wait3A_107 = arith.constant 0 : i32
    %dma_wait3A_108 = tpu.memref_slice %arg6[%dma_wait3A_101, %dma_wait3A_107] : memref<79x128xi32, #tpu.memory_space<vmem>> -> memref<1x128xi32, #tpu.memory_space<vmem>>
    %dma_wait3A_109 = tpu.memref_squeeze %dma_wait3A_108 : memref<1x128xi32, #tpu.memory_space<vmem>> -> memref<128xi32, #tpu.memory_space<vmem>>
    %dma_wait3A_110 = arith.constant 0 : i32
    %dma_wait3A_111 = arith.constant 0 : i32
    %dma_wait3A_112 = tpu.memref_slice %arg9[%dma_wait3A_110, %dma_wait3A_111] : memref<10240x48xf32, #tpu.memory_space<vmem_shared>> -> memref<10240x48xf32, #tpu.memory_space<vmem_shared>>
    %dma_wait3A_113 = tpu.memref_slice %arg11[%dma_wait3A_102] : memref<8x!tpu.dma_semaphore, #tpu.memory_space<semaphore_mem>> -> memref<1x!tpu.dma_semaphore, #tpu.memory_space<semaphore_mem>>
    %dma_wait3A_114 = tpu.memref_squeeze %dma_wait3A_113 : memref<1x!tpu.dma_semaphore, #tpu.memory_space<semaphore_mem>> -> memref<!tpu.dma_semaphore, #tpu.memory_space<semaphore_mem>>
    tpu.wait_indirect_dma semaphore(%dma_wait3A_114 : memref<!tpu.dma_semaphore, #tpu.memory_space<semaphore_mem>>) src(%dma_wait3A_106 : memref<128x48xf32, #tpu.memory_space<vmem>>) dst(%dma_wait3A_112 : memref<10240x48xf32, #tpu.memory_space<vmem_shared>>)
    %dma_wait3A_115 = arith.constant 1 : i32
    %dma_wait3A_116 = arith.constant 0 : i32
    %dma_wait3A_117 = arith.constant 1 : i32
    %dma_wait3A_118 = arith.constant 0 : i32
    %dma_wait3A_119 = arith.constant 0 : i32
    %dma_wait3A_120 = tpu.memref_slice %arg7[%dma_wait3A_115, %dma_wait3A_118, %dma_wait3A_119] : memref<8x128x48xf32, #tpu.memory_space<vmem>> -> memref<1x128x48xf32, #tpu.memory_space<vmem>>
    %dma_wait3A_121 = tpu.memref_squeeze %dma_wait3A_120 : memref<1x128x48xf32, #tpu.memory_space<vmem>> -> memref<128x48xf32, #tpu.memory_space<vmem>>
    %dma_wait3A_122 = arith.constant 0 : i32
    %dma_wait3A_123 = tpu.memref_slice %arg6[%dma_wait3A_116, %dma_wait3A_122] : memref<79x128xi32, #tpu.memory_space<vmem>> -> memref<1x128xi32, #tpu.memory_space<vmem>>
    %dma_wait3A_124 = tpu.memref_squeeze %dma_wait3A_123 : memref<1x128xi32, #tpu.memory_space<vmem>> -> memref<128xi32, #tpu.memory_space<vmem>>
    %dma_wait3A_125 = arith.constant 0 : i32
    %dma_wait3A_126 = arith.constant 0 : i32
    %dma_wait3A_127 = tpu.memref_slice %arg9[%dma_wait3A_125, %dma_wait3A_126] : memref<10240x48xf32, #tpu.memory_space<vmem_shared>> -> memref<10240x48xf32, #tpu.memory_space<vmem_shared>>
    %dma_wait3A_128 = tpu.memref_slice %arg11[%dma_wait3A_117] : memref<8x!tpu.dma_semaphore, #tpu.memory_space<semaphore_mem>> -> memref<1x!tpu.dma_semaphore, #tpu.memory_space<semaphore_mem>>
    %dma_wait3A_129 = tpu.memref_squeeze %dma_wait3A_128 : memref<1x!tpu.dma_semaphore, #tpu.memory_space<semaphore_mem>> -> memref<!tpu.dma_semaphore, #tpu.memory_space<semaphore_mem>>
    tpu.wait_indirect_dma semaphore(%dma_wait3A_129 : memref<!tpu.dma_semaphore, #tpu.memory_space<semaphore_mem>>) src(%dma_wait3A_121 : memref<128x48xf32, #tpu.memory_space<vmem>>) dst(%dma_wait3A_127 : memref<10240x48xf32, #tpu.memory_space<vmem_shared>>)
    %dma_wait3A_130 = arith.constant 2 : i32
    %dma_wait3A_131 = arith.constant 0 : i32
    %dma_wait3A_132 = arith.constant 2 : i32
    %dma_wait3A_133 = arith.constant 0 : i32
    %dma_wait3A_134 = arith.constant 0 : i32
    %dma_wait3A_135 = tpu.memref_slice %arg7[%dma_wait3A_130, %dma_wait3A_133, %dma_wait3A_134] : memref<8x128x48xf32, #tpu.memory_space<vmem>> -> memref<1x128x48xf32, #tpu.memory_space<vmem>>
    %dma_wait3A_136 = tpu.memref_squeeze %dma_wait3A_135 : memref<1x128x48xf32, #tpu.memory_space<vmem>> -> memref<128x48xf32, #tpu.memory_space<vmem>>
    %dma_wait3A_137 = arith.constant 0 : i32
    %dma_wait3A_138 = tpu.memref_slice %arg6[%dma_wait3A_131, %dma_wait3A_137] : memref<79x128xi32, #tpu.memory_space<vmem>> -> memref<1x128xi32, #tpu.memory_space<vmem>>
    %dma_wait3A_139 = tpu.memref_squeeze %dma_wait3A_138 : memref<1x128xi32, #tpu.memory_space<vmem>> -> memref<128xi32, #tpu.memory_space<vmem>>
    %dma_wait3A_140 = arith.constant 0 : i32
    %dma_wait3A_141 = arith.constant 0 : i32
    %dma_wait3A_142 = tpu.memref_slice %arg9[%dma_wait3A_140, %dma_wait3A_141] : memref<10240x48xf32, #tpu.memory_space<vmem_shared>> -> memref<10240x48xf32, #tpu.memory_space<vmem_shared>>
    %dma_wait3A_143 = tpu.memref_slice %arg11[%dma_wait3A_132] : memref<8x!tpu.dma_semaphore, #tpu.memory_space<semaphore_mem>> -> memref<1x!tpu.dma_semaphore, #tpu.memory_space<semaphore_mem>>
    %dma_wait3A_144 = tpu.memref_squeeze %dma_wait3A_143 : memref<1x!tpu.dma_semaphore, #tpu.memory_space<semaphore_mem>> -> memref<!tpu.dma_semaphore, #tpu.memory_space<semaphore_mem>>
    tpu.wait_indirect_dma semaphore(%dma_wait3A_144 : memref<!tpu.dma_semaphore, #tpu.memory_space<semaphore_mem>>) src(%dma_wait3A_136 : memref<128x48xf32, #tpu.memory_space<vmem>>) dst(%dma_wait3A_142 : memref<10240x48xf32, #tpu.memory_space<vmem_shared>>)
    %dma_wait3A_145 = arith.constant 3 : i32
    %dma_wait3A_146 = arith.constant 0 : i32
    %dma_wait3A_147 = arith.constant 3 : i32
    %dma_wait3A_148 = arith.constant 0 : i32
    %dma_wait3A_149 = arith.constant 0 : i32
    %dma_wait3A_150 = tpu.memref_slice %arg7[%dma_wait3A_145, %dma_wait3A_148, %dma_wait3A_149] : memref<8x128x48xf32, #tpu.memory_space<vmem>> -> memref<1x128x48xf32, #tpu.memory_space<vmem>>
    %dma_wait3A_151 = tpu.memref_squeeze %dma_wait3A_150 : memref<1x128x48xf32, #tpu.memory_space<vmem>> -> memref<128x48xf32, #tpu.memory_space<vmem>>
    %dma_wait3A_152 = arith.constant 0 : i32
    %dma_wait3A_153 = tpu.memref_slice %arg6[%dma_wait3A_146, %dma_wait3A_152] : memref<79x128xi32, #tpu.memory_space<vmem>> -> memref<1x128xi32, #tpu.memory_space<vmem>>
    %dma_wait3A_154 = tpu.memref_squeeze %dma_wait3A_153 : memref<1x128xi32, #tpu.memory_space<vmem>> -> memref<128xi32, #tpu.memory_space<vmem>>
    %dma_wait3A_155 = arith.constant 0 : i32
    %dma_wait3A_156 = arith.constant 0 : i32
    %dma_wait3A_157 = tpu.memref_slice %arg9[%dma_wait3A_155, %dma_wait3A_156] : memref<10240x48xf32, #tpu.memory_space<vmem_shared>> -> memref<10240x48xf32, #tpu.memory_space<vmem_shared>>
    %dma_wait3A_158 = tpu.memref_slice %arg11[%dma_wait3A_147] : memref<8x!tpu.dma_semaphore, #tpu.memory_space<semaphore_mem>> -> memref<1x!tpu.dma_semaphore, #tpu.memory_space<semaphore_mem>>
    %dma_wait3A_159 = tpu.memref_squeeze %dma_wait3A_158 : memref<1x!tpu.dma_semaphore, #tpu.memory_space<semaphore_mem>> -> memref<!tpu.dma_semaphore, #tpu.memory_space<semaphore_mem>>
    tpu.wait_indirect_dma semaphore(%dma_wait3A_159 : memref<!tpu.dma_semaphore, #tpu.memory_space<semaphore_mem>>) src(%dma_wait3A_151 : memref<128x48xf32, #tpu.memory_space<vmem>>) dst(%dma_wait3A_157 : memref<10240x48xf32, #tpu.memory_space<vmem_shared>>)
    %dma_wait3A_160 = arith.constant 4 : i32
    %dma_wait3A_161 = arith.constant 0 : i32
    %dma_wait3A_162 = arith.constant 4 : i32
    %dma_wait3A_163 = arith.constant 0 : i32
    %dma_wait3A_164 = arith.constant 0 : i32
    %dma_wait3A_165 = tpu.memref_slice %arg7[%dma_wait3A_160, %dma_wait3A_163, %dma_wait3A_164] : memref<8x128x48xf32, #tpu.memory_space<vmem>> -> memref<1x128x48xf32, #tpu.memory_space<vmem>>
    %dma_wait3A_166 = tpu.memref_squeeze %dma_wait3A_165 : memref<1x128x48xf32, #tpu.memory_space<vmem>> -> memref<128x48xf32, #tpu.memory_space<vmem>>
    %dma_wait3A_167 = arith.constant 0 : i32
    %dma_wait3A_168 = tpu.memref_slice %arg6[%dma_wait3A_161, %dma_wait3A_167] : memref<79x128xi32, #tpu.memory_space<vmem>> -> memref<1x128xi32, #tpu.memory_space<vmem>>
    %dma_wait3A_169 = tpu.memref_squeeze %dma_wait3A_168 : memref<1x128xi32, #tpu.memory_space<vmem>> -> memref<128xi32, #tpu.memory_space<vmem>>
    %dma_wait3A_170 = arith.constant 0 : i32
    %dma_wait3A_171 = arith.constant 0 : i32
    %dma_wait3A_172 = tpu.memref_slice %arg9[%dma_wait3A_170, %dma_wait3A_171] : memref<10240x48xf32, #tpu.memory_space<vmem_shared>> -> memref<10240x48xf32, #tpu.memory_space<vmem_shared>>
    %dma_wait3A_173 = tpu.memref_slice %arg11[%dma_wait3A_162] : memref<8x!tpu.dma_semaphore, #tpu.memory_space<semaphore_mem>> -> memref<1x!tpu.dma_semaphore, #tpu.memory_space<semaphore_mem>>
    %dma_wait3A_174 = tpu.memref_squeeze %dma_wait3A_173 : memref<1x!tpu.dma_semaphore, #tpu.memory_space<semaphore_mem>> -> memref<!tpu.dma_semaphore, #tpu.memory_space<semaphore_mem>>
    tpu.wait_indirect_dma semaphore(%dma_wait3A_174 : memref<!tpu.dma_semaphore, #tpu.memory_space<semaphore_mem>>) src(%dma_wait3A_166 : memref<128x48xf32, #tpu.memory_space<vmem>>) dst(%dma_wait3A_172 : memref<10240x48xf32, #tpu.memory_space<vmem_shared>>)
    %dma_wait3A_175 = arith.constant 5 : i32
    %dma_wait3A_176 = arith.constant 0 : i32
    %dma_wait3A_177 = arith.constant 5 : i32
    %dma_wait3A_178 = arith.constant 0 : i32
    %dma_wait3A_179 = arith.constant 0 : i32
    %dma_wait3A_180 = tpu.memref_slice %arg7[%dma_wait3A_175, %dma_wait3A_178, %dma_wait3A_179] : memref<8x128x48xf32, #tpu.memory_space<vmem>> -> memref<1x128x48xf32, #tpu.memory_space<vmem>>
    %dma_wait3A_181 = tpu.memref_squeeze %dma_wait3A_180 : memref<1x128x48xf32, #tpu.memory_space<vmem>> -> memref<128x48xf32, #tpu.memory_space<vmem>>
    %dma_wait3A_182 = arith.constant 0 : i32
    %dma_wait3A_183 = tpu.memref_slice %arg6[%dma_wait3A_176, %dma_wait3A_182] : memref<79x128xi32, #tpu.memory_space<vmem>> -> memref<1x128xi32, #tpu.memory_space<vmem>>
    %dma_wait3A_184 = tpu.memref_squeeze %dma_wait3A_183 : memref<1x128xi32, #tpu.memory_space<vmem>> -> memref<128xi32, #tpu.memory_space<vmem>>
    %dma_wait3A_185 = arith.constant 0 : i32
    %dma_wait3A_186 = arith.constant 0 : i32
    %dma_wait3A_187 = tpu.memref_slice %arg9[%dma_wait3A_185, %dma_wait3A_186] : memref<10240x48xf32, #tpu.memory_space<vmem_shared>> -> memref<10240x48xf32, #tpu.memory_space<vmem_shared>>
    %dma_wait3A_188 = tpu.memref_slice %arg11[%dma_wait3A_177] : memref<8x!tpu.dma_semaphore, #tpu.memory_space<semaphore_mem>> -> memref<1x!tpu.dma_semaphore, #tpu.memory_space<semaphore_mem>>
    %dma_wait3A_189 = tpu.memref_squeeze %dma_wait3A_188 : memref<1x!tpu.dma_semaphore, #tpu.memory_space<semaphore_mem>> -> memref<!tpu.dma_semaphore, #tpu.memory_space<semaphore_mem>>
    tpu.wait_indirect_dma semaphore(%dma_wait3A_189 : memref<!tpu.dma_semaphore, #tpu.memory_space<semaphore_mem>>) src(%dma_wait3A_181 : memref<128x48xf32, #tpu.memory_space<vmem>>) dst(%dma_wait3A_187 : memref<10240x48xf32, #tpu.memory_space<vmem_shared>>)
    %dma_wait3A_190 = arith.constant 6 : i32
    %dma_wait3A_191 = arith.constant 0 : i32
    %dma_wait3A_192 = arith.constant 6 : i32
    %dma_wait3A_193 = arith.constant 0 : i32
    %dma_wait3A_194 = arith.constant 0 : i32
    %dma_wait3A_195 = tpu.memref_slice %arg7[%dma_wait3A_190, %dma_wait3A_193, %dma_wait3A_194] : memref<8x128x48xf32, #tpu.memory_space<vmem>> -> memref<1x128x48xf32, #tpu.memory_space<vmem>>
    %dma_wait3A_196 = tpu.memref_squeeze %dma_wait3A_195 : memref<1x128x48xf32, #tpu.memory_space<vmem>> -> memref<128x48xf32, #tpu.memory_space<vmem>>
    %dma_wait3A_197 = arith.constant 0 : i32
    %dma_wait3A_198 = tpu.memref_slice %arg6[%dma_wait3A_191, %dma_wait3A_197] : memref<79x128xi32, #tpu.memory_space<vmem>> -> memref<1x128xi32, #tpu.memory_space<vmem>>
    %dma_wait3A_199 = tpu.memref_squeeze %dma_wait3A_198 : memref<1x128xi32, #tpu.memory_space<vmem>> -> memref<128xi32, #tpu.memory_space<vmem>>
    %dma_wait3A_200 = arith.constant 0 : i32
    %dma_wait3A_201 = arith.constant 0 : i32
    %dma_wait3A_202 = tpu.memref_slice %arg9[%dma_wait3A_200, %dma_wait3A_201] : memref<10240x48xf32, #tpu.memory_space<vmem_shared>> -> memref<10240x48xf32, #tpu.memory_space<vmem_shared>>
    %dma_wait3A_203 = tpu.memref_slice %arg11[%dma_wait3A_192] : memref<8x!tpu.dma_semaphore, #tpu.memory_space<semaphore_mem>> -> memref<1x!tpu.dma_semaphore, #tpu.memory_space<semaphore_mem>>
    %dma_wait3A_204 = tpu.memref_squeeze %dma_wait3A_203 : memref<1x!tpu.dma_semaphore, #tpu.memory_space<semaphore_mem>> -> memref<!tpu.dma_semaphore, #tpu.memory_space<semaphore_mem>>
    tpu.wait_indirect_dma semaphore(%dma_wait3A_204 : memref<!tpu.dma_semaphore, #tpu.memory_space<semaphore_mem>>) src(%dma_wait3A_196 : memref<128x48xf32, #tpu.memory_space<vmem>>) dst(%dma_wait3A_202 : memref<10240x48xf32, #tpu.memory_space<vmem_shared>>)
    %barrier3A_205 = arith.constant 0 : index
    tpu.barrier barrier_id(%barrier3A_205)
    %mul3A_206 = arith.constant 640 : i32
    %mul3A_207 = arith.muli %arg1, %mul3A_206 : i32
    %multiple_of3A_208 = tpu.assume_multiple %mul3A_207, 640 : i32
    "tpu.region"() ({
      %run_scoped3A_209 = tpu.sem_alloc : memref<!tpu.dma_semaphore, #tpu.memory_space<semaphore_mem>>
      %dma_start3A_210 = arith.constant 0 : i32
      %dma_start3A_211 = tpu.memref_slice %arg4[%arg0, %multiple_of3A_208, %dma_start3A_210] : memref<2x10240x48xf32, #tpu.memory_space<hbm>> -> memref<1x640x48xf32, #tpu.memory_space<hbm>>
      %dma_start3A_212 = tpu.memref_squeeze %dma_start3A_211 : memref<1x640x48xf32, #tpu.memory_space<hbm>> -> memref<640x48xf32, #tpu.memory_space<hbm>>
      %dma_start3A_213 = arith.constant 0 : i32
      %dma_start3A_214 = tpu.memref_slice %arg9[%multiple_of3A_208, %dma_start3A_213] : memref<10240x48xf32, #tpu.memory_space<vmem_shared>> -> memref<640x48xf32, #tpu.memory_space<vmem_shared>>
      tpu.enqueue_dma source(%dma_start3A_214 : memref<640x48xf32, #tpu.memory_space<vmem_shared>>) target(%dma_start3A_212 : memref<640x48xf32, #tpu.memory_space<hbm>>) target_semaphore(%run_scoped3A_209 : memref<!tpu.dma_semaphore, #tpu.memory_space<semaphore_mem>>)
      %dma_wait3A_215 = arith.constant 0 : i32
      %dma_wait3A_216 = tpu.memref_slice %arg4[%arg0, %multiple_of3A_208, %dma_wait3A_215] : memref<2x10240x48xf32, #tpu.memory_space<hbm>> -> memref<1x640x48xf32, #tpu.memory_space<hbm>>
      %dma_wait3A_217 = tpu.memref_squeeze %dma_wait3A_216 : memref<1x640x48xf32, #tpu.memory_space<hbm>> -> memref<640x48xf32, #tpu.memory_space<hbm>>
      %dma_wait3A_218 = arith.constant 0 : i32
      %dma_wait3A_219 = tpu.memref_slice %arg9[%multiple_of3A_208, %dma_wait3A_218] : memref<10240x48xf32, #tpu.memory_space<vmem_shared>> -> memref<640x48xf32, #tpu.memory_space<vmem_shared>>
      tpu.wait_dma2 semaphore(%run_scoped3A_209 : memref<!tpu.dma_semaphore, #tpu.memory_space<semaphore_mem>>) src(%dma_wait3A_219 : memref<640x48xf32, #tpu.memory_space<vmem_shared>>) dst(%dma_wait3A_217 : memref<640x48xf32, #tpu.memory_space<hbm>>)
      tpu.yield
    }) : () -> ()
    return
  }
}

#map = affine_map<(d0, d1) -> (0, 0, 0, 0)>
#map1 = affine_map<(d0, d1) -> (0, 0)>
#map2 = affine_map<(d0, d1) -> (0, 0, 0)>
module attributes {stable_mosaic.version = 14 : i64} {
  func.func @k(%arg0: i32, %arg1: i32, %arg2: memref<2x32x79x128xi32, #tpu.memory_space<hbm>>, %arg3: memref<10000x16xf32, #tpu.memory_space<hbm>>, %arg4: memref<2x10240x16xf32, #tpu.memory_space<hbm>>, %arg5: memref<79x128xi32, #tpu.memory_space<vmem>>, %arg6: memref<79x128xi32, #tpu.memory_space<vmem>>, %arg7: memref<8x128x16xf32, #tpu.memory_space<vmem>>, %arg8: memref<128x16xf32, #tpu.memory_space<vmem>>, %arg9: memref<10240x16xf32, #tpu.memory_space<vmem_shared>>, %arg10: memref<8x!tpu.dma_semaphore, #tpu.memory_space<semaphore_mem>>, %arg11: memref<8x!tpu.dma_semaphore, #tpu.memory_space<semaphore_mem>>) attributes {dimension_semantics = [#tpu.dimension_semantics<core_parallel>, #tpu.dimension_semantics<subcore_parallel>], iteration_bounds = array<i64: 2, 16>, scalar_prefetch = 0 : i64, scratch_operands = 7 : i64, tpu.core_type = #tpu.core_type<sc_vector_subcore>, window_params = [{transform_indices = #map}, {transform_indices = #map1}, {transform_indices = #map2}]} {
    %mul3A = arith.constant 16 : i32
    %mul3A_0 = arith.muli %arg0, %mul3A : i32
    %add3A = arith.addi %mul3A_0, %arg1 : i32
    %scan3A = arith.constant 0 : i32
    %scan3A_1 = arith.constant 0 : i32
    %scan3A_2 = arith.constant 128 : i32
    %scan3A_3 = arith.addi %scan3A_1, %scan3A_2 : i32
    %scan3A_4 = arith.constant 1 : i32
    %scan3A_5 = scf.for %scan3A_209 = %scan3A_1 to %scan3A_3 step %scan3A_4 iter_args(%scan3A_210 = %scan3A) -> (i32)  : i32 {
      %broadcast_in_dim3A = arith.constant 0.000000e+00 : f32
      %broadcast_in_dim3A_211 = vector.broadcast %broadcast_in_dim3A : f32 to vector<16xf32>
      %swap3A = arith.index_cast %scan3A_209 : i32 to index
      %swap3A_212 = arith.constant 0 : index
      %swap3A_213 = tpu.vector_load %arg8[%swap3A, %swap3A_212] {strides = array<i32>} : memref<128x16xf32, #tpu.memory_space<vmem>>, vector<1x16xf32>,
      %swap3A_214 = vector.shape_cast %swap3A_213 : vector<1x16xf32> to vector<16xf32>
      %swap3A_215 = vector.shape_cast %broadcast_in_dim3A_211 : vector<16xf32> to vector<1x16xf32>
      tpu.vector_store %arg8[%swap3A, %swap3A_212], %swap3A_215 {strides = array<i32>} : memref<128x16xf32, #tpu.memory_space<vmem>>, vector<1x16xf32>,
      %scan3A_216 = arith.constant 0 : i32
      scf.yield %scan3A_216 : i32
    }
    %scan3A_6 = arith.constant 128 : i32
    %mul3A_7 = arith.constant 640 : i32
    %mul3A_8 = arith.muli %arg1, %mul3A_7 : i32
    %multiple_of3A = tpu.assume_multiple %mul3A_8, 640 : i32
    %add3A_9 = arith.constant 0 : i32
    %add3A_10 = arith.addi %multiple_of3A, %add3A_9 : i32
    "tpu.region"() ({
      %run_scoped3A_209 = tpu.sem_alloc : memref<!tpu.dma_semaphore, #tpu.memory_space<semaphore_mem>>
      %dma_start3A_210 = arith.constant 0 : i32
      %dma_start3A_211 = tpu.memref_slice %arg9[%add3A_10, %dma_start3A_210] : memref<10240x16xf32, #tpu.memory_space<vmem_shared>> -> memref<128x16xf32, #tpu.memory_space<vmem_shared>>
      %dma_start3A_212 = arith.constant 0 : i32
      %dma_start3A_213 = tpu.memref_slice %arg9[%add3A_10, %dma_start3A_212] : memref<10240x16xf32, #tpu.memory_space<vmem_shared>> -> memref<128x16xf32, #tpu.memory_space<vmem_shared>>
      tpu.enqueue_dma source(%arg8 : memref<128x16xf32, #tpu.memory_space<vmem>>) target(%dma_start3A_213 : memref<128x16xf32, #tpu.memory_space<vmem_shared>>) target_semaphore(%run_scoped3A_209 : memref<!tpu.dma_semaphore, #tpu.memory_space<semaphore_mem>>)
      %dma_wait3A_214 = arith.constant 0 : i32
      %dma_wait3A_215 = tpu.memref_slice %arg9[%add3A_10, %dma_wait3A_214] : memref<10240x16xf32, #tpu.memory_space<vmem_shared>> -> memref<128x16xf32, #tpu.memory_space<vmem_shared>>
      %dma_wait3A_216 = arith.constant 0 : i32
      %dma_wait3A_217 = tpu.memref_slice %arg9[%add3A_10, %dma_wait3A_216] : memref<10240x16xf32, #tpu.memory_space<vmem_shared>> -> memref<128x16xf32, #tpu.memory_space<vmem_shared>>
      tpu.wait_dma2 semaphore(%run_scoped3A_209 : memref<!tpu.dma_semaphore, #tpu.memory_space<semaphore_mem>>) src(%arg8 : memref<128x16xf32, #tpu.memory_space<vmem>>) dst(%dma_wait3A_217 : memref<128x16xf32, #tpu.memory_space<vmem_shared>>)
      tpu.yield
    }) : () -> ()
    %add3A_11 = arith.constant 128 : i32
    %add3A_12 = arith.addi %multiple_of3A, %add3A_11 : i32
    "tpu.region"() ({
      %run_scoped3A_209 = tpu.sem_alloc : memref<!tpu.dma_semaphore, #tpu.memory_space<semaphore_mem>>
      %dma_start3A_210 = arith.constant 0 : i32
      %dma_start3A_211 = tpu.memref_slice %arg9[%add3A_12, %dma_start3A_210] : memref<10240x16xf32, #tpu.memory_space<vmem_shared>> -> memref<128x16xf32, #tpu.memory_space<vmem_shared>>
      %dma_start3A_212 = arith.constant 0 : i32
      %dma_start3A_213 = tpu.memref_slice %arg9[%add3A_12, %dma_start3A_212] : memref<10240x16xf32, #tpu.memory_space<vmem_shared>> -> memref<128x16xf32, #tpu.memory_space<vmem_shared>>
      tpu.enqueue_dma source(%arg8 : memref<128x16xf32, #tpu.memory_space<vmem>>) target(%dma_start3A_213 : memref<128x16xf32, #tpu.memory_space<vmem_shared>>) target_semaphore(%run_scoped3A_209 : memref<!tpu.dma_semaphore, #tpu.memory_space<semaphore_mem>>)
      %dma_wait3A_214 = arith.constant 0 : i32
      %dma_wait3A_215 = tpu.memref_slice %arg9[%add3A_12, %dma_wait3A_214] : memref<10240x16xf32, #tpu.memory_space<vmem_shared>> -> memref<128x16xf32, #tpu.memory_space<vmem_shared>>
      %dma_wait3A_216 = arith.constant 0 : i32
      %dma_wait3A_217 = tpu.memref_slice %arg9[%add3A_12, %dma_wait3A_216] : memref<10240x16xf32, #tpu.memory_space<vmem_shared>> -> memref<128x16xf32, #tpu.memory_space<vmem_shared>>
      tpu.wait_dma2 semaphore(%run_scoped3A_209 : memref<!tpu.dma_semaphore, #tpu.memory_space<semaphore_mem>>) src(%arg8 : memref<128x16xf32, #tpu.memory_space<vmem>>) dst(%dma_wait3A_217 : memref<128x16xf32, #tpu.memory_space<vmem_shared>>)
      tpu.yield
    }) : () -> ()
    %add3A_13 = arith.constant 256 : i32
    %add3A_14 = arith.addi %multiple_of3A, %add3A_13 : i32
    "tpu.region"() ({
      %run_scoped3A_209 = tpu.sem_alloc : memref<!tpu.dma_semaphore, #tpu.memory_space<semaphore_mem>>
      %dma_start3A_210 = arith.constant 0 : i32
      %dma_start3A_211 = tpu.memref_slice %arg9[%add3A_14, %dma_start3A_210] : memref<10240x16xf32, #tpu.memory_space<vmem_shared>> -> memref<128x16xf32, #tpu.memory_space<vmem_shared>>
      %dma_start3A_212 = arith.constant 0 : i32
      %dma_start3A_213 = tpu.memref_slice %arg9[%add3A_14, %dma_start3A_212] : memref<10240x16xf32, #tpu.memory_space<vmem_shared>> -> memref<128x16xf32, #tpu.memory_space<vmem_shared>>
      tpu.enqueue_dma source(%arg8 : memref<128x16xf32, #tpu.memory_space<vmem>>) target(%dma_start3A_213 : memref<128x16xf32, #tpu.memory_space<vmem_shared>>) target_semaphore(%run_scoped3A_209 : memref<!tpu.dma_semaphore, #tpu.memory_space<semaphore_mem>>)
      %dma_wait3A_214 = arith.constant 0 : i32
      %dma_wait3A_215 = tpu.memref_slice %arg9[%add3A_14, %dma_wait3A_214] : memref<10240x16xf32, #tpu.memory_space<vmem_shared>> -> memref<128x16xf32, #tpu.memory_space<vmem_shared>>
      %dma_wait3A_216 = arith.constant 0 : i32
      %dma_wait3A_217 = tpu.memref_slice %arg9[%add3A_14, %dma_wait3A_216] : memref<10240x16xf32, #tpu.memory_space<vmem_shared>> -> memref<128x16xf32, #tpu.memory_space<vmem_shared>>
      tpu.wait_dma2 semaphore(%run_scoped3A_209 : memref<!tpu.dma_semaphore, #tpu.memory_space<semaphore_mem>>) src(%arg8 : memref<128x16xf32, #tpu.memory_space<vmem>>) dst(%dma_wait3A_217 : memref<128x16xf32, #tpu.memory_space<vmem_shared>>)
      tpu.yield
    }) : () -> ()
    %add3A_15 = arith.constant 384 : i32
    %add3A_16 = arith.addi %multiple_of3A, %add3A_15 : i32
    "tpu.region"() ({
      %run_scoped3A_209 = tpu.sem_alloc : memref<!tpu.dma_semaphore, #tpu.memory_space<semaphore_mem>>
      %dma_start3A_210 = arith.constant 0 : i32
      %dma_start3A_211 = tpu.memref_slice %arg9[%add3A_16, %dma_start3A_210] : memref<10240x16xf32, #tpu.memory_space<vmem_shared>> -> memref<128x16xf32, #tpu.memory_space<vmem_shared>>
      %dma_start3A_212 = arith.constant 0 : i32
      %dma_start3A_213 = tpu.memref_slice %arg9[%add3A_16, %dma_start3A_212] : memref<10240x16xf32, #tpu.memory_space<vmem_shared>> -> memref<128x16xf32, #tpu.memory_space<vmem_shared>>
      tpu.enqueue_dma source(%arg8 : memref<128x16xf32, #tpu.memory_space<vmem>>) target(%dma_start3A_213 : memref<128x16xf32, #tpu.memory_space<vmem_shared>>) target_semaphore(%run_scoped3A_209 : memref<!tpu.dma_semaphore, #tpu.memory_space<semaphore_mem>>)
      %dma_wait3A_214 = arith.constant 0 : i32
      %dma_wait3A_215 = tpu.memref_slice %arg9[%add3A_16, %dma_wait3A_214] : memref<10240x16xf32, #tpu.memory_space<vmem_shared>> -> memref<128x16xf32, #tpu.memory_space<vmem_shared>>
      %dma_wait3A_216 = arith.constant 0 : i32
      %dma_wait3A_217 = tpu.memref_slice %arg9[%add3A_16, %dma_wait3A_216] : memref<10240x16xf32, #tpu.memory_space<vmem_shared>> -> memref<128x16xf32, #tpu.memory_space<vmem_shared>>
      tpu.wait_dma2 semaphore(%run_scoped3A_209 : memref<!tpu.dma_semaphore, #tpu.memory_space<semaphore_mem>>) src(%arg8 : memref<128x16xf32, #tpu.memory_space<vmem>>) dst(%dma_wait3A_217 : memref<128x16xf32, #tpu.memory_space<vmem_shared>>)
      tpu.yield
    }) : () -> ()
    %add3A_17 = arith.constant 512 : i32
    %add3A_18 = arith.addi %multiple_of3A, %add3A_17 : i32
    "tpu.region"() ({
      %run_scoped3A_209 = tpu.sem_alloc : memref<!tpu.dma_semaphore, #tpu.memory_space<semaphore_mem>>
      %dma_start3A_210 = arith.constant 0 : i32
      %dma_start3A_211 = tpu.memref_slice %arg9[%add3A_18, %dma_start3A_210] : memref<10240x16xf32, #tpu.memory_space<vmem_shared>> -> memref<128x16xf32, #tpu.memory_space<vmem_shared>>
      %dma_start3A_212 = arith.constant 0 : i32
      %dma_start3A_213 = tpu.memref_slice %arg9[%add3A_18, %dma_start3A_212] : memref<10240x16xf32, #tpu.memory_space<vmem_shared>> -> memref<128x16xf32, #tpu.memory_space<vmem_shared>>
      tpu.enqueue_dma source(%arg8 : memref<128x16xf32, #tpu.memory_space<vmem>>) target(%dma_start3A_213 : memref<128x16xf32, #tpu.memory_space<vmem_shared>>) target_semaphore(%run_scoped3A_209 : memref<!tpu.dma_semaphore, #tpu.memory_space<semaphore_mem>>)
      %dma_wait3A_214 = arith.constant 0 : i32
      %dma_wait3A_215 = tpu.memref_slice %arg9[%add3A_18, %dma_wait3A_214] : memref<10240x16xf32, #tpu.memory_space<vmem_shared>> -> memref<128x16xf32, #tpu.memory_space<vmem_shared>>
      %dma_wait3A_216 = arith.constant 0 : i32
      %dma_wait3A_217 = tpu.memref_slice %arg9[%add3A_18, %dma_wait3A_216] : memref<10240x16xf32, #tpu.memory_space<vmem_shared>> -> memref<128x16xf32, #tpu.memory_space<vmem_shared>>
      tpu.wait_dma2 semaphore(%run_scoped3A_209 : memref<!tpu.dma_semaphore, #tpu.memory_space<semaphore_mem>>) src(%arg8 : memref<128x16xf32, #tpu.memory_space<vmem>>) dst(%dma_wait3A_217 : memref<128x16xf32, #tpu.memory_space<vmem_shared>>)
      tpu.yield
    }) : () -> ()
    %barrier3A = arith.constant 0 : index
    tpu.barrier barrier_id(%barrier3A)
    %run_scoped3A = arith.constant 0 : i32
    "tpu.region"() ({
      %run_scoped3A_209 = tpu.sem_alloc : memref<!tpu.dma_semaphore, #tpu.memory_space<semaphore_mem>>
      %dma_start3A_210 = arith.constant 0 : i32
      %dma_start3A_211 = arith.constant 0 : i32
      %dma_start3A_212 = tpu.memref_slice %arg2[%run_scoped3A, %add3A, %dma_start3A_210, %dma_start3A_211] : memref<2x32x79x128xi32, #tpu.memory_space<hbm>> -> memref<1x1x79x128xi32, #tpu.memory_space<hbm>>
      %dma_start3A_213 = tpu.memref_squeeze %dma_start3A_212 : memref<1x1x79x128xi32, #tpu.memory_space<hbm>> -> memref<79x128xi32, #tpu.memory_space<hbm>>
      %dma_start3A_214 = arith.constant 0 : i32
      %dma_start3A_215 = arith.constant 0 : i32
      %dma_start3A_216 = tpu.memref_slice %arg2[%run_scoped3A, %add3A, %dma_start3A_214, %dma_start3A_215] : memref<2x32x79x128xi32, #tpu.memory_space<hbm>> -> memref<1x1x79x128xi32, #tpu.memory_space<hbm>>
      %dma_start3A_217 = tpu.memref_squeeze %dma_start3A_216 : memref<1x1x79x128xi32, #tpu.memory_space<hbm>> -> memref<79x128xi32, #tpu.memory_space<hbm>>
      tpu.enqueue_dma source(%dma_start3A_217 : memref<79x128xi32, #tpu.memory_space<hbm>>) target(%arg5 : memref<79x128xi32, #tpu.memory_space<vmem>>) target_semaphore(%run_scoped3A_209 : memref<!tpu.dma_semaphore, #tpu.memory_space<semaphore_mem>>)
      %dma_wait3A_218 = arith.constant 0 : i32
      %dma_wait3A_219 = arith.constant 0 : i32
      %dma_wait3A_220 = tpu.memref_slice %arg2[%run_scoped3A, %add3A, %dma_wait3A_218, %dma_wait3A_219] : memref<2x32x79x128xi32, #tpu.memory_space<hbm>> -> memref<1x1x79x128xi32, #tpu.memory_space<hbm>>
      %dma_wait3A_221 = tpu.memref_squeeze %dma_wait3A_220 : memref<1x1x79x128xi32, #tpu.memory_space<hbm>> -> memref<79x128xi32, #tpu.memory_space<hbm>>
      %dma_wait3A_222 = arith.constant 0 : i32
      %dma_wait3A_223 = arith.constant 0 : i32
      %dma_wait3A_224 = tpu.memref_slice %arg2[%run_scoped3A, %add3A, %dma_wait3A_222, %dma_wait3A_223] : memref<2x32x79x128xi32, #tpu.memory_space<hbm>> -> memref<1x1x79x128xi32, #tpu.memory_space<hbm>>
      %dma_wait3A_225 = tpu.memref_squeeze %dma_wait3A_224 : memref<1x1x79x128xi32, #tpu.memory_space<hbm>> -> memref<79x128xi32, #tpu.memory_space<hbm>>
      tpu.wait_dma2 semaphore(%run_scoped3A_209 : memref<!tpu.dma_semaphore, #tpu.memory_space<semaphore_mem>>) src(%dma_wait3A_225 : memref<79x128xi32, #tpu.memory_space<hbm>>) dst(%arg5 : memref<79x128xi32, #tpu.memory_space<vmem>>)
      tpu.yield
    }) : () -> ()
    %run_scoped3A_19 = arith.constant 1 : i32
    "tpu.region"() ({
      %run_scoped3A_209 = tpu.sem_alloc : memref<!tpu.dma_semaphore, #tpu.memory_space<semaphore_mem>>
      %dma_start3A_210 = arith.constant 0 : i32
      %dma_start3A_211 = arith.constant 0 : i32
      %dma_start3A_212 = tpu.memref_slice %arg2[%run_scoped3A_19, %add3A, %dma_start3A_210, %dma_start3A_211] : memref<2x32x79x128xi32, #tpu.memory_space<hbm>> -> memref<1x1x79x128xi32, #tpu.memory_space<hbm>>
      %dma_start3A_213 = tpu.memref_squeeze %dma_start3A_212 : memref<1x1x79x128xi32, #tpu.memory_space<hbm>> -> memref<79x128xi32, #tpu.memory_space<hbm>>
      %dma_start3A_214 = arith.constant 0 : i32
      %dma_start3A_215 = arith.constant 0 : i32
      %dma_start3A_216 = tpu.memref_slice %arg2[%run_scoped3A_19, %add3A, %dma_start3A_214, %dma_start3A_215] : memref<2x32x79x128xi32, #tpu.memory_space<hbm>> -> memref<1x1x79x128xi32, #tpu.memory_space<hbm>>
      %dma_start3A_217 = tpu.memref_squeeze %dma_start3A_216 : memref<1x1x79x128xi32, #tpu.memory_space<hbm>> -> memref<79x128xi32, #tpu.memory_space<hbm>>
      tpu.enqueue_dma source(%dma_start3A_217 : memref<79x128xi32, #tpu.memory_space<hbm>>) target(%arg6 : memref<79x128xi32, #tpu.memory_space<vmem>>) target_semaphore(%run_scoped3A_209 : memref<!tpu.dma_semaphore, #tpu.memory_space<semaphore_mem>>)
      %dma_wait3A_218 = arith.constant 0 : i32
      %dma_wait3A_219 = arith.constant 0 : i32
      %dma_wait3A_220 = tpu.memref_slice %arg2[%run_scoped3A_19, %add3A, %dma_wait3A_218, %dma_wait3A_219] : memref<2x32x79x128xi32, #tpu.memory_space<hbm>> -> memref<1x1x79x128xi32, #tpu.memory_space<hbm>>
      %dma_wait3A_221 = tpu.memref_squeeze %dma_wait3A_220 : memref<1x1x79x128xi32, #tpu.memory_space<hbm>> -> memref<79x128xi32, #tpu.memory_space<hbm>>
      %dma_wait3A_222 = arith.constant 0 : i32
      %dma_wait3A_223 = arith.constant 0 : i32
      %dma_wait3A_224 = tpu.memref_slice %arg2[%run_scoped3A_19, %add3A, %dma_wait3A_222, %dma_wait3A_223] : memref<2x32x79x128xi32, #tpu.memory_space<hbm>> -> memref<1x1x79x128xi32, #tpu.memory_space<hbm>>
      %dma_wait3A_225 = tpu.memref_squeeze %dma_wait3A_224 : memref<1x1x79x128xi32, #tpu.memory_space<hbm>> -> memref<79x128xi32, #tpu.memory_space<hbm>>
      tpu.wait_dma2 semaphore(%run_scoped3A_209 : memref<!tpu.dma_semaphore, #tpu.memory_space<semaphore_mem>>) src(%dma_wait3A_225 : memref<79x128xi32, #tpu.memory_space<hbm>>) dst(%arg6 : memref<79x128xi32, #tpu.memory_space<vmem>>)
      tpu.yield
    }) : () -> ()
    %dma_start3A = arith.constant 0 : i32
    %dma_start3A_20 = arith.constant 0 : i32
    %dma_start3A_21 = arith.constant 0 : i32
    %dma_start3A_22 = arith.constant 0 : i32
    %dma_start3A_23 = arith.constant 0 : i32
    %dma_start3A_24 = tpu.memref_slice %arg7[%dma_start3A_20, %dma_start3A_22, %dma_start3A_23] : memref<8x128x16xf32, #tpu.memory_space<vmem>> -> memref<1x128x16xf32, #tpu.memory_space<vmem>>
    %dma_start3A_25 = tpu.memref_squeeze %dma_start3A_24 : memref<1x128x16xf32, #tpu.memory_space<vmem>> -> memref<128x16xf32, #tpu.memory_space<vmem>>
    %dma_start3A_26 = arith.constant 0 : i32
    %dma_start3A_27 = tpu.memref_slice %arg5[%dma_start3A, %dma_start3A_26] : memref<79x128xi32, #tpu.memory_space<vmem>> -> memref<1x128xi32, #tpu.memory_space<vmem>>
    %dma_start3A_28 = tpu.memref_squeeze %dma_start3A_27 : memref<1x128xi32, #tpu.memory_space<vmem>> -> memref<128xi32, #tpu.memory_space<vmem>>
    %dma_start3A_29 = arith.constant 0 : i32
    %dma_start3A_30 = arith.constant 0 : i32
    %dma_start3A_31 = tpu.memref_slice %arg3[%dma_start3A_29, %dma_start3A_30] : memref<10000x16xf32, #tpu.memory_space<hbm>> -> memref<10000x16xf32, #tpu.memory_space<hbm>>
    %dma_start3A_32 = tpu.memref_slice %arg10[%dma_start3A_21] : memref<8x!tpu.dma_semaphore, #tpu.memory_space<semaphore_mem>> -> memref<1x!tpu.dma_semaphore, #tpu.memory_space<semaphore_mem>>
    %dma_start3A_33 = tpu.memref_squeeze %dma_start3A_32 : memref<1x!tpu.dma_semaphore, #tpu.memory_space<semaphore_mem>> -> memref<!tpu.dma_semaphore, #tpu.memory_space<semaphore_mem>>
    tpu.enqueue_indirect_dma source(%dma_start3A_31 : memref<10000x16xf32, #tpu.memory_space<hbm>>) target(%dma_start3A_25 : memref<128x16xf32, #tpu.memory_space<vmem>>) offsets(%dma_start3A_28 : memref<128xi32, #tpu.memory_space<vmem>>) semaphore(%dma_start3A_33 : memref<!tpu.dma_semaphore, #tpu.memory_space<semaphore_mem>>)
    %dma_start3A_34 = arith.constant 1 : i32
    %dma_start3A_35 = arith.constant 1 : i32
    %dma_start3A_36 = arith.constant 1 : i32
    %dma_start3A_37 = arith.constant 0 : i32
    %dma_start3A_38 = arith.constant 0 : i32
    %dma_start3A_39 = tpu.memref_slice %arg7[%dma_start3A_35, %dma_start3A_37, %dma_start3A_38] : memref<8x128x16xf32, #tpu.memory_space<vmem>> -> memref<1x128x16xf32, #tpu.memory_space<vmem>>
    %dma_start3A_40 = tpu.memref_squeeze %dma_start3A_39 : memref<1x128x16xf32, #tpu.memory_space<vmem>> -> memref<128x16xf32, #tpu.memory_space<vmem>>
    %dma_start3A_41 = arith.constant 0 : i32
    %dma_start3A_42 = tpu.memref_slice %arg5[%dma_start3A_34, %dma_start3A_41] : memref<79x128xi32, #tpu.memory_space<vmem>> -> memref<1x128xi32, #tpu.memory_space<vmem>>
    %dma_start3A_43 = tpu.memref_squeeze %dma_start3A_42 : memref<1x128xi32, #tpu.memory_space<vmem>> -> memref<128xi32, #tpu.memory_space<vmem>>
    %dma_start3A_44 = arith.constant 0 : i32
    %dma_start3A_45 = arith.constant 0 : i32
    %dma_start3A_46 = tpu.memref_slice %arg3[%dma_start3A_44, %dma_start3A_45] : memref<10000x16xf32, #tpu.memory_space<hbm>> -> memref<10000x16xf32, #tpu.memory_space<hbm>>
    %dma_start3A_47 = tpu.memref_slice %arg10[%dma_start3A_36] : memref<8x!tpu.dma_semaphore, #tpu.memory_space<semaphore_mem>> -> memref<1x!tpu.dma_semaphore, #tpu.memory_space<semaphore_mem>>
    %dma_start3A_48 = tpu.memref_squeeze %dma_start3A_47 : memref<1x!tpu.dma_semaphore, #tpu.memory_space<semaphore_mem>> -> memref<!tpu.dma_semaphore, #tpu.memory_space<semaphore_mem>>
    tpu.enqueue_indirect_dma source(%dma_start3A_46 : memref<10000x16xf32, #tpu.memory_space<hbm>>) target(%dma_start3A_40 : memref<128x16xf32, #tpu.memory_space<vmem>>) offsets(%dma_start3A_43 : memref<128xi32, #tpu.memory_space<vmem>>) semaphore(%dma_start3A_48 : memref<!tpu.dma_semaphore, #tpu.memory_space<semaphore_mem>>)
    %dma_start3A_49 = arith.constant 2 : i32
    %dma_start3A_50 = arith.constant 2 : i32
    %dma_start3A_51 = arith.constant 2 : i32
    %dma_start3A_52 = arith.constant 0 : i32
    %dma_start3A_53 = arith.constant 0 : i32
    %dma_start3A_54 = tpu.memref_slice %arg7[%dma_start3A_50, %dma_start3A_52, %dma_start3A_53] : memref<8x128x16xf32, #tpu.memory_space<vmem>> -> memref<1x128x16xf32, #tpu.memory_space<vmem>>
    %dma_start3A_55 = tpu.memref_squeeze %dma_start3A_54 : memref<1x128x16xf32, #tpu.memory_space<vmem>> -> memref<128x16xf32, #tpu.memory_space<vmem>>
    %dma_start3A_56 = arith.constant 0 : i32
    %dma_start3A_57 = tpu.memref_slice %arg5[%dma_start3A_49, %dma_start3A_56] : memref<79x128xi32, #tpu.memory_space<vmem>> -> memref<1x128xi32, #tpu.memory_space<vmem>>
    %dma_start3A_58 = tpu.memref_squeeze %dma_start3A_57 : memref<1x128xi32, #tpu.memory_space<vmem>> -> memref<128xi32, #tpu.memory_space<vmem>>
    %dma_start3A_59 = arith.constant 0 : i32
    %dma_start3A_60 = arith.constant 0 : i32
    %dma_start3A_61 = tpu.memref_slice %arg3[%dma_start3A_59, %dma_start3A_60] : memref<10000x16xf32, #tpu.memory_space<hbm>> -> memref<10000x16xf32, #tpu.memory_space<hbm>>
    %dma_start3A_62 = tpu.memref_slice %arg10[%dma_start3A_51] : memref<8x!tpu.dma_semaphore, #tpu.memory_space<semaphore_mem>> -> memref<1x!tpu.dma_semaphore, #tpu.memory_space<semaphore_mem>>
    %dma_start3A_63 = tpu.memref_squeeze %dma_start3A_62 : memref<1x!tpu.dma_semaphore, #tpu.memory_space<semaphore_mem>> -> memref<!tpu.dma_semaphore, #tpu.memory_space<semaphore_mem>>
    tpu.enqueue_indirect_dma source(%dma_start3A_61 : memref<10000x16xf32, #tpu.memory_space<hbm>>) target(%dma_start3A_55 : memref<128x16xf32, #tpu.memory_space<vmem>>) offsets(%dma_start3A_58 : memref<128xi32, #tpu.memory_space<vmem>>) semaphore(%dma_start3A_63 : memref<!tpu.dma_semaphore, #tpu.memory_space<semaphore_mem>>)
    %dma_start3A_64 = arith.constant 3 : i32
    %dma_start3A_65 = arith.constant 3 : i32
    %dma_start3A_66 = arith.constant 3 : i32
    %dma_start3A_67 = arith.constant 0 : i32
    %dma_start3A_68 = arith.constant 0 : i32
    %dma_start3A_69 = tpu.memref_slice %arg7[%dma_start3A_65, %dma_start3A_67, %dma_start3A_68] : memref<8x128x16xf32, #tpu.memory_space<vmem>> -> memref<1x128x16xf32, #tpu.memory_space<vmem>>
    %dma_start3A_70 = tpu.memref_squeeze %dma_start3A_69 : memref<1x128x16xf32, #tpu.memory_space<vmem>> -> memref<128x16xf32, #tpu.memory_space<vmem>>
    %dma_start3A_71 = arith.constant 0 : i32
    %dma_start3A_72 = tpu.memref_slice %arg5[%dma_start3A_64, %dma_start3A_71] : memref<79x128xi32, #tpu.memory_space<vmem>> -> memref<1x128xi32, #tpu.memory_space<vmem>>
    %dma_start3A_73 = tpu.memref_squeeze %dma_start3A_72 : memref<1x128xi32, #tpu.memory_space<vmem>> -> memref<128xi32, #tpu.memory_space<vmem>>
    %dma_start3A_74 = arith.constant 0 : i32
    %dma_start3A_75 = arith.constant 0 : i32
    %dma_start3A_76 = tpu.memref_slice %arg3[%dma_start3A_74, %dma_start3A_75] : memref<10000x16xf32, #tpu.memory_space<hbm>> -> memref<10000x16xf32, #tpu.memory_space<hbm>>
    %dma_start3A_77 = tpu.memref_slice %arg10[%dma_start3A_66] : memref<8x!tpu.dma_semaphore, #tpu.memory_space<semaphore_mem>> -> memref<1x!tpu.dma_semaphore, #tpu.memory_space<semaphore_mem>>
    %dma_start3A_78 = tpu.memref_squeeze %dma_start3A_77 : memref<1x!tpu.dma_semaphore, #tpu.memory_space<semaphore_mem>> -> memref<!tpu.dma_semaphore, #tpu.memory_space<semaphore_mem>>
    tpu.enqueue_indirect_dma source(%dma_start3A_76 : memref<10000x16xf32, #tpu.memory_space<hbm>>) target(%dma_start3A_70 : memref<128x16xf32, #tpu.memory_space<vmem>>) offsets(%dma_start3A_73 : memref<128xi32, #tpu.memory_space<vmem>>) semaphore(%dma_start3A_78 : memref<!tpu.dma_semaphore, #tpu.memory_space<semaphore_mem>>)
    %scan3A_79 = arith.constant 0 : i32
    %scan3A_80 = arith.constant 0 : i32
    %scan3A_81 = arith.constant 79 : i32
    %scan3A_82 = arith.addi %scan3A_80, %scan3A_81 : i32
    %scan3A_83 = arith.constant 1 : i32
    %scan3A_84 = scf.for %scan3A_209 = %scan3A_80 to %scan3A_82 step %scan3A_83 iter_args(%scan3A_210 = %scan3A_79) -> (i32)  : i32 {
      %add3A_211 = arith.constant 4 : i32
      %add3A_212 = arith.addi %scan3A_209, %add3A_211 : i32
      %lt3A = arith.constant 79 : i32
      %lt3A_213 = arith.cmpi slt, %add3A_212, %lt3A : i32
      %convert_element_type3A = arith.extui %lt3A_213 : i1 to i32
      %cond3A = arith.constant 0 : i32
      %cond3A_214 = arith.cmpi ne, %convert_element_type3A, %cond3A : i32
      scf.if %cond3A_214 {
        %add3A_241 = arith.constant 4 : i32
        %add3A_242 = arith.addi %scan3A_209, %add3A_241 : i32
        %rem3A_243 = arith.constant 8 : i32
        %rem3A_244 = arith.remsi %add3A_242, %rem3A_243 : i32
        %add3A_245 = arith.constant 4 : i32
        %add3A_246 = arith.addi %scan3A_209, %add3A_245 : i32
        %ge3A = arith.constant 8 : i32
        %ge3A_247 = arith.cmpi sge, %add3A_246, %ge3A : i32
        %convert_element_type3A_248 = arith.extui %ge3A_247 : i1 to i32
        %cond3A_249 = arith.constant 0 : i32
        %cond3A_250 = arith.cmpi ne, %convert_element_type3A_248, %cond3A_249 : i32
        scf.if %cond3A_250 {
          %dma_wait3A_265 = arith.constant 0 : i32
          %dma_wait3A_266 = arith.constant 0 : i32
          %dma_wait3A_267 = arith.constant 0 : i32
          %dma_wait3A_268 = tpu.memref_slice %arg7[%rem3A_244, %dma_wait3A_266, %dma_wait3A_267] : memref<8x128x16xf32, #tpu.memory_space<vmem>> -> memref<1x128x16xf32, #tpu.memory_space<vmem>>
          %dma_wait3A_269 = tpu.memref_squeeze %dma_wait3A_268 : memref<1x128x16xf32, #tpu.memory_space<vmem>> -> memref<128x16xf32, #tpu.memory_space<vmem>>
          %dma_wait3A_270 = arith.constant 0 : i32
          %dma_wait3A_271 = tpu.memref_slice %arg6[%dma_wait3A_265, %dma_wait3A_270] : memref<79x128xi32, #tpu.memory_space<vmem>> -> memref<1x128xi32, #tpu.memory_space<vmem>>
          %dma_wait3A_272 = tpu.memref_squeeze %dma_wait3A_271 : memref<1x128xi32, #tpu.memory_space<vmem>> -> memref<128xi32, #tpu.memory_space<vmem>>
          %dma_wait3A_273 = arith.constant 0 : i32
          %dma_wait3A_274 = arith.constant 0 : i32
          %dma_wait3A_275 = tpu.memref_slice %arg9[%dma_wait3A_273, %dma_wait3A_274] : memref<10240x16xf32, #tpu.memory_space<vmem_shared>> -> memref<10240x16xf32, #tpu.memory_space<vmem_shared>>
          %dma_wait3A_276 = tpu.memref_slice %arg11[%rem3A_244] : memref<8x!tpu.dma_semaphore, #tpu.memory_space<semaphore_mem>> -> memref<1x!tpu.dma_semaphore, #tpu.memory_space<semaphore_mem>>
          %dma_wait3A_277 = tpu.memref_squeeze %dma_wait3A_276 : memref<1x!tpu.dma_semaphore, #tpu.memory_space<semaphore_mem>> -> memref<!tpu.dma_semaphore, #tpu.memory_space<semaphore_mem>>
          tpu.wait_indirect_dma semaphore(%dma_wait3A_277 : memref<!tpu.dma_semaphore, #tpu.memory_space<semaphore_mem>>) src(%dma_wait3A_269 : memref<128x16xf32, #tpu.memory_space<vmem>>) dst(%dma_wait3A_275 : memref<10240x16xf32, #tpu.memory_space<vmem_shared>>)
        } else {
        }
        %add3A_251 = arith.constant 4 : i32
        %add3A_252 = arith.addi %scan3A_209, %add3A_251 : i32
        %dma_start3A_253 = arith.constant 0 : i32
        %dma_start3A_254 = arith.constant 0 : i32
        %dma_start3A_255 = tpu.memref_slice %arg7[%rem3A_244, %dma_start3A_253, %dma_start3A_254] : memref<8x128x16xf32, #tpu.memory_space<vmem>> -> memref<1x128x16xf32, #tpu.memory_space<vmem>>
        %dma_start3A_256 = tpu.memref_squeeze %dma_start3A_255 : memref<1x128x16xf32, #tpu.memory_space<vmem>> -> memref<128x16xf32, #tpu.memory_space<vmem>>
        %dma_start3A_257 = arith.constant 0 : i32
        %dma_start3A_258 = tpu.memref_slice %arg5[%add3A_252, %dma_start3A_257] : memref<79x128xi32, #tpu.memory_space<vmem>> -> memref<1x128xi32, #tpu.memory_space<vmem>>
        %dma_start3A_259 = tpu.memref_squeeze %dma_start3A_258 : memref<1x128xi32, #tpu.memory_space<vmem>> -> memref<128xi32, #tpu.memory_space<vmem>>
        %dma_start3A_260 = arith.constant 0 : i32
        %dma_start3A_261 = arith.constant 0 : i32
        %dma_start3A_262 = tpu.memref_slice %arg3[%dma_start3A_260, %dma_start3A_261] : memref<10000x16xf32, #tpu.memory_space<hbm>> -> memref<10000x16xf32, #tpu.memory_space<hbm>>
        %dma_start3A_263 = tpu.memref_slice %arg10[%rem3A_244] : memref<8x!tpu.dma_semaphore, #tpu.memory_space<semaphore_mem>> -> memref<1x!tpu.dma_semaphore, #tpu.memory_space<semaphore_mem>>
        %dma_start3A_264 = tpu.memref_squeeze %dma_start3A_263 : memref<1x!tpu.dma_semaphore, #tpu.memory_space<semaphore_mem>> -> memref<!tpu.dma_semaphore, #tpu.memory_space<semaphore_mem>>
        tpu.enqueue_indirect_dma source(%dma_start3A_262 : memref<10000x16xf32, #tpu.memory_space<hbm>>) target(%dma_start3A_256 : memref<128x16xf32, #tpu.memory_space<vmem>>) offsets(%dma_start3A_259 : memref<128xi32, #tpu.memory_space<vmem>>) semaphore(%dma_start3A_264 : memref<!tpu.dma_semaphore, #tpu.memory_space<semaphore_mem>>)
      } else {
      }
      %rem3A = arith.constant 8 : i32
      %rem3A_215 = arith.remsi %scan3A_209, %rem3A : i32
      %dma_wait3A_216 = arith.constant 0 : i32
      %dma_wait3A_217 = arith.constant 0 : i32
      %dma_wait3A_218 = tpu.memref_slice %arg7[%rem3A_215, %dma_wait3A_216, %dma_wait3A_217] : memref<8x128x16xf32, #tpu.memory_space<vmem>> -> memref<1x128x16xf32, #tpu.memory_space<vmem>>
      %dma_wait3A_219 = tpu.memref_squeeze %dma_wait3A_218 : memref<1x128x16xf32, #tpu.memory_space<vmem>> -> memref<128x16xf32, #tpu.memory_space<vmem>>
      %dma_wait3A_220 = arith.constant 0 : i32
      %dma_wait3A_221 = tpu.memref_slice %arg5[%scan3A_209, %dma_wait3A_220] : memref<79x128xi32, #tpu.memory_space<vmem>> -> memref<1x128xi32, #tpu.memory_space<vmem>>
      %dma_wait3A_222 = tpu.memref_squeeze %dma_wait3A_221 : memref<1x128xi32, #tpu.memory_space<vmem>> -> memref<128xi32, #tpu.memory_space<vmem>>
      %dma_wait3A_223 = arith.constant 0 : i32
      %dma_wait3A_224 = arith.constant 0 : i32
      %dma_wait3A_225 = tpu.memref_slice %arg3[%dma_wait3A_223, %dma_wait3A_224] : memref<10000x16xf32, #tpu.memory_space<hbm>> -> memref<10000x16xf32, #tpu.memory_space<hbm>>
      %dma_wait3A_226 = tpu.memref_slice %arg10[%rem3A_215] : memref<8x!tpu.dma_semaphore, #tpu.memory_space<semaphore_mem>> -> memref<1x!tpu.dma_semaphore, #tpu.memory_space<semaphore_mem>>
      %dma_wait3A_227 = tpu.memref_squeeze %dma_wait3A_226 : memref<1x!tpu.dma_semaphore, #tpu.memory_space<semaphore_mem>> -> memref<!tpu.dma_semaphore, #tpu.memory_space<semaphore_mem>>
      tpu.wait_indirect_dma semaphore(%dma_wait3A_227 : memref<!tpu.dma_semaphore, #tpu.memory_space<semaphore_mem>>) src(%dma_wait3A_225 : memref<10000x16xf32, #tpu.memory_space<hbm>>) dst(%dma_wait3A_219 : memref<128x16xf32, #tpu.memory_space<vmem>>)
      %dma_start3A_228 = arith.constant 0 : i32
      %dma_start3A_229 = arith.constant 0 : i32
      %dma_start3A_230 = tpu.memref_slice %arg7[%rem3A_215, %dma_start3A_228, %dma_start3A_229] : memref<8x128x16xf32, #tpu.memory_space<vmem>> -> memref<1x128x16xf32, #tpu.memory_space<vmem>>
      %dma_start3A_231 = tpu.memref_squeeze %dma_start3A_230 : memref<1x128x16xf32, #tpu.memory_space<vmem>> -> memref<128x16xf32, #tpu.memory_space<vmem>>
      %dma_start3A_232 = arith.constant 0 : i32
      %dma_start3A_233 = tpu.memref_slice %arg6[%scan3A_209, %dma_start3A_232] : memref<79x128xi32, #tpu.memory_space<vmem>> -> memref<1x128xi32, #tpu.memory_space<vmem>>
      %dma_start3A_234 = tpu.memref_squeeze %dma_start3A_233 : memref<1x128xi32, #tpu.memory_space<vmem>> -> memref<128xi32, #tpu.memory_space<vmem>>
      %dma_start3A_235 = arith.constant 0 : i32
      %dma_start3A_236 = arith.constant 0 : i32
      %dma_start3A_237 = tpu.memref_slice %arg9[%dma_start3A_235, %dma_start3A_236] : memref<10240x16xf32, #tpu.memory_space<vmem_shared>> -> memref<10240x16xf32, #tpu.memory_space<vmem_shared>>
      %dma_start3A_238 = tpu.memref_slice %arg11[%rem3A_215] : memref<8x!tpu.dma_semaphore, #tpu.memory_space<semaphore_mem>> -> memref<1x!tpu.dma_semaphore, #tpu.memory_space<semaphore_mem>>
      %dma_start3A_239 = tpu.memref_squeeze %dma_start3A_238 : memref<1x!tpu.dma_semaphore, #tpu.memory_space<semaphore_mem>> -> memref<!tpu.dma_semaphore, #tpu.memory_space<semaphore_mem>>
      tpu.enqueue_indirect_dma source(%dma_start3A_231 : memref<128x16xf32, #tpu.memory_space<vmem>>) target(%dma_start3A_237 : memref<10240x16xf32, #tpu.memory_space<vmem_shared>>) offsets(%dma_start3A_234 : memref<128xi32, #tpu.memory_space<vmem>>) semaphore(%dma_start3A_239 : memref<!tpu.dma_semaphore, #tpu.memory_space<semaphore_mem>>) {add = true}
      %scan3A_240 = arith.constant 0 : i32
      scf.yield %scan3A_240 : i32
    }
    %scan3A_85 = arith.constant 79 : i32
    %dma_wait3A = arith.constant 7 : i32
    %dma_wait3A_86 = arith.constant 0 : i32
    %dma_wait3A_87 = arith.constant 7 : i32
    %dma_wait3A_88 = arith.constant 0 : i32
    %dma_wait3A_89 = arith.constant 0 : i32
    %dma_wait3A_90 = tpu.memref_slice %arg7[%dma_wait3A, %dma_wait3A_88, %dma_wait3A_89] : memref<8x128x16xf32, #tpu.memory_space<vmem>> -> memref<1x128x16xf32, #tpu.memory_space<vmem>>
    %dma_wait3A_91 = tpu.memref_squeeze %dma_wait3A_90 : memref<1x128x16xf32, #tpu.memory_space<vmem>> -> memref<128x16xf32, #tpu.memory_space<vmem>>
    %dma_wait3A_92 = arith.constant 0 : i32
    %dma_wait3A_93 = tpu.memref_slice %arg6[%dma_wait3A_86, %dma_wait3A_92] : memref<79x128xi32, #tpu.memory_space<vmem>> -> memref<1x128xi32, #tpu.memory_space<vmem>>
    %dma_wait3A_94 = tpu.memref_squeeze %dma_wait3A_93 : memref<1x128xi32, #tpu.memory_space<vmem>> -> memref<128xi32, #tpu.memory_space<vmem>>
    %dma_wait3A_95 = arith.constant 0 : i32
    %dma_wait3A_96 = arith.constant 0 : i32
    %dma_wait3A_97 = tpu.memref_slice %arg9[%dma_wait3A_95, %dma_wait3A_96] : memref<10240x16xf32, #tpu.memory_space<vmem_shared>> -> memref<10240x16xf32, #tpu.memory_space<vmem_shared>>
    %dma_wait3A_98 = tpu.memref_slice %arg11[%dma_wait3A_87] : memref<8x!tpu.dma_semaphore, #tpu.memory_space<semaphore_mem>> -> memref<1x!tpu.dma_semaphore, #tpu.memory_space<semaphore_mem>>
    %dma_wait3A_99 = tpu.memref_squeeze %dma_wait3A_98 : memref<1x!tpu.dma_semaphore, #tpu.memory_space<semaphore_mem>> -> memref<!tpu.dma_semaphore, #tpu.memory_space<semaphore_mem>>
    tpu.wait_indirect_dma semaphore(%dma_wait3A_99 : memref<!tpu.dma_semaphore, #tpu.memory_space<semaphore_mem>>) src(%dma_wait3A_91 : memref<128x16xf32, #tpu.memory_space<vmem>>) dst(%dma_wait3A_97 : memref<10240x16xf32, #tpu.memory_space<vmem_shared>>)
    %dma_wait3A_100 = arith.constant 0 : i32
    %dma_wait3A_101 = arith.constant 0 : i32
    %dma_wait3A_102 = arith.constant 0 : i32
    %dma_wait3A_103 = arith.constant 0 : i32
    %dma_wait3A_104 = arith.constant 0 : i32
    %dma_wait3A_105 = tpu.memref_slice %arg7[%dma_wait3A_100, %dma_wait3A_103, %dma_wait3A_104] : memref<8x128x16xf32, #tpu.memory_space<vmem>> -> memref<1x128x16xf32, #tpu.memory_space<vmem>>
    %dma_wait3A_106 = tpu.memref_squeeze %dma_wait3A_105 : memref<1x128x16xf32, #tpu.memory_space<vmem>> -> memref<128x16xf32, #tpu.memory_space<vmem>>
    %dma_wait3A_107 = arith.constant 0 : i32
    %dma_wait3A_108 = tpu.memref_slice %arg6[%dma_wait3A_101, %dma_wait3A_107] : memref<79x128xi32, #tpu.memory_space<vmem>> -> memref<1x128xi32, #tpu.memory_space<vmem>>
    %dma_wait3A_109 = tpu.memref_squeeze %dma_wait3A_108 : memref<1x128xi32, #tpu.memory_space<vmem>> -> memref<128xi32, #tpu.memory_space<vmem>>
    %dma_wait3A_110 = arith.constant 0 : i32
    %dma_wait3A_111 = arith.constant 0 : i32
    %dma_wait3A_112 = tpu.memref_slice %arg9[%dma_wait3A_110, %dma_wait3A_111] : memref<10240x16xf32, #tpu.memory_space<vmem_shared>> -> memref<10240x16xf32, #tpu.memory_space<vmem_shared>>
    %dma_wait3A_113 = tpu.memref_slice %arg11[%dma_wait3A_102] : memref<8x!tpu.dma_semaphore, #tpu.memory_space<semaphore_mem>> -> memref<1x!tpu.dma_semaphore, #tpu.memory_space<semaphore_mem>>
    %dma_wait3A_114 = tpu.memref_squeeze %dma_wait3A_113 : memref<1x!tpu.dma_semaphore, #tpu.memory_space<semaphore_mem>> -> memref<!tpu.dma_semaphore, #tpu.memory_space<semaphore_mem>>
    tpu.wait_indirect_dma semaphore(%dma_wait3A_114 : memref<!tpu.dma_semaphore, #tpu.memory_space<semaphore_mem>>) src(%dma_wait3A_106 : memref<128x16xf32, #tpu.memory_space<vmem>>) dst(%dma_wait3A_112 : memref<10240x16xf32, #tpu.memory_space<vmem_shared>>)
    %dma_wait3A_115 = arith.constant 1 : i32
    %dma_wait3A_116 = arith.constant 0 : i32
    %dma_wait3A_117 = arith.constant 1 : i32
    %dma_wait3A_118 = arith.constant 0 : i32
    %dma_wait3A_119 = arith.constant 0 : i32
    %dma_wait3A_120 = tpu.memref_slice %arg7[%dma_wait3A_115, %dma_wait3A_118, %dma_wait3A_119] : memref<8x128x16xf32, #tpu.memory_space<vmem>> -> memref<1x128x16xf32, #tpu.memory_space<vmem>>
    %dma_wait3A_121 = tpu.memref_squeeze %dma_wait3A_120 : memref<1x128x16xf32, #tpu.memory_space<vmem>> -> memref<128x16xf32, #tpu.memory_space<vmem>>
    %dma_wait3A_122 = arith.constant 0 : i32
    %dma_wait3A_123 = tpu.memref_slice %arg6[%dma_wait3A_116, %dma_wait3A_122] : memref<79x128xi32, #tpu.memory_space<vmem>> -> memref<1x128xi32, #tpu.memory_space<vmem>>
    %dma_wait3A_124 = tpu.memref_squeeze %dma_wait3A_123 : memref<1x128xi32, #tpu.memory_space<vmem>> -> memref<128xi32, #tpu.memory_space<vmem>>
    %dma_wait3A_125 = arith.constant 0 : i32
    %dma_wait3A_126 = arith.constant 0 : i32
    %dma_wait3A_127 = tpu.memref_slice %arg9[%dma_wait3A_125, %dma_wait3A_126] : memref<10240x16xf32, #tpu.memory_space<vmem_shared>> -> memref<10240x16xf32, #tpu.memory_space<vmem_shared>>
    %dma_wait3A_128 = tpu.memref_slice %arg11[%dma_wait3A_117] : memref<8x!tpu.dma_semaphore, #tpu.memory_space<semaphore_mem>> -> memref<1x!tpu.dma_semaphore, #tpu.memory_space<semaphore_mem>>
    %dma_wait3A_129 = tpu.memref_squeeze %dma_wait3A_128 : memref<1x!tpu.dma_semaphore, #tpu.memory_space<semaphore_mem>> -> memref<!tpu.dma_semaphore, #tpu.memory_space<semaphore_mem>>
    tpu.wait_indirect_dma semaphore(%dma_wait3A_129 : memref<!tpu.dma_semaphore, #tpu.memory_space<semaphore_mem>>) src(%dma_wait3A_121 : memref<128x16xf32, #tpu.memory_space<vmem>>) dst(%dma_wait3A_127 : memref<10240x16xf32, #tpu.memory_space<vmem_shared>>)
    %dma_wait3A_130 = arith.constant 2 : i32
    %dma_wait3A_131 = arith.constant 0 : i32
    %dma_wait3A_132 = arith.constant 2 : i32
    %dma_wait3A_133 = arith.constant 0 : i32
    %dma_wait3A_134 = arith.constant 0 : i32
    %dma_wait3A_135 = tpu.memref_slice %arg7[%dma_wait3A_130, %dma_wait3A_133, %dma_wait3A_134] : memref<8x128x16xf32, #tpu.memory_space<vmem>> -> memref<1x128x16xf32, #tpu.memory_space<vmem>>
    %dma_wait3A_136 = tpu.memref_squeeze %dma_wait3A_135 : memref<1x128x16xf32, #tpu.memory_space<vmem>> -> memref<128x16xf32, #tpu.memory_space<vmem>>
    %dma_wait3A_137 = arith.constant 0 : i32
    %dma_wait3A_138 = tpu.memref_slice %arg6[%dma_wait3A_131, %dma_wait3A_137] : memref<79x128xi32, #tpu.memory_space<vmem>> -> memref<1x128xi32, #tpu.memory_space<vmem>>
    %dma_wait3A_139 = tpu.memref_squeeze %dma_wait3A_138 : memref<1x128xi32, #tpu.memory_space<vmem>> -> memref<128xi32, #tpu.memory_space<vmem>>
    %dma_wait3A_140 = arith.constant 0 : i32
    %dma_wait3A_141 = arith.constant 0 : i32
    %dma_wait3A_142 = tpu.memref_slice %arg9[%dma_wait3A_140, %dma_wait3A_141] : memref<10240x16xf32, #tpu.memory_space<vmem_shared>> -> memref<10240x16xf32, #tpu.memory_space<vmem_shared>>
    %dma_wait3A_143 = tpu.memref_slice %arg11[%dma_wait3A_132] : memref<8x!tpu.dma_semaphore, #tpu.memory_space<semaphore_mem>> -> memref<1x!tpu.dma_semaphore, #tpu.memory_space<semaphore_mem>>
    %dma_wait3A_144 = tpu.memref_squeeze %dma_wait3A_143 : memref<1x!tpu.dma_semaphore, #tpu.memory_space<semaphore_mem>> -> memref<!tpu.dma_semaphore, #tpu.memory_space<semaphore_mem>>
    tpu.wait_indirect_dma semaphore(%dma_wait3A_144 : memref<!tpu.dma_semaphore, #tpu.memory_space<semaphore_mem>>) src(%dma_wait3A_136 : memref<128x16xf32, #tpu.memory_space<vmem>>) dst(%dma_wait3A_142 : memref<10240x16xf32, #tpu.memory_space<vmem_shared>>)
    %dma_wait3A_145 = arith.constant 3 : i32
    %dma_wait3A_146 = arith.constant 0 : i32
    %dma_wait3A_147 = arith.constant 3 : i32
    %dma_wait3A_148 = arith.constant 0 : i32
    %dma_wait3A_149 = arith.constant 0 : i32
    %dma_wait3A_150 = tpu.memref_slice %arg7[%dma_wait3A_145, %dma_wait3A_148, %dma_wait3A_149] : memref<8x128x16xf32, #tpu.memory_space<vmem>> -> memref<1x128x16xf32, #tpu.memory_space<vmem>>
    %dma_wait3A_151 = tpu.memref_squeeze %dma_wait3A_150 : memref<1x128x16xf32, #tpu.memory_space<vmem>> -> memref<128x16xf32, #tpu.memory_space<vmem>>
    %dma_wait3A_152 = arith.constant 0 : i32
    %dma_wait3A_153 = tpu.memref_slice %arg6[%dma_wait3A_146, %dma_wait3A_152] : memref<79x128xi32, #tpu.memory_space<vmem>> -> memref<1x128xi32, #tpu.memory_space<vmem>>
    %dma_wait3A_154 = tpu.memref_squeeze %dma_wait3A_153 : memref<1x128xi32, #tpu.memory_space<vmem>> -> memref<128xi32, #tpu.memory_space<vmem>>
    %dma_wait3A_155 = arith.constant 0 : i32
    %dma_wait3A_156 = arith.constant 0 : i32
    %dma_wait3A_157 = tpu.memref_slice %arg9[%dma_wait3A_155, %dma_wait3A_156] : memref<10240x16xf32, #tpu.memory_space<vmem_shared>> -> memref<10240x16xf32, #tpu.memory_space<vmem_shared>>
    %dma_wait3A_158 = tpu.memref_slice %arg11[%dma_wait3A_147] : memref<8x!tpu.dma_semaphore, #tpu.memory_space<semaphore_mem>> -> memref<1x!tpu.dma_semaphore, #tpu.memory_space<semaphore_mem>>
    %dma_wait3A_159 = tpu.memref_squeeze %dma_wait3A_158 : memref<1x!tpu.dma_semaphore, #tpu.memory_space<semaphore_mem>> -> memref<!tpu.dma_semaphore, #tpu.memory_space<semaphore_mem>>
    tpu.wait_indirect_dma semaphore(%dma_wait3A_159 : memref<!tpu.dma_semaphore, #tpu.memory_space<semaphore_mem>>) src(%dma_wait3A_151 : memref<128x16xf32, #tpu.memory_space<vmem>>) dst(%dma_wait3A_157 : memref<10240x16xf32, #tpu.memory_space<vmem_shared>>)
    %dma_wait3A_160 = arith.constant 4 : i32
    %dma_wait3A_161 = arith.constant 0 : i32
    %dma_wait3A_162 = arith.constant 4 : i32
    %dma_wait3A_163 = arith.constant 0 : i32
    %dma_wait3A_164 = arith.constant 0 : i32
    %dma_wait3A_165 = tpu.memref_slice %arg7[%dma_wait3A_160, %dma_wait3A_163, %dma_wait3A_164] : memref<8x128x16xf32, #tpu.memory_space<vmem>> -> memref<1x128x16xf32, #tpu.memory_space<vmem>>
    %dma_wait3A_166 = tpu.memref_squeeze %dma_wait3A_165 : memref<1x128x16xf32, #tpu.memory_space<vmem>> -> memref<128x16xf32, #tpu.memory_space<vmem>>
    %dma_wait3A_167 = arith.constant 0 : i32
    %dma_wait3A_168 = tpu.memref_slice %arg6[%dma_wait3A_161, %dma_wait3A_167] : memref<79x128xi32, #tpu.memory_space<vmem>> -> memref<1x128xi32, #tpu.memory_space<vmem>>
    %dma_wait3A_169 = tpu.memref_squeeze %dma_wait3A_168 : memref<1x128xi32, #tpu.memory_space<vmem>> -> memref<128xi32, #tpu.memory_space<vmem>>
    %dma_wait3A_170 = arith.constant 0 : i32
    %dma_wait3A_171 = arith.constant 0 : i32
    %dma_wait3A_172 = tpu.memref_slice %arg9[%dma_wait3A_170, %dma_wait3A_171] : memref<10240x16xf32, #tpu.memory_space<vmem_shared>> -> memref<10240x16xf32, #tpu.memory_space<vmem_shared>>
    %dma_wait3A_173 = tpu.memref_slice %arg11[%dma_wait3A_162] : memref<8x!tpu.dma_semaphore, #tpu.memory_space<semaphore_mem>> -> memref<1x!tpu.dma_semaphore, #tpu.memory_space<semaphore_mem>>
    %dma_wait3A_174 = tpu.memref_squeeze %dma_wait3A_173 : memref<1x!tpu.dma_semaphore, #tpu.memory_space<semaphore_mem>> -> memref<!tpu.dma_semaphore, #tpu.memory_space<semaphore_mem>>
    tpu.wait_indirect_dma semaphore(%dma_wait3A_174 : memref<!tpu.dma_semaphore, #tpu.memory_space<semaphore_mem>>) src(%dma_wait3A_166 : memref<128x16xf32, #tpu.memory_space<vmem>>) dst(%dma_wait3A_172 : memref<10240x16xf32, #tpu.memory_space<vmem_shared>>)
    %dma_wait3A_175 = arith.constant 5 : i32
    %dma_wait3A_176 = arith.constant 0 : i32
    %dma_wait3A_177 = arith.constant 5 : i32
    %dma_wait3A_178 = arith.constant 0 : i32
    %dma_wait3A_179 = arith.constant 0 : i32
    %dma_wait3A_180 = tpu.memref_slice %arg7[%dma_wait3A_175, %dma_wait3A_178, %dma_wait3A_179] : memref<8x128x16xf32, #tpu.memory_space<vmem>> -> memref<1x128x16xf32, #tpu.memory_space<vmem>>
    %dma_wait3A_181 = tpu.memref_squeeze %dma_wait3A_180 : memref<1x128x16xf32, #tpu.memory_space<vmem>> -> memref<128x16xf32, #tpu.memory_space<vmem>>
    %dma_wait3A_182 = arith.constant 0 : i32
    %dma_wait3A_183 = tpu.memref_slice %arg6[%dma_wait3A_176, %dma_wait3A_182] : memref<79x128xi32, #tpu.memory_space<vmem>> -> memref<1x128xi32, #tpu.memory_space<vmem>>
    %dma_wait3A_184 = tpu.memref_squeeze %dma_wait3A_183 : memref<1x128xi32, #tpu.memory_space<vmem>> -> memref<128xi32, #tpu.memory_space<vmem>>
    %dma_wait3A_185 = arith.constant 0 : i32
    %dma_wait3A_186 = arith.constant 0 : i32
    %dma_wait3A_187 = tpu.memref_slice %arg9[%dma_wait3A_185, %dma_wait3A_186] : memref<10240x16xf32, #tpu.memory_space<vmem_shared>> -> memref<10240x16xf32, #tpu.memory_space<vmem_shared>>
    %dma_wait3A_188 = tpu.memref_slice %arg11[%dma_wait3A_177] : memref<8x!tpu.dma_semaphore, #tpu.memory_space<semaphore_mem>> -> memref<1x!tpu.dma_semaphore, #tpu.memory_space<semaphore_mem>>
    %dma_wait3A_189 = tpu.memref_squeeze %dma_wait3A_188 : memref<1x!tpu.dma_semaphore, #tpu.memory_space<semaphore_mem>> -> memref<!tpu.dma_semaphore, #tpu.memory_space<semaphore_mem>>
    tpu.wait_indirect_dma semaphore(%dma_wait3A_189 : memref<!tpu.dma_semaphore, #tpu.memory_space<semaphore_mem>>) src(%dma_wait3A_181 : memref<128x16xf32, #tpu.memory_space<vmem>>) dst(%dma_wait3A_187 : memref<10240x16xf32, #tpu.memory_space<vmem_shared>>)
    %dma_wait3A_190 = arith.constant 6 : i32
    %dma_wait3A_191 = arith.constant 0 : i32
    %dma_wait3A_192 = arith.constant 6 : i32
    %dma_wait3A_193 = arith.constant 0 : i32
    %dma_wait3A_194 = arith.constant 0 : i32
    %dma_wait3A_195 = tpu.memref_slice %arg7[%dma_wait3A_190, %dma_wait3A_193, %dma_wait3A_194] : memref<8x128x16xf32, #tpu.memory_space<vmem>> -> memref<1x128x16xf32, #tpu.memory_space<vmem>>
    %dma_wait3A_196 = tpu.memref_squeeze %dma_wait3A_195 : memref<1x128x16xf32, #tpu.memory_space<vmem>> -> memref<128x16xf32, #tpu.memory_space<vmem>>
    %dma_wait3A_197 = arith.constant 0 : i32
    %dma_wait3A_198 = tpu.memref_slice %arg6[%dma_wait3A_191, %dma_wait3A_197] : memref<79x128xi32, #tpu.memory_space<vmem>> -> memref<1x128xi32, #tpu.memory_space<vmem>>
    %dma_wait3A_199 = tpu.memref_squeeze %dma_wait3A_198 : memref<1x128xi32, #tpu.memory_space<vmem>> -> memref<128xi32, #tpu.memory_space<vmem>>
    %dma_wait3A_200 = arith.constant 0 : i32
    %dma_wait3A_201 = arith.constant 0 : i32
    %dma_wait3A_202 = tpu.memref_slice %arg9[%dma_wait3A_200, %dma_wait3A_201] : memref<10240x16xf32, #tpu.memory_space<vmem_shared>> -> memref<10240x16xf32, #tpu.memory_space<vmem_shared>>
    %dma_wait3A_203 = tpu.memref_slice %arg11[%dma_wait3A_192] : memref<8x!tpu.dma_semaphore, #tpu.memory_space<semaphore_mem>> -> memref<1x!tpu.dma_semaphore, #tpu.memory_space<semaphore_mem>>
    %dma_wait3A_204 = tpu.memref_squeeze %dma_wait3A_203 : memref<1x!tpu.dma_semaphore, #tpu.memory_space<semaphore_mem>> -> memref<!tpu.dma_semaphore, #tpu.memory_space<semaphore_mem>>
    tpu.wait_indirect_dma semaphore(%dma_wait3A_204 : memref<!tpu.dma_semaphore, #tpu.memory_space<semaphore_mem>>) src(%dma_wait3A_196 : memref<128x16xf32, #tpu.memory_space<vmem>>) dst(%dma_wait3A_202 : memref<10240x16xf32, #tpu.memory_space<vmem_shared>>)
    %barrier3A_205 = arith.constant 0 : index
    tpu.barrier barrier_id(%barrier3A_205)
    %mul3A_206 = arith.constant 640 : i32
    %mul3A_207 = arith.muli %arg1, %mul3A_206 : i32
    %multiple_of3A_208 = tpu.assume_multiple %mul3A_207, 640 : i32
    "tpu.region"() ({
      %run_scoped3A_209 = tpu.sem_alloc : memref<!tpu.dma_semaphore, #tpu.memory_space<semaphore_mem>>
      %dma_start3A_210 = arith.constant 0 : i32
      %dma_start3A_211 = tpu.memref_slice %arg4[%arg0, %multiple_of3A_208, %dma_start3A_210] : memref<2x10240x16xf32, #tpu.memory_space<hbm>> -> memref<1x640x16xf32, #tpu.memory_space<hbm>>
      %dma_start3A_212 = tpu.memref_squeeze %dma_start3A_211 : memref<1x640x16xf32, #tpu.memory_space<hbm>> -> memref<640x16xf32, #tpu.memory_space<hbm>>
      %dma_start3A_213 = arith.constant 0 : i32
      %dma_start3A_214 = tpu.memref_slice %arg9[%multiple_of3A_208, %dma_start3A_213] : memref<10240x16xf32, #tpu.memory_space<vmem_shared>> -> memref<640x16xf32, #tpu.memory_space<vmem_shared>>
      tpu.enqueue_dma source(%dma_start3A_214 : memref<640x16xf32, #tpu.memory_space<vmem_shared>>) target(%dma_start3A_212 : memref<640x16xf32, #tpu.memory_space<hbm>>) target_semaphore(%run_scoped3A_209 : memref<!tpu.dma_semaphore, #tpu.memory_space<semaphore_mem>>)
      %dma_wait3A_215 = arith.constant 0 : i32
      %dma_wait3A_216 = tpu.memref_slice %arg4[%arg0, %multiple_of3A_208, %dma_wait3A_215] : memref<2x10240x16xf32, #tpu.memory_space<hbm>> -> memref<1x640x16xf32, #tpu.memory_space<hbm>>
      %dma_wait3A_217 = tpu.memref_squeeze %dma_wait3A_216 : memref<1x640x16xf32, #tpu.memory_space<hbm>> -> memref<640x16xf32, #tpu.memory_space<hbm>>
      %dma_wait3A_218 = arith.constant 0 : i32
      %dma_wait3A_219 = tpu.memref_slice %arg9[%multiple_of3A_208, %dma_wait3A_218] : memref<10240x16xf32, #tpu.memory_space<vmem_shared>> -> memref<640x16xf32, #tpu.memory_space<vmem_shared>>
      tpu.wait_dma2 semaphore(%run_scoped3A_209 : memref<!tpu.dma_semaphore, #tpu.memory_space<semaphore_mem>>) src(%dma_wait3A_219 : memref<640x16xf32, #tpu.memory_space<vmem_shared>>) dst(%dma_wait3A_217 : memref<640x16xf32, #tpu.memory_space<hbm>>)
      tpu.yield
    }) : () -> ()
    return
  }
}

module attributes {stable_mosaic.version = 14 : i64} {
  func.func @body(%arg0: i32, %arg1: memref<160x1024xf32, #tpu.memory_space<vmem>>, %arg2: memref<128x16xf32, #tpu.memory_space<vmem>>, %arg3: memref<2x160x8xf32, #tpu.memory_space<vmem>>, %arg4: memref<160x128xf32, #tpu.memory_space<vmem>>) attributes {dimension_semantics = [#tpu.dimension_semantics<arbitrary>], iteration_bounds = array<i64: 8>, scalar_prefetch = 0 : i64, scratch_operands = 0 : i64, tpu.core_type = #tpu.core_type<tc>, window_params = [{transform_indices = @transform_0, window_bounds = array<i64: 160, 1024>}, {pipeline_mode = #tpu.pipeline_mode<synchronous>, transform_indices = @transform_1, window_bounds = array<i64: 128, 16>}, {transform_indices = @transform_2, window_bounds = array<i64: 2, 160, 8>}, {transform_indices = @transform_3, window_bounds = array<i64: 160, 128>}]} {
    %get3A = arith.constant 0 : index
    %get3A_0 = arith.constant 0 : index
    %get3A_1 = arith.constant 0 : index
    %get3A_2 = vector.load %arg3[%get3A, %get3A_0, %get3A_1] : memref<2x160x8xf32, #tpu.memory_space<vmem>>, vector<1x160x8xf32>
    %get3A_3 = vector.shape_cast %get3A_2 : vector<1x160x8xf32> to vector<160x8xf32>
    %get3A_4 = arith.constant 1 : index
    %get3A_5 = arith.constant 0 : index
    %get3A_6 = arith.constant 0 : index
    %get3A_7 = vector.load %arg3[%get3A_4, %get3A_5, %get3A_6] : memref<2x160x8xf32, #tpu.memory_space<vmem>>, vector<1x160x8xf32>
    %get3A_8 = vector.shape_cast %get3A_7 : vector<1x160x8xf32> to vector<160x8xf32>
    %add3A = arith.addf %get3A_3, %get3A_8 : vector<160x8xf32>
    %add3A_9 = arith.constant 1.000000e+00 : f32
    %add3A_10 = vector.broadcast %add3A_9 : f32 to vector<160x8xf32>
    %add3A_11 = arith.addf %add3A, %add3A_10 : vector<160x8xf32>
    %rsqrt3A = math.rsqrt %add3A_11 : vector<160x8xf32>
    %iota3A = tpu.iota {dimensions = array<i32: 1>} : vector<8x128xi32>
    %jit3A = arith.constant 16 : i32
    %div3A = vector.broadcast %jit3A : i32 to vector<8x128xi32>
    %div3A_12 = arith.divsi %iota3A, %div3A : vector<8x128xi32>
    %sign3A = arith.constant 0 : i32
    %sign3A_13 = vector.broadcast %sign3A : i32 to vector<8x128xi32>
    %sign3A_14 = arith.cmpi sgt, %iota3A, %sign3A_13 : vector<8x128xi32>
    %sign3A_15 = arith.extui %sign3A_14 : vector<8x128xi1> to vector<8x128xi32>
    %sign3A_16 = arith.constant 0 : i32
    %sign3A_17 = vector.broadcast %sign3A_16 : i32 to vector<8x128xi32>
    %sign3A_18 = arith.cmpi slt, %iota3A, %sign3A_17 : vector<8x128xi32>
    %sign3A_19 = arith.extui %sign3A_18 : vector<8x128xi1> to vector<8x128xi32>
    %sign3A_20 = arith.subi %sign3A_15, %sign3A_19 : vector<8x128xi32>
    %sign3A_21 = arith.constant 0 : i32
    %sign3A_22 = arith.cmpi sgt, %jit3A, %sign3A_21 : i32
    %sign3A_23 = arith.extui %sign3A_22 : i1 to i32
    %sign3A_24 = arith.constant 0 : i32
    %sign3A_25 = arith.cmpi slt, %jit3A, %sign3A_24 : i32
    %sign3A_26 = arith.extui %sign3A_25 : i1 to i32
    %sign3A_27 = arith.subi %sign3A_23, %sign3A_26 : i32
    %ne3A = vector.broadcast %sign3A_27 : i32 to vector<8x128xi32>
    %ne3A_28 = arith.cmpi ne, %sign3A_20, %ne3A : vector<8x128xi32>
    %rem3A = vector.broadcast %jit3A : i32 to vector<8x128xi32>
    %rem3A_29 = arith.remsi %iota3A, %rem3A : vector<8x128xi32>
    %ne3A_30 = arith.constant 0 : i32
    %ne3A_31 = vector.broadcast %ne3A_30 : i32 to vector<8x128xi32>
    %ne3A_32 = arith.cmpi ne, %rem3A_29, %ne3A_31 : vector<8x128xi32>
    %and3A = arith.andi %ne3A_28, %ne3A_32 : vector<8x128xi1>
    %sub3A = arith.constant 1 : i32
    %sub3A_33 = vector.broadcast %sub3A : i32 to vector<8x128xi32>
    %sub3A_34 = arith.subi %div3A_12, %sub3A_33 : vector<8x128xi32>
    %select_n3A = arith.select %and3A, %sub3A_34, %div3A_12 : vector<8x128xi1>, vector<8x128xi32>
    %iota3A_35 = tpu.iota {dimensions = array<i32: 0>} : vector<8x128xi32>
    %iota3A_36 = tpu.iota {dimensions = array<i32: 1>} : vector<8x128xi32>
    %jit3A_37 = arith.constant 16 : i32
    %eq3A = arith.constant 0 : i32
    %eq3A_38 = arith.cmpi eq, %jit3A_37, %eq3A : i32
    %jit3A_39 = arith.constant 1 : i32
    %select_n3A_40 = arith.select %eq3A_38, %jit3A_39, %jit3A_37 : i32
    %rem3A_41 = vector.broadcast %select_n3A_40 : i32 to vector<8x128xi32>
    %rem3A_42 = arith.remsi %iota3A_36, %rem3A_41 : vector<8x128xi32>
    %ne3A_43 = arith.constant 0 : i32
    %ne3A_44 = vector.broadcast %ne3A_43 : i32 to vector<8x128xi32>
    %ne3A_45 = arith.cmpi ne, %rem3A_42, %ne3A_44 : vector<8x128xi32>
    %lt3A = arith.constant 0 : i32
    %lt3A_46 = vector.broadcast %lt3A : i32 to vector<8x128xi32>
    %lt3A_47 = arith.cmpi slt, %rem3A_42, %lt3A_46 : vector<8x128xi32>
    %lt3A_48 = arith.constant 0 : i32
    %lt3A_49 = arith.cmpi slt, %select_n3A_40, %lt3A_48 : i32
    %ne3A_50 = vector.broadcast %lt3A_49 : i1 to vector<8x128xi1>
    %ne3A_51 = vector.broadcast %ne3A_50 : vector<8x128xi1> to vector<8x128xi1>
    %ne3A_52 = arith.xori %lt3A_47, %ne3A_51 : vector<8x128xi1>
    %and3A_53 = arith.andi %ne3A_52, %ne3A_45 : vector<8x128xi1>
    %add3A_54 = vector.broadcast %select_n3A_40 : i32 to vector<8x128xi32>
    %add3A_55 = arith.addi %rem3A_42, %add3A_54 : vector<8x128xi32>
    %select_n3A_56 = arith.select %and3A_53, %add3A_55, %rem3A_42 : vector<8x128xi1>, vector<8x128xi32>
    %eq3A_57 = arith.cmpi eq, %select_n3A, %iota3A_35 : vector<8x128xi32>
    %lt3A_58 = arith.constant 16 : i32
    %lt3A_59 = vector.broadcast %lt3A_58 : i32 to vector<8x128xi32>
    %lt3A_60 = arith.cmpi slt, %select_n3A_56, %lt3A_59 : vector<8x128xi32>
    %and3A_61 = arith.andi %eq3A_57, %lt3A_60 : vector<8x128xi1>
    %jit3A_62 = arith.constant 1.000000e+00 : f32
    %jit3A_63 = arith.constant 0.000000e+00 : f32
    %broadcast_in_dim3A = vector.broadcast %jit3A_62 : f32 to vector<8x128xf32>
    %broadcast_in_dim3A_64 = vector.broadcast %jit3A_63 : f32 to vector<8x128xf32>
    %select_n3A_65 = arith.select %and3A_61, %broadcast_in_dim3A, %broadcast_in_dim3A_64 : vector<8x128xi1>, vector<8x128xf32>
    %dot_general3A = arith.constant dense<0.000000e+00> : vector<160x128xf32>
    %dot_general3A_66 = tpu.matmul %rsqrt3A, %select_n3A_65, %dot_general3A {dimension_numbers = #tpu.dot_dimension_numbers<[1], [0], [0], [1], [0, 0, 1, 1], [], []>, precision = #tpu.contract_precision<fp32>, transpose_lhs_hint = false} : vector<160x8xf32>, vector<8x128xf32>, vector<160x128xf32> -> vector<160x128xf32>
    %get3A_67 = arith.constant 0 : index
    %get3A_68 = arith.constant 0 : index
    %get3A_69 = vector.load %arg1[%get3A_67, %get3A_68] : memref<160x1024xf32, #tpu.memory_space<vmem>>, vector<160x1024xf32>
    %get3A_70 = arith.constant 0 : index
    %get3A_71 = arith.constant 0 : index
    %get3A_72 = vector.load %arg2[%get3A_70, %get3A_71] : memref<128x16xf32, #tpu.memory_space<vmem>>, vector<128x16xf32>
    %slice3A = vector.extract_strided_slice %get3A_69 {offsets = [0, 0], sizes = [160, 128], strides = [1, 1]} : vector<160x1024xf32> to vector<160x128xf32>
    %dot_general3A_73 = arith.constant dense<0.000000e+00> : vector<160x16xf32>
    %dot_general3A_74 = tpu.matmul %slice3A, %get3A_72, %dot_general3A_73 {dimension_numbers = #tpu.dot_dimension_numbers<[1], [0], [0], [1], [0, 0, 1, 1], [], []>, transpose_lhs_hint = false} : vector<160x128xf32>, vector<128x16xf32>, vector<160x16xf32> -> vector<160x16xf32>
    %slice3A_75 = vector.extract_strided_slice %get3A_69 {offsets = [0, 128], sizes = [160, 128], strides = [1, 1]} : vector<160x1024xf32> to vector<160x128xf32>
    %dot_general3A_76 = arith.constant dense<0.000000e+00> : vector<160x16xf32>
    %dot_general3A_77 = tpu.matmul %slice3A_75, %get3A_72, %dot_general3A_76 {dimension_numbers = #tpu.dot_dimension_numbers<[1], [0], [0], [1], [0, 0, 1, 1], [], []>, transpose_lhs_hint = false} : vector<160x128xf32>, vector<128x16xf32>, vector<160x16xf32> -> vector<160x16xf32>
    %slice3A_78 = vector.extract_strided_slice %get3A_69 {offsets = [0, 256], sizes = [160, 128], strides = [1, 1]} : vector<160x1024xf32> to vector<160x128xf32>
    %dot_general3A_79 = arith.constant dense<0.000000e+00> : vector<160x16xf32>
    %dot_general3A_80 = tpu.matmul %slice3A_78, %get3A_72, %dot_general3A_79 {dimension_numbers = #tpu.dot_dimension_numbers<[1], [0], [0], [1], [0, 0, 1, 1], [], []>, transpose_lhs_hint = false} : vector<160x128xf32>, vector<128x16xf32>, vector<160x16xf32> -> vector<160x16xf32>
    %slice3A_81 = vector.extract_strided_slice %get3A_69 {offsets = [0, 384], sizes = [160, 128], strides = [1, 1]} : vector<160x1024xf32> to vector<160x128xf32>
    %dot_general3A_82 = arith.constant dense<0.000000e+00> : vector<160x16xf32>
    %dot_general3A_83 = tpu.matmul %slice3A_81, %get3A_72, %dot_general3A_82 {dimension_numbers = #tpu.dot_dimension_numbers<[1], [0], [0], [1], [0, 0, 1, 1], [], []>, transpose_lhs_hint = false} : vector<160x128xf32>, vector<128x16xf32>, vector<160x16xf32> -> vector<160x16xf32>
    %slice3A_84 = vector.extract_strided_slice %get3A_69 {offsets = [0, 512], sizes = [160, 128], strides = [1, 1]} : vector<160x1024xf32> to vector<160x128xf32>
    %dot_general3A_85 = arith.constant dense<0.000000e+00> : vector<160x16xf32>
    %dot_general3A_86 = tpu.matmul %slice3A_84, %get3A_72, %dot_general3A_85 {dimension_numbers = #tpu.dot_dimension_numbers<[1], [0], [0], [1], [0, 0, 1, 1], [], []>, transpose_lhs_hint = false} : vector<160x128xf32>, vector<128x16xf32>, vector<160x16xf32> -> vector<160x16xf32>
    %slice3A_87 = vector.extract_strided_slice %get3A_69 {offsets = [0, 640], sizes = [160, 128], strides = [1, 1]} : vector<160x1024xf32> to vector<160x128xf32>
    %dot_general3A_88 = arith.constant dense<0.000000e+00> : vector<160x16xf32>
    %dot_general3A_89 = tpu.matmul %slice3A_87, %get3A_72, %dot_general3A_88 {dimension_numbers = #tpu.dot_dimension_numbers<[1], [0], [0], [1], [0, 0, 1, 1], [], []>, transpose_lhs_hint = false} : vector<160x128xf32>, vector<128x16xf32>, vector<160x16xf32> -> vector<160x16xf32>
    %slice3A_90 = vector.extract_strided_slice %get3A_69 {offsets = [0, 768], sizes = [160, 128], strides = [1, 1]} : vector<160x1024xf32> to vector<160x128xf32>
    %dot_general3A_91 = arith.constant dense<0.000000e+00> : vector<160x16xf32>
    %dot_general3A_92 = tpu.matmul %slice3A_90, %get3A_72, %dot_general3A_91 {dimension_numbers = #tpu.dot_dimension_numbers<[1], [0], [0], [1], [0, 0, 1, 1], [], []>, transpose_lhs_hint = false} : vector<160x128xf32>, vector<128x16xf32>, vector<160x16xf32> -> vector<160x16xf32>
    %slice3A_93 = vector.extract_strided_slice %get3A_69 {offsets = [0, 896], sizes = [160, 128], strides = [1, 1]} : vector<160x1024xf32> to vector<160x128xf32>
    %dot_general3A_94 = arith.constant dense<0.000000e+00> : vector<160x16xf32>
    %dot_general3A_95 = tpu.matmul %slice3A_93, %get3A_72, %dot_general3A_94 {dimension_numbers = #tpu.dot_dimension_numbers<[1], [0], [0], [1], [0, 0, 1, 1], [], []>, transpose_lhs_hint = false} : vector<160x128xf32>, vector<128x16xf32>, vector<160x16xf32> -> vector<160x16xf32>
    %concatenate3A = tpu.concatenate %dot_general3A_74, %dot_general3A_77, %dot_general3A_80, %dot_general3A_83, %dot_general3A_86, %dot_general3A_89, %dot_general3A_92, %dot_general3A_95 in 1 : vector<160x16xf32>, vector<160x16xf32>, vector<160x16xf32>, vector<160x16xf32>, vector<160x16xf32>, vector<160x16xf32>, vector<160x16xf32>, vector<160x16xf32> -> vector<160x128xf32>
    %mul3A = arith.mulf %concatenate3A, %dot_general3A_66 : vector<160x128xf32>
    %swap3A = arith.constant 0 : index
    %swap3A_96 = arith.constant 0 : index
    %swap3A_97 = vector.load %arg4[%swap3A, %swap3A_96] : memref<160x128xf32, #tpu.memory_space<vmem>>, vector<160x128xf32>
    tpu.vector_store %arg4[%swap3A, %swap3A_96], %mul3A {strides = array<i32>} : memref<160x128xf32, #tpu.memory_space<vmem>>, vector<160x128xf32>,
    return
  }
  func.func @transform_0(%arg0: i32) -> (i32, i32) {
    %c0_i32 = arith.constant 0 : i32
    %c0_i32_0 = arith.constant 0 : i32
    return %arg0, %c0_i32 : i32, i32
  }
  func.func @transform_1(%arg0: i32) -> (i32, i32) {
    %c0_i32 = arith.constant 0 : i32
    %c0_i32_0 = arith.constant 0 : i32
    %c0_i32_1 = arith.constant 0 : i32
    return %c0_i32, %c0_i32_0 : i32, i32
  }
  func.func @transform_2(%arg0: i32) -> (i32, i32, i32) {
    %c0_i32 = arith.constant 0 : i32
    %c0_i32_0 = arith.constant 0 : i32
    %c0_i32_1 = arith.constant 0 : i32
    return %c0_i32, %arg0, %c0_i32_0 : i32, i32, i32
  }
  func.func @transform_3(%arg0: i32) -> (i32, i32) {
    %c0_i32 = arith.constant 0 : i32
    %c0_i32_0 = arith.constant 0 : i32
    return %arg0, %c0_i32 : i32, i32
  }
}

module attributes {stable_mosaic.version = 14 : i64} {
  func.func @body(%arg0: i32, %arg1: memref<2x160x128xf32, #tpu.memory_space<vmem>>, %arg2: memref<160x128xf32, #tpu.memory_space<vmem>>, %arg3: memref<2x160x8xf32, #tpu.memory_space<vmem>>, %arg4: memref<1x128xf32, #tpu.memory_space<vmem>>, %arg5: memref<16x48xf32, #tpu.memory_space<vmem>>, %arg6: memref<160x384xf32, #tpu.memory_space<vmem>>) attributes {dimension_semantics = [#tpu.dimension_semantics<arbitrary>], iteration_bounds = array<i64: 8>, scalar_prefetch = 0 : i64, scratch_operands = 0 : i64, tpu.core_type = #tpu.core_type<tc>, window_params = [{transform_indices = @transform_0, window_bounds = array<i64: 2, 160, 128>}, {transform_indices = @transform_1, window_bounds = array<i64: 160, 128>}, {transform_indices = @transform_2, window_bounds = array<i64: 2, 160, 8>}, {pipeline_mode = #tpu.pipeline_mode<synchronous>, transform_indices = @transform_3, window_bounds = array<i64: 1, 128>}, {pipeline_mode = #tpu.pipeline_mode<synchronous>, transform_indices = @transform_4, window_bounds = array<i64: 16, 48>}, {transform_indices = @transform_5, window_bounds = array<i64: 160, 384>}]} {
    %get3A = arith.constant 0 : index
    %get3A_0 = arith.constant 0 : index
    %get3A_1 = arith.constant 0 : index
    %get3A_2 = vector.load %arg3[%get3A, %get3A_0, %get3A_1] : memref<2x160x8xf32, #tpu.memory_space<vmem>>, vector<1x160x8xf32>
    %get3A_3 = vector.shape_cast %get3A_2 : vector<1x160x8xf32> to vector<160x8xf32>
    %get3A_4 = arith.constant 1 : index
    %get3A_5 = arith.constant 0 : index
    %get3A_6 = arith.constant 0 : index
    %get3A_7 = vector.load %arg3[%get3A_4, %get3A_5, %get3A_6] : memref<2x160x8xf32, #tpu.memory_space<vmem>>, vector<1x160x8xf32>
    %get3A_8 = vector.shape_cast %get3A_7 : vector<1x160x8xf32> to vector<160x8xf32>
    %add3A = arith.addf %get3A_3, %get3A_8 : vector<160x8xf32>
    %add3A_9 = arith.constant 1.000000e+00 : f32
    %add3A_10 = vector.broadcast %add3A_9 : f32 to vector<160x8xf32>
    %add3A_11 = arith.addf %add3A, %add3A_10 : vector<160x8xf32>
    %rsqrt3A = math.rsqrt %add3A_11 : vector<160x8xf32>
    %iota3A = tpu.iota {dimensions = array<i32: 1>} : vector<8x128xi32>
    %jit3A = arith.constant 16 : i32
    %div3A = vector.broadcast %jit3A : i32 to vector<8x128xi32>
    %div3A_12 = arith.divsi %iota3A, %div3A : vector<8x128xi32>
    %sign3A = arith.constant 0 : i32
    %sign3A_13 = vector.broadcast %sign3A : i32 to vector<8x128xi32>
    %sign3A_14 = arith.cmpi sgt, %iota3A, %sign3A_13 : vector<8x128xi32>
    %sign3A_15 = arith.extui %sign3A_14 : vector<8x128xi1> to vector<8x128xi32>
    %sign3A_16 = arith.constant 0 : i32
    %sign3A_17 = vector.broadcast %sign3A_16 : i32 to vector<8x128xi32>
    %sign3A_18 = arith.cmpi slt, %iota3A, %sign3A_17 : vector<8x128xi32>
    %sign3A_19 = arith.extui %sign3A_18 : vector<8x128xi1> to vector<8x128xi32>
    %sign3A_20 = arith.subi %sign3A_15, %sign3A_19 : vector<8x128xi32>
    %sign3A_21 = arith.constant 0 : i32
    %sign3A_22 = arith.cmpi sgt, %jit3A, %sign3A_21 : i32
    %sign3A_23 = arith.extui %sign3A_22 : i1 to i32
    %sign3A_24 = arith.constant 0 : i32
    %sign3A_25 = arith.cmpi slt, %jit3A, %sign3A_24 : i32
    %sign3A_26 = arith.extui %sign3A_25 : i1 to i32
    %sign3A_27 = arith.subi %sign3A_23, %sign3A_26 : i32
    %ne3A = vector.broadcast %sign3A_27 : i32 to vector<8x128xi32>
    %ne3A_28 = arith.cmpi ne, %sign3A_20, %ne3A : vector<8x128xi32>
    %rem3A = vector.broadcast %jit3A : i32 to vector<8x128xi32>
    %rem3A_29 = arith.remsi %iota3A, %rem3A : vector<8x128xi32>
    %ne3A_30 = arith.constant 0 : i32
    %ne3A_31 = vector.broadcast %ne3A_30 : i32 to vector<8x128xi32>
    %ne3A_32 = arith.cmpi ne, %rem3A_29, %ne3A_31 : vector<8x128xi32>
    %and3A = arith.andi %ne3A_28, %ne3A_32 : vector<8x128xi1>
    %sub3A = arith.constant 1 : i32
    %sub3A_33 = vector.broadcast %sub3A : i32 to vector<8x128xi32>
    %sub3A_34 = arith.subi %div3A_12, %sub3A_33 : vector<8x128xi32>
    %select_n3A = arith.select %and3A, %sub3A_34, %div3A_12 : vector<8x128xi1>, vector<8x128xi32>
    %iota3A_35 = tpu.iota {dimensions = array<i32: 0>} : vector<8x128xi32>
    %iota3A_36 = tpu.iota {dimensions = array<i32: 1>} : vector<8x128xi32>
    %jit3A_37 = arith.constant 16 : i32
    %eq3A = arith.constant 0 : i32
    %eq3A_38 = arith.cmpi eq, %jit3A_37, %eq3A : i32
    %jit3A_39 = arith.constant 1 : i32
    %select_n3A_40 = arith.select %eq3A_38, %jit3A_39, %jit3A_37 : i32
    %rem3A_41 = vector.broadcast %select_n3A_40 : i32 to vector<8x128xi32>
    %rem3A_42 = arith.remsi %iota3A_36, %rem3A_41 : vector<8x128xi32>
    %ne3A_43 = arith.constant 0 : i32
    %ne3A_44 = vector.broadcast %ne3A_43 : i32 to vector<8x128xi32>
    %ne3A_45 = arith.cmpi ne, %rem3A_42, %ne3A_44 : vector<8x128xi32>
    %lt3A = arith.constant 0 : i32
    %lt3A_46 = vector.broadcast %lt3A : i32 to vector<8x128xi32>
    %lt3A_47 = arith.cmpi slt, %rem3A_42, %lt3A_46 : vector<8x128xi32>
    %lt3A_48 = arith.constant 0 : i32
    %lt3A_49 = arith.cmpi slt, %select_n3A_40, %lt3A_48 : i32
    %ne3A_50 = vector.broadcast %lt3A_49 : i1 to vector<8x128xi1>
    %ne3A_51 = vector.broadcast %ne3A_50 : vector<8x128xi1> to vector<8x128xi1>
    %ne3A_52 = arith.xori %lt3A_47, %ne3A_51 : vector<8x128xi1>
    %and3A_53 = arith.andi %ne3A_52, %ne3A_45 : vector<8x128xi1>
    %add3A_54 = vector.broadcast %select_n3A_40 : i32 to vector<8x128xi32>
    %add3A_55 = arith.addi %rem3A_42, %add3A_54 : vector<8x128xi32>
    %select_n3A_56 = arith.select %and3A_53, %add3A_55, %rem3A_42 : vector<8x128xi1>, vector<8x128xi32>
    %eq3A_57 = arith.cmpi eq, %select_n3A, %iota3A_35 : vector<8x128xi32>
    %lt3A_58 = arith.constant 16 : i32
    %lt3A_59 = vector.broadcast %lt3A_58 : i32 to vector<8x128xi32>
    %lt3A_60 = arith.cmpi slt, %select_n3A_56, %lt3A_59 : vector<8x128xi32>
    %and3A_61 = arith.andi %eq3A_57, %lt3A_60 : vector<8x128xi1>
    %jit3A_62 = arith.constant 1.000000e+00 : f32
    %jit3A_63 = arith.constant 0.000000e+00 : f32
    %broadcast_in_dim3A = vector.broadcast %jit3A_62 : f32 to vector<8x128xf32>
    %broadcast_in_dim3A_64 = vector.broadcast %jit3A_63 : f32 to vector<8x128xf32>
    %select_n3A_65 = arith.select %and3A_61, %broadcast_in_dim3A, %broadcast_in_dim3A_64 : vector<8x128xi1>, vector<8x128xf32>
    %dot_general3A = arith.constant dense<0.000000e+00> : vector<160x128xf32>
    %dot_general3A_66 = tpu.matmul %rsqrt3A, %select_n3A_65, %dot_general3A {dimension_numbers = #tpu.dot_dimension_numbers<[1], [0], [0], [1], [0, 0, 1, 1], [], []>, precision = #tpu.contract_precision<fp32>, transpose_lhs_hint = false} : vector<160x8xf32>, vector<8x128xf32>, vector<160x128xf32> -> vector<160x128xf32>
    %iota3A_67 = tpu.iota {dimensions = array<i32: 1>} : vector<8x384xi32>
    %jit3A_68 = arith.constant 48 : i32
    %div3A_69 = vector.broadcast %jit3A_68 : i32 to vector<8x384xi32>
    %div3A_70 = arith.divsi %iota3A_67, %div3A_69 : vector<8x384xi32>
    %sign3A_71 = arith.constant 0 : i32
    %sign3A_72 = vector.broadcast %sign3A_71 : i32 to vector<8x384xi32>
    %sign3A_73 = arith.cmpi sgt, %iota3A_67, %sign3A_72 : vector<8x384xi32>
    %sign3A_74 = arith.extui %sign3A_73 : vector<8x384xi1> to vector<8x384xi32>
    %sign3A_75 = arith.constant 0 : i32
    %sign3A_76 = vector.broadcast %sign3A_75 : i32 to vector<8x384xi32>
    %sign3A_77 = arith.cmpi slt, %iota3A_67, %sign3A_76 : vector<8x384xi32>
    %sign3A_78 = arith.extui %sign3A_77 : vector<8x384xi1> to vector<8x384xi32>
    %sign3A_79 = arith.subi %sign3A_74, %sign3A_78 : vector<8x384xi32>
    %sign3A_80 = arith.constant 0 : i32
    %sign3A_81 = arith.cmpi sgt, %jit3A_68, %sign3A_80 : i32
    %sign3A_82 = arith.extui %sign3A_81 : i1 to i32
    %sign3A_83 = arith.constant 0 : i32
    %sign3A_84 = arith.cmpi slt, %jit3A_68, %sign3A_83 : i32
    %sign3A_85 = arith.extui %sign3A_84 : i1 to i32
    %sign3A_86 = arith.subi %sign3A_82, %sign3A_85 : i32
    %ne3A_87 = vector.broadcast %sign3A_86 : i32 to vector<8x384xi32>
    %ne3A_88 = arith.cmpi ne, %sign3A_79, %ne3A_87 : vector<8x384xi32>
    %rem3A_89 = vector.broadcast %jit3A_68 : i32 to vector<8x384xi32>
    %rem3A_90 = arith.remsi %iota3A_67, %rem3A_89 : vector<8x384xi32>
    %ne3A_91 = arith.constant 0 : i32
    %ne3A_92 = vector.broadcast %ne3A_91 : i32 to vector<8x384xi32>
    %ne3A_93 = arith.cmpi ne, %rem3A_90, %ne3A_92 : vector<8x384xi32>
    %and3A_94 = arith.andi %ne3A_88, %ne3A_93 : vector<8x384xi1>
    %sub3A_95 = arith.constant 1 : i32
    %sub3A_96 = vector.broadcast %sub3A_95 : i32 to vector<8x384xi32>
    %sub3A_97 = arith.subi %div3A_70, %sub3A_96 : vector<8x384xi32>
    %select_n3A_98 = arith.select %and3A_94, %sub3A_97, %div3A_70 : vector<8x384xi1>, vector<8x384xi32>
    %iota3A_99 = tpu.iota {dimensions = array<i32: 0>} : vector<8x384xi32>
    %iota3A_100 = tpu.iota {dimensions = array<i32: 1>} : vector<8x384xi32>
    %jit3A_101 = arith.constant 48 : i32
    %eq3A_102 = arith.constant 0 : i32
    %eq3A_103 = arith.cmpi eq, %jit3A_101, %eq3A_102 : i32
    %jit3A_104 = arith.constant 1 : i32
    %select_n3A_105 = arith.select %eq3A_103, %jit3A_104, %jit3A_101 : i32
    %rem3A_106 = vector.broadcast %select_n3A_105 : i32 to vector<8x384xi32>
    %rem3A_107 = arith.remsi %iota3A_100, %rem3A_106 : vector<8x384xi32>
    %ne3A_108 = arith.constant 0 : i32
    %ne3A_109 = vector.broadcast %ne3A_108 : i32 to vector<8x384xi32>
    %ne3A_110 = arith.cmpi ne, %rem3A_107, %ne3A_109 : vector<8x384xi32>
    %lt3A_111 = arith.constant 0 : i32
    %lt3A_112 = vector.broadcast %lt3A_111 : i32 to vector<8x384xi32>
    %lt3A_113 = arith.cmpi slt, %rem3A_107, %lt3A_112 : vector<8x384xi32>
    %lt3A_114 = arith.constant 0 : i32
    %lt3A_115 = arith.cmpi slt, %select_n3A_105, %lt3A_114 : i32
    %ne3A_116 = vector.broadcast %lt3A_115 : i1 to vector<8x384xi1>
    %ne3A_117 = vector.broadcast %ne3A_116 : vector<8x384xi1> to vector<8x384xi1>
    %ne3A_118 = arith.xori %lt3A_113, %ne3A_117 : vector<8x384xi1>
    %and3A_119 = arith.andi %ne3A_118, %ne3A_110 : vector<8x384xi1>
    %add3A_120 = vector.broadcast %select_n3A_105 : i32 to vector<8x384xi32>
    %add3A_121 = arith.addi %rem3A_107, %add3A_120 : vector<8x384xi32>
    %select_n3A_122 = arith.select %and3A_119, %add3A_121, %rem3A_107 : vector<8x384xi1>, vector<8x384xi32>
    %eq3A_123 = arith.cmpi eq, %select_n3A_98, %iota3A_99 : vector<8x384xi32>
    %lt3A_124 = arith.constant 48 : i32
    %lt3A_125 = vector.broadcast %lt3A_124 : i32 to vector<8x384xi32>
    %lt3A_126 = arith.cmpi slt, %select_n3A_122, %lt3A_125 : vector<8x384xi32>
    %and3A_127 = arith.andi %eq3A_123, %lt3A_126 : vector<8x384xi1>
    %jit3A_128 = arith.constant 1.000000e+00 : f32
    %jit3A_129 = arith.constant 0.000000e+00 : f32
    %broadcast_in_dim3A_130 = vector.broadcast %jit3A_128 : f32 to vector<8x384xf32>
    %broadcast_in_dim3A_131 = vector.broadcast %jit3A_129 : f32 to vector<8x384xf32>
    %select_n3A_132 = arith.select %and3A_127, %broadcast_in_dim3A_130, %broadcast_in_dim3A_131 : vector<8x384xi1>, vector<8x384xf32>
    %dot_general3A_133 = arith.constant dense<0.000000e+00> : vector<160x384xf32>
    %dot_general3A_134 = tpu.matmul %rsqrt3A, %select_n3A_132, %dot_general3A_133 {dimension_numbers = #tpu.dot_dimension_numbers<[1], [0], [0], [1], [0, 0, 1, 1], [], []>, precision = #tpu.contract_precision<fp32>, transpose_lhs_hint = false} : vector<160x8xf32>, vector<8x384xf32>, vector<160x384xf32> -> vector<160x384xf32>
    %get3A_135 = arith.constant 0 : index
    %get3A_136 = arith.constant 0 : index
    %get3A_137 = arith.constant 0 : index
    %get3A_138 = vector.load %arg1[%get3A_135, %get3A_136, %get3A_137] : memref<2x160x128xf32, #tpu.memory_space<vmem>>, vector<1x160x128xf32>
    %get3A_139 = vector.shape_cast %get3A_138 : vector<1x160x128xf32> to vector<160x128xf32>
    %get3A_140 = arith.constant 1 : index
    %get3A_141 = arith.constant 0 : index
    %get3A_142 = arith.constant 0 : index
    %get3A_143 = vector.load %arg1[%get3A_140, %get3A_141, %get3A_142] : memref<2x160x128xf32, #tpu.memory_space<vmem>>, vector<1x160x128xf32>
    %get3A_144 = vector.shape_cast %get3A_143 : vector<1x160x128xf32> to vector<160x128xf32>
    %add3A_145 = arith.addf %get3A_139, %get3A_144 : vector<160x128xf32>
    %get3A_146 = arith.constant 0 : index
    %get3A_147 = arith.constant 0 : index
    %get3A_148 = vector.load %arg2[%get3A_146, %get3A_147] : memref<160x128xf32, #tpu.memory_space<vmem>>, vector<160x128xf32>
    %add3A_149 = arith.addf %add3A_145, %get3A_148 : vector<160x128xf32>
    %mul3A = arith.mulf %add3A_149, %dot_general3A_66 : vector<160x128xf32>
    %get3A_150 = arith.constant 0 : index
    %get3A_151 = arith.constant 0 : index
    %get3A_152 = vector.load %arg4[%get3A_150, %get3A_151] : memref<1x128xf32, #tpu.memory_space<vmem>>, vector<1x128xf32>
    %add3A_153 = vector.broadcast %get3A_152 : vector<1x128xf32> to vector<160x128xf32>
    %add3A_154 = arith.addf %mul3A, %add3A_153 : vector<160x128xf32>
    %max3A = arith.constant 0.000000e+00 : f32
    %max3A_155 = vector.broadcast %max3A : f32 to vector<160x128xf32>
    %max3A_156 = arith.maximumf %add3A_154, %max3A_155 : vector<160x128xf32>
    %get3A_157 = arith.constant 0 : index
    %get3A_158 = arith.constant 0 : index
    %get3A_159 = vector.load %arg5[%get3A_157, %get3A_158] : memref<16x48xf32, #tpu.memory_space<vmem>>, vector<16x48xf32>
    %slice3A = vector.extract_strided_slice %max3A_156 {offsets = [0, 0], sizes = [160, 16], strides = [1, 1]} : vector<160x128xf32> to vector<160x16xf32>
    %dot_general3A_160 = arith.constant dense<0.000000e+00> : vector<160x48xf32>
    %dot_general3A_161 = tpu.matmul %slice3A, %get3A_159, %dot_general3A_160 {dimension_numbers = #tpu.dot_dimension_numbers<[1], [0], [0], [1], [0, 0, 1, 1], [], []>, transpose_lhs_hint = false} : vector<160x16xf32>, vector<16x48xf32>, vector<160x48xf32> -> vector<160x48xf32>
    %slice3A_162 = vector.extract_strided_slice %max3A_156 {offsets = [0, 16], sizes = [160, 16], strides = [1, 1]} : vector<160x128xf32> to vector<160x16xf32>
    %dot_general3A_163 = arith.constant dense<0.000000e+00> : vector<160x48xf32>
    %dot_general3A_164 = tpu.matmul %slice3A_162, %get3A_159, %dot_general3A_163 {dimension_numbers = #tpu.dot_dimension_numbers<[1], [0], [0], [1], [0, 0, 1, 1], [], []>, transpose_lhs_hint = false} : vector<160x16xf32>, vector<16x48xf32>, vector<160x48xf32> -> vector<160x48xf32>
    %slice3A_165 = vector.extract_strided_slice %max3A_156 {offsets = [0, 32], sizes = [160, 16], strides = [1, 1]} : vector<160x128xf32> to vector<160x16xf32>
    %dot_general3A_166 = arith.constant dense<0.000000e+00> : vector<160x48xf32>
    %dot_general3A_167 = tpu.matmul %slice3A_165, %get3A_159, %dot_general3A_166 {dimension_numbers = #tpu.dot_dimension_numbers<[1], [0], [0], [1], [0, 0, 1, 1], [], []>, transpose_lhs_hint = false} : vector<160x16xf32>, vector<16x48xf32>, vector<160x48xf32> -> vector<160x48xf32>
    %slice3A_168 = vector.extract_strided_slice %max3A_156 {offsets = [0, 48], sizes = [160, 16], strides = [1, 1]} : vector<160x128xf32> to vector<160x16xf32>
    %dot_general3A_169 = arith.constant dense<0.000000e+00> : vector<160x48xf32>
    %dot_general3A_170 = tpu.matmul %slice3A_168, %get3A_159, %dot_general3A_169 {dimension_numbers = #tpu.dot_dimension_numbers<[1], [0], [0], [1], [0, 0, 1, 1], [], []>, transpose_lhs_hint = false} : vector<160x16xf32>, vector<16x48xf32>, vector<160x48xf32> -> vector<160x48xf32>
    %slice3A_171 = vector.extract_strided_slice %max3A_156 {offsets = [0, 64], sizes = [160, 16], strides = [1, 1]} : vector<160x128xf32> to vector<160x16xf32>
    %dot_general3A_172 = arith.constant dense<0.000000e+00> : vector<160x48xf32>
    %dot_general3A_173 = tpu.matmul %slice3A_171, %get3A_159, %dot_general3A_172 {dimension_numbers = #tpu.dot_dimension_numbers<[1], [0], [0], [1], [0, 0, 1, 1], [], []>, transpose_lhs_hint = false} : vector<160x16xf32>, vector<16x48xf32>, vector<160x48xf32> -> vector<160x48xf32>
    %slice3A_174 = vector.extract_strided_slice %max3A_156 {offsets = [0, 80], sizes = [160, 16], strides = [1, 1]} : vector<160x128xf32> to vector<160x16xf32>
    %dot_general3A_175 = arith.constant dense<0.000000e+00> : vector<160x48xf32>
    %dot_general3A_176 = tpu.matmul %slice3A_174, %get3A_159, %dot_general3A_175 {dimension_numbers = #tpu.dot_dimension_numbers<[1], [0], [0], [1], [0, 0, 1, 1], [], []>, transpose_lhs_hint = false} : vector<160x16xf32>, vector<16x48xf32>, vector<160x48xf32> -> vector<160x48xf32>
    %slice3A_177 = vector.extract_strided_slice %max3A_156 {offsets = [0, 96], sizes = [160, 16], strides = [1, 1]} : vector<160x128xf32> to vector<160x16xf32>
    %dot_general3A_178 = arith.constant dense<0.000000e+00> : vector<160x48xf32>
    %dot_general3A_179 = tpu.matmul %slice3A_177, %get3A_159, %dot_general3A_178 {dimension_numbers = #tpu.dot_dimension_numbers<[1], [0], [0], [1], [0, 0, 1, 1], [], []>, transpose_lhs_hint = false} : vector<160x16xf32>, vector<16x48xf32>, vector<160x48xf32> -> vector<160x48xf32>
    %slice3A_180 = vector.extract_strided_slice %max3A_156 {offsets = [0, 112], sizes = [160, 16], strides = [1, 1]} : vector<160x128xf32> to vector<160x16xf32>
    %dot_general3A_181 = arith.constant dense<0.000000e+00> : vector<160x48xf32>
    %dot_general3A_182 = tpu.matmul %slice3A_180, %get3A_159, %dot_general3A_181 {dimension_numbers = #tpu.dot_dimension_numbers<[1], [0], [0], [1], [0, 0, 1, 1], [], []>, transpose_lhs_hint = false} : vector<160x16xf32>, vector<16x48xf32>, vector<160x48xf32> -> vector<160x48xf32>
    %concatenate3A = tpu.concatenate %dot_general3A_161, %dot_general3A_164, %dot_general3A_167, %dot_general3A_170, %dot_general3A_173, %dot_general3A_176, %dot_general3A_179, %dot_general3A_182 in 1 : vector<160x48xf32>, vector<160x48xf32>, vector<160x48xf32>, vector<160x48xf32>, vector<160x48xf32>, vector<160x48xf32>, vector<160x48xf32>, vector<160x48xf32> -> vector<160x384xf32>
    %mul3A_183 = arith.mulf %concatenate3A, %dot_general3A_134 : vector<160x384xf32>
    %swap3A = arith.constant 0 : index
    %swap3A_184 = arith.constant 0 : index
    %swap3A_185 = vector.load %arg6[%swap3A, %swap3A_184] : memref<160x384xf32, #tpu.memory_space<vmem>>, vector<160x384xf32>
    tpu.vector_store %arg6[%swap3A, %swap3A_184], %mul3A_183 {strides = array<i32>} : memref<160x384xf32, #tpu.memory_space<vmem>>, vector<160x384xf32>,
    return
  }
  func.func @transform_0(%arg0: i32) -> (i32, i32, i32) {
    %c0_i32 = arith.constant 0 : i32
    %c0_i32_0 = arith.constant 0 : i32
    %c0_i32_1 = arith.constant 0 : i32
    return %c0_i32, %arg0, %c0_i32_0 : i32, i32, i32
  }
  func.func @transform_1(%arg0: i32) -> (i32, i32) {
    %c0_i32 = arith.constant 0 : i32
    %c0_i32_0 = arith.constant 0 : i32
    return %arg0, %c0_i32 : i32, i32
  }
  func.func @transform_2(%arg0: i32) -> (i32, i32, i32) {
    %c0_i32 = arith.constant 0 : i32
    %c0_i32_0 = arith.constant 0 : i32
    %c0_i32_1 = arith.constant 0 : i32
    return %c0_i32, %arg0, %c0_i32_0 : i32, i32, i32
  }
  func.func @transform_3(%arg0: i32) -> (i32, i32) {
    %c0_i32 = arith.constant 0 : i32
    %c0_i32_0 = arith.constant 0 : i32
    %c0_i32_1 = arith.constant 0 : i32
    return %c0_i32, %c0_i32_0 : i32, i32
  }
  func.func @transform_4(%arg0: i32) -> (i32, i32) {
    %c0_i32 = arith.constant 0 : i32
    %c0_i32_0 = arith.constant 0 : i32
    %c0_i32_1 = arith.constant 0 : i32
    return %c0_i32, %c0_i32_0 : i32, i32
  }
  func.func @transform_5(%arg0: i32) -> (i32, i32) {
    %c0_i32 = arith.constant 0 : i32
    %c0_i32_0 = arith.constant 0 : i32
    return %arg0, %c0_i32 : i32, i32
  }
}

module attributes {stable_mosaic.version = 14 : i64} {
  func.func @body(%arg0: i32, %arg1: memref<2x160x384xf32, #tpu.memory_space<vmem>>, %arg2: memref<160x384xf32, #tpu.memory_space<vmem>>, %arg3: memref<2x160x8xf32, #tpu.memory_space<vmem>>, %arg4: memref<1x384xf32, #tpu.memory_space<vmem>>, %arg5: memref<160x384xf32, #tpu.memory_space<vmem>>) attributes {dimension_semantics = [#tpu.dimension_semantics<arbitrary>], iteration_bounds = array<i64: 8>, scalar_prefetch = 0 : i64, scratch_operands = 0 : i64, tpu.core_type = #tpu.core_type<tc>, window_params = [{transform_indices = @transform_0, window_bounds = array<i64: 2, 160, 384>}, {transform_indices = @transform_1, window_bounds = array<i64: 160, 384>}, {transform_indices = @transform_2, window_bounds = array<i64: 2, 160, 8>}, {pipeline_mode = #tpu.pipeline_mode<synchronous>, transform_indices = @transform_3, window_bounds = array<i64: 1, 384>}, {transform_indices = @transform_4, window_bounds = array<i64: 160, 384>}]} {
    %get3A = arith.constant 0 : index
    %get3A_0 = arith.constant 0 : index
    %get3A_1 = arith.constant 0 : index
    %get3A_2 = vector.load %arg3[%get3A, %get3A_0, %get3A_1] : memref<2x160x8xf32, #tpu.memory_space<vmem>>, vector<1x160x8xf32>
    %get3A_3 = vector.shape_cast %get3A_2 : vector<1x160x8xf32> to vector<160x8xf32>
    %get3A_4 = arith.constant 1 : index
    %get3A_5 = arith.constant 0 : index
    %get3A_6 = arith.constant 0 : index
    %get3A_7 = vector.load %arg3[%get3A_4, %get3A_5, %get3A_6] : memref<2x160x8xf32, #tpu.memory_space<vmem>>, vector<1x160x8xf32>
    %get3A_8 = vector.shape_cast %get3A_7 : vector<1x160x8xf32> to vector<160x8xf32>
    %add3A = arith.addf %get3A_3, %get3A_8 : vector<160x8xf32>
    %add3A_9 = arith.constant 1.000000e+00 : f32
    %add3A_10 = vector.broadcast %add3A_9 : f32 to vector<160x8xf32>
    %add3A_11 = arith.addf %add3A, %add3A_10 : vector<160x8xf32>
    %rsqrt3A = math.rsqrt %add3A_11 : vector<160x8xf32>
    %iota3A = tpu.iota {dimensions = array<i32: 1>} : vector<8x384xi32>
    %jit3A = arith.constant 48 : i32
    %div3A = vector.broadcast %jit3A : i32 to vector<8x384xi32>
    %div3A_12 = arith.divsi %iota3A, %div3A : vector<8x384xi32>
    %sign3A = arith.constant 0 : i32
    %sign3A_13 = vector.broadcast %sign3A : i32 to vector<8x384xi32>
    %sign3A_14 = arith.cmpi sgt, %iota3A, %sign3A_13 : vector<8x384xi32>
    %sign3A_15 = arith.extui %sign3A_14 : vector<8x384xi1> to vector<8x384xi32>
    %sign3A_16 = arith.constant 0 : i32
    %sign3A_17 = vector.broadcast %sign3A_16 : i32 to vector<8x384xi32>
    %sign3A_18 = arith.cmpi slt, %iota3A, %sign3A_17 : vector<8x384xi32>
    %sign3A_19 = arith.extui %sign3A_18 : vector<8x384xi1> to vector<8x384xi32>
    %sign3A_20 = arith.subi %sign3A_15, %sign3A_19 : vector<8x384xi32>
    %sign3A_21 = arith.constant 0 : i32
    %sign3A_22 = arith.cmpi sgt, %jit3A, %sign3A_21 : i32
    %sign3A_23 = arith.extui %sign3A_22 : i1 to i32
    %sign3A_24 = arith.constant 0 : i32
    %sign3A_25 = arith.cmpi slt, %jit3A, %sign3A_24 : i32
    %sign3A_26 = arith.extui %sign3A_25 : i1 to i32
    %sign3A_27 = arith.subi %sign3A_23, %sign3A_26 : i32
    %ne3A = vector.broadcast %sign3A_27 : i32 to vector<8x384xi32>
    %ne3A_28 = arith.cmpi ne, %sign3A_20, %ne3A : vector<8x384xi32>
    %rem3A = vector.broadcast %jit3A : i32 to vector<8x384xi32>
    %rem3A_29 = arith.remsi %iota3A, %rem3A : vector<8x384xi32>
    %ne3A_30 = arith.constant 0 : i32
    %ne3A_31 = vector.broadcast %ne3A_30 : i32 to vector<8x384xi32>
    %ne3A_32 = arith.cmpi ne, %rem3A_29, %ne3A_31 : vector<8x384xi32>
    %and3A = arith.andi %ne3A_28, %ne3A_32 : vector<8x384xi1>
    %sub3A = arith.constant 1 : i32
    %sub3A_33 = vector.broadcast %sub3A : i32 to vector<8x384xi32>
    %sub3A_34 = arith.subi %div3A_12, %sub3A_33 : vector<8x384xi32>
    %select_n3A = arith.select %and3A, %sub3A_34, %div3A_12 : vector<8x384xi1>, vector<8x384xi32>
    %iota3A_35 = tpu.iota {dimensions = array<i32: 0>} : vector<8x384xi32>
    %iota3A_36 = tpu.iota {dimensions = array<i32: 1>} : vector<8x384xi32>
    %jit3A_37 = arith.constant 48 : i32
    %eq3A = arith.constant 0 : i32
    %eq3A_38 = arith.cmpi eq, %jit3A_37, %eq3A : i32
    %jit3A_39 = arith.constant 1 : i32
    %select_n3A_40 = arith.select %eq3A_38, %jit3A_39, %jit3A_37 : i32
    %rem3A_41 = vector.broadcast %select_n3A_40 : i32 to vector<8x384xi32>
    %rem3A_42 = arith.remsi %iota3A_36, %rem3A_41 : vector<8x384xi32>
    %ne3A_43 = arith.constant 0 : i32
    %ne3A_44 = vector.broadcast %ne3A_43 : i32 to vector<8x384xi32>
    %ne3A_45 = arith.cmpi ne, %rem3A_42, %ne3A_44 : vector<8x384xi32>
    %lt3A = arith.constant 0 : i32
    %lt3A_46 = vector.broadcast %lt3A : i32 to vector<8x384xi32>
    %lt3A_47 = arith.cmpi slt, %rem3A_42, %lt3A_46 : vector<8x384xi32>
    %lt3A_48 = arith.constant 0 : i32
    %lt3A_49 = arith.cmpi slt, %select_n3A_40, %lt3A_48 : i32
    %ne3A_50 = vector.broadcast %lt3A_49 : i1 to vector<8x384xi1>
    %ne3A_51 = vector.broadcast %ne3A_50 : vector<8x384xi1> to vector<8x384xi1>
    %ne3A_52 = arith.xori %lt3A_47, %ne3A_51 : vector<8x384xi1>
    %and3A_53 = arith.andi %ne3A_52, %ne3A_45 : vector<8x384xi1>
    %add3A_54 = vector.broadcast %select_n3A_40 : i32 to vector<8x384xi32>
    %add3A_55 = arith.addi %rem3A_42, %add3A_54 : vector<8x384xi32>
    %select_n3A_56 = arith.select %and3A_53, %add3A_55, %rem3A_42 : vector<8x384xi1>, vector<8x384xi32>
    %eq3A_57 = arith.cmpi eq, %select_n3A, %iota3A_35 : vector<8x384xi32>
    %lt3A_58 = arith.constant 48 : i32
    %lt3A_59 = vector.broadcast %lt3A_58 : i32 to vector<8x384xi32>
    %lt3A_60 = arith.cmpi slt, %select_n3A_56, %lt3A_59 : vector<8x384xi32>
    %and3A_61 = arith.andi %eq3A_57, %lt3A_60 : vector<8x384xi1>
    %jit3A_62 = arith.constant 1.000000e+00 : f32
    %jit3A_63 = arith.constant 0.000000e+00 : f32
    %broadcast_in_dim3A = vector.broadcast %jit3A_62 : f32 to vector<8x384xf32>
    %broadcast_in_dim3A_64 = vector.broadcast %jit3A_63 : f32 to vector<8x384xf32>
    %select_n3A_65 = arith.select %and3A_61, %broadcast_in_dim3A, %broadcast_in_dim3A_64 : vector<8x384xi1>, vector<8x384xf32>
    %dot_general3A = arith.constant dense<0.000000e+00> : vector<160x384xf32>
    %dot_general3A_66 = tpu.matmul %rsqrt3A, %select_n3A_65, %dot_general3A {dimension_numbers = #tpu.dot_dimension_numbers<[1], [0], [0], [1], [0, 0, 1, 1], [], []>, precision = #tpu.contract_precision<fp32>, transpose_lhs_hint = false} : vector<160x8xf32>, vector<8x384xf32>, vector<160x384xf32> -> vector<160x384xf32>
    %iota3A_67 = tpu.iota {dimensions = array<i32: 1>} : vector<8x384xi32>
    %jit3A_68 = arith.constant 48 : i32
    %div3A_69 = vector.broadcast %jit3A_68 : i32 to vector<8x384xi32>
    %div3A_70 = arith.divsi %iota3A_67, %div3A_69 : vector<8x384xi32>
    %sign3A_71 = arith.constant 0 : i32
    %sign3A_72 = vector.broadcast %sign3A_71 : i32 to vector<8x384xi32>
    %sign3A_73 = arith.cmpi sgt, %iota3A_67, %sign3A_72 : vector<8x384xi32>
    %sign3A_74 = arith.extui %sign3A_73 : vector<8x384xi1> to vector<8x384xi32>
    %sign3A_75 = arith.constant 0 : i32
    %sign3A_76 = vector.broadcast %sign3A_75 : i32 to vector<8x384xi32>
    %sign3A_77 = arith.cmpi slt, %iota3A_67, %sign3A_76 : vector<8x384xi32>
    %sign3A_78 = arith.extui %sign3A_77 : vector<8x384xi1> to vector<8x384xi32>
    %sign3A_79 = arith.subi %sign3A_74, %sign3A_78 : vector<8x384xi32>
    %sign3A_80 = arith.constant 0 : i32
    %sign3A_81 = arith.cmpi sgt, %jit3A_68, %sign3A_80 : i32
    %sign3A_82 = arith.extui %sign3A_81 : i1 to i32
    %sign3A_83 = arith.constant 0 : i32
    %sign3A_84 = arith.cmpi slt, %jit3A_68, %sign3A_83 : i32
    %sign3A_85 = arith.extui %sign3A_84 : i1 to i32
    %sign3A_86 = arith.subi %sign3A_82, %sign3A_85 : i32
    %ne3A_87 = vector.broadcast %sign3A_86 : i32 to vector<8x384xi32>
    %ne3A_88 = arith.cmpi ne, %sign3A_79, %ne3A_87 : vector<8x384xi32>
    %rem3A_89 = vector.broadcast %jit3A_68 : i32 to vector<8x384xi32>
    %rem3A_90 = arith.remsi %iota3A_67, %rem3A_89 : vector<8x384xi32>
    %ne3A_91 = arith.constant 0 : i32
    %ne3A_92 = vector.broadcast %ne3A_91 : i32 to vector<8x384xi32>
    %ne3A_93 = arith.cmpi ne, %rem3A_90, %ne3A_92 : vector<8x384xi32>
    %and3A_94 = arith.andi %ne3A_88, %ne3A_93 : vector<8x384xi1>
    %sub3A_95 = arith.constant 1 : i32
    %sub3A_96 = vector.broadcast %sub3A_95 : i32 to vector<8x384xi32>
    %sub3A_97 = arith.subi %div3A_70, %sub3A_96 : vector<8x384xi32>
    %select_n3A_98 = arith.select %and3A_94, %sub3A_97, %div3A_70 : vector<8x384xi1>, vector<8x384xi32>
    %iota3A_99 = tpu.iota {dimensions = array<i32: 0>} : vector<8x384xi32>
    %iota3A_100 = tpu.iota {dimensions = array<i32: 1>} : vector<8x384xi32>
    %jit3A_101 = arith.constant 48 : i32
    %eq3A_102 = arith.constant 0 : i32
    %eq3A_103 = arith.cmpi eq, %jit3A_101, %eq3A_102 : i32
    %jit3A_104 = arith.constant 1 : i32
    %select_n3A_105 = arith.select %eq3A_103, %jit3A_104, %jit3A_101 : i32
    %rem3A_106 = vector.broadcast %select_n3A_105 : i32 to vector<8x384xi32>
    %rem3A_107 = arith.remsi %iota3A_100, %rem3A_106 : vector<8x384xi32>
    %ne3A_108 = arith.constant 0 : i32
    %ne3A_109 = vector.broadcast %ne3A_108 : i32 to vector<8x384xi32>
    %ne3A_110 = arith.cmpi ne, %rem3A_107, %ne3A_109 : vector<8x384xi32>
    %lt3A_111 = arith.constant 0 : i32
    %lt3A_112 = vector.broadcast %lt3A_111 : i32 to vector<8x384xi32>
    %lt3A_113 = arith.cmpi slt, %rem3A_107, %lt3A_112 : vector<8x384xi32>
    %lt3A_114 = arith.constant 0 : i32
    %lt3A_115 = arith.cmpi slt, %select_n3A_105, %lt3A_114 : i32
    %ne3A_116 = vector.broadcast %lt3A_115 : i1 to vector<8x384xi1>
    %ne3A_117 = vector.broadcast %ne3A_116 : vector<8x384xi1> to vector<8x384xi1>
    %ne3A_118 = arith.xori %lt3A_113, %ne3A_117 : vector<8x384xi1>
    %and3A_119 = arith.andi %ne3A_118, %ne3A_110 : vector<8x384xi1>
    %add3A_120 = vector.broadcast %select_n3A_105 : i32 to vector<8x384xi32>
    %add3A_121 = arith.addi %rem3A_107, %add3A_120 : vector<8x384xi32>
    %select_n3A_122 = arith.select %and3A_119, %add3A_121, %rem3A_107 : vector<8x384xi1>, vector<8x384xi32>
    %eq3A_123 = arith.cmpi eq, %select_n3A_98, %iota3A_99 : vector<8x384xi32>
    %lt3A_124 = arith.constant 48 : i32
    %lt3A_125 = vector.broadcast %lt3A_124 : i32 to vector<8x384xi32>
    %lt3A_126 = arith.cmpi slt, %select_n3A_122, %lt3A_125 : vector<8x384xi32>
    %and3A_127 = arith.andi %eq3A_123, %lt3A_126 : vector<8x384xi1>
    %jit3A_128 = arith.constant 1.000000e+00 : f32
    %jit3A_129 = arith.constant 0.000000e+00 : f32
    %broadcast_in_dim3A_130 = vector.broadcast %jit3A_128 : f32 to vector<8x384xf32>
    %broadcast_in_dim3A_131 = vector.broadcast %jit3A_129 : f32 to vector<8x384xf32>
    %select_n3A_132 = arith.select %and3A_127, %broadcast_in_dim3A_130, %broadcast_in_dim3A_131 : vector<8x384xi1>, vector<8x384xf32>
    %iota3A_133 = tpu.iota {dimensions = array<i32: 1>} : vector<8x384xi32>
    %jit3A_134 = arith.constant 48 : i32
    %div3A_135 = vector.broadcast %jit3A_134 : i32 to vector<8x384xi32>
    %div3A_136 = arith.divsi %iota3A_133, %div3A_135 : vector<8x384xi32>
    %sign3A_137 = arith.constant 0 : i32
    %sign3A_138 = vector.broadcast %sign3A_137 : i32 to vector<8x384xi32>
    %sign3A_139 = arith.cmpi sgt, %iota3A_133, %sign3A_138 : vector<8x384xi32>
    %sign3A_140 = arith.extui %sign3A_139 : vector<8x384xi1> to vector<8x384xi32>
    %sign3A_141 = arith.constant 0 : i32
    %sign3A_142 = vector.broadcast %sign3A_141 : i32 to vector<8x384xi32>
    %sign3A_143 = arith.cmpi slt, %iota3A_133, %sign3A_142 : vector<8x384xi32>
    %sign3A_144 = arith.extui %sign3A_143 : vector<8x384xi1> to vector<8x384xi32>
    %sign3A_145 = arith.subi %sign3A_140, %sign3A_144 : vector<8x384xi32>
    %sign3A_146 = arith.constant 0 : i32
    %sign3A_147 = arith.cmpi sgt, %jit3A_134, %sign3A_146 : i32
    %sign3A_148 = arith.extui %sign3A_147 : i1 to i32
    %sign3A_149 = arith.constant 0 : i32
    %sign3A_150 = arith.cmpi slt, %jit3A_134, %sign3A_149 : i32
    %sign3A_151 = arith.extui %sign3A_150 : i1 to i32
    %sign3A_152 = arith.subi %sign3A_148, %sign3A_151 : i32
    %ne3A_153 = vector.broadcast %sign3A_152 : i32 to vector<8x384xi32>
    %ne3A_154 = arith.cmpi ne, %sign3A_145, %ne3A_153 : vector<8x384xi32>
    %rem3A_155 = vector.broadcast %jit3A_134 : i32 to vector<8x384xi32>
    %rem3A_156 = arith.remsi %iota3A_133, %rem3A_155 : vector<8x384xi32>
    %ne3A_157 = arith.constant 0 : i32
    %ne3A_158 = vector.broadcast %ne3A_157 : i32 to vector<8x384xi32>
    %ne3A_159 = arith.cmpi ne, %rem3A_156, %ne3A_158 : vector<8x384xi32>
    %and3A_160 = arith.andi %ne3A_154, %ne3A_159 : vector<8x384xi1>
    %sub3A_161 = arith.constant 1 : i32
    %sub3A_162 = vector.broadcast %sub3A_161 : i32 to vector<8x384xi32>
    %sub3A_163 = arith.subi %div3A_136, %sub3A_162 : vector<8x384xi32>
    %select_n3A_164 = arith.select %and3A_160, %sub3A_163, %div3A_136 : vector<8x384xi1>, vector<8x384xi32>
    %iota3A_165 = tpu.iota {dimensions = array<i32: 0>} : vector<8x384xi32>
    %iota3A_166 = tpu.iota {dimensions = array<i32: 1>} : vector<8x384xi32>
    %jit3A_167 = arith.constant 48 : i32
    %eq3A_168 = arith.constant 0 : i32
    %eq3A_169 = arith.cmpi eq, %jit3A_167, %eq3A_168 : i32
    %jit3A_170 = arith.constant 1 : i32
    %select_n3A_171 = arith.select %eq3A_169, %jit3A_170, %jit3A_167 : i32
    %rem3A_172 = vector.broadcast %select_n3A_171 : i32 to vector<8x384xi32>
    %rem3A_173 = arith.remsi %iota3A_166, %rem3A_172 : vector<8x384xi32>
    %ne3A_174 = arith.constant 0 : i32
    %ne3A_175 = vector.broadcast %ne3A_174 : i32 to vector<8x384xi32>
    %ne3A_176 = arith.cmpi ne, %rem3A_173, %ne3A_175 : vector<8x384xi32>
    %lt3A_177 = arith.constant 0 : i32
    %lt3A_178 = vector.broadcast %lt3A_177 : i32 to vector<8x384xi32>
    %lt3A_179 = arith.cmpi slt, %rem3A_173, %lt3A_178 : vector<8x384xi32>
    %lt3A_180 = arith.constant 0 : i32
    %lt3A_181 = arith.cmpi slt, %select_n3A_171, %lt3A_180 : i32
    %ne3A_182 = vector.broadcast %lt3A_181 : i1 to vector<8x384xi1>
    %ne3A_183 = vector.broadcast %ne3A_182 : vector<8x384xi1> to vector<8x384xi1>
    %ne3A_184 = arith.xori %lt3A_179, %ne3A_183 : vector<8x384xi1>
    %and3A_185 = arith.andi %ne3A_184, %ne3A_176 : vector<8x384xi1>
    %add3A_186 = vector.broadcast %select_n3A_171 : i32 to vector<8x384xi32>
    %add3A_187 = arith.addi %rem3A_173, %add3A_186 : vector<8x384xi32>
    %select_n3A_188 = arith.select %and3A_185, %add3A_187, %rem3A_173 : vector<8x384xi1>, vector<8x384xi32>
    %eq3A_189 = arith.cmpi eq, %select_n3A_164, %iota3A_165 : vector<8x384xi32>
    %lt3A_190 = arith.constant 40 : i32
    %lt3A_191 = vector.broadcast %lt3A_190 : i32 to vector<8x384xi32>
    %lt3A_192 = arith.cmpi slt, %select_n3A_188, %lt3A_191 : vector<8x384xi32>
    %and3A_193 = arith.andi %eq3A_189, %lt3A_192 : vector<8x384xi1>
    %jit3A_194 = arith.constant 1.000000e+00 : f32
    %jit3A_195 = arith.constant 0.000000e+00 : f32
    %broadcast_in_dim3A_196 = vector.broadcast %jit3A_194 : f32 to vector<8x384xf32>
    %broadcast_in_dim3A_197 = vector.broadcast %jit3A_195 : f32 to vector<8x384xf32>
    %select_n3A_198 = arith.select %and3A_193, %broadcast_in_dim3A_196, %broadcast_in_dim3A_197 : vector<8x384xi1>, vector<8x384xf32>
    %get3A_199 = arith.constant 0 : index
    %get3A_200 = arith.constant 0 : index
    %get3A_201 = arith.constant 0 : index
    %get3A_202 = vector.load %arg1[%get3A_199, %get3A_200, %get3A_201] : memref<2x160x384xf32, #tpu.memory_space<vmem>>, vector<1x160x384xf32>
    %get3A_203 = vector.shape_cast %get3A_202 : vector<1x160x384xf32> to vector<160x384xf32>
    %get3A_204 = arith.constant 1 : index
    %get3A_205 = arith.constant 0 : index
    %get3A_206 = arith.constant 0 : index
    %get3A_207 = vector.load %arg1[%get3A_204, %get3A_205, %get3A_206] : memref<2x160x384xf32, #tpu.memory_space<vmem>>, vector<1x160x384xf32>
    %get3A_208 = vector.shape_cast %get3A_207 : vector<1x160x384xf32> to vector<160x384xf32>
    %add3A_209 = arith.addf %get3A_203, %get3A_208 : vector<160x384xf32>
    %get3A_210 = arith.constant 0 : index
    %get3A_211 = arith.constant 0 : index
    %get3A_212 = vector.load %arg2[%get3A_210, %get3A_211] : memref<160x384xf32, #tpu.memory_space<vmem>>, vector<160x384xf32>
    %add3A_213 = arith.addf %add3A_209, %get3A_212 : vector<160x384xf32>
    %mul3A = arith.mulf %add3A_213, %dot_general3A_66 : vector<160x384xf32>
    %get3A_214 = arith.constant 0 : index
    %get3A_215 = arith.constant 0 : index
    %get3A_216 = vector.load %arg4[%get3A_214, %get3A_215] : memref<1x384xf32, #tpu.memory_space<vmem>>, vector<1x384xf32>
    %add3A_217 = vector.broadcast %get3A_216 : vector<1x384xf32> to vector<160x384xf32>
    %add3A_218 = arith.addf %mul3A, %add3A_217 : vector<160x384xf32>
    %dot_general3A_219 = arith.constant dense<0.000000e+00> : vector<160x8xf32>
    %dot_general3A_220 = tpu.matmul %add3A_218, %select_n3A_132, %dot_general3A_219 {dimension_numbers = #tpu.dot_dimension_numbers<[1], [1], [0], [0], [0, 0, 1, 0], [], []>, transpose_lhs_hint = false} : vector<160x384xf32>, vector<8x384xf32>, vector<160x8xf32> -> vector<160x8xf32>
    %div3A_221 = arith.constant 4.800000e+01 : f32
    %div3A_222 = vector.broadcast %div3A_221 : f32 to vector<160x8xf32>
    %div3A_223 = arith.divf %dot_general3A_220, %div3A_222 : vector<160x8xf32>
    %dot_general3A_224 = arith.constant dense<0.000000e+00> : vector<160x384xf32>
    %dot_general3A_225 = tpu.matmul %div3A_223, %select_n3A_132, %dot_general3A_224 {dimension_numbers = #tpu.dot_dimension_numbers<[1], [0], [0], [1], [0, 0, 1, 1], [], []>, transpose_lhs_hint = false} : vector<160x8xf32>, vector<8x384xf32>, vector<160x384xf32> -> vector<160x384xf32>
    %sub3A_226 = arith.subf %add3A_218, %dot_general3A_225 : vector<160x384xf32>
    %exp3A = math.exp %sub3A_226 : vector<160x384xf32>
    %dot_general3A_227 = arith.constant dense<0.000000e+00> : vector<160x8xf32>
    %dot_general3A_228 = tpu.matmul %exp3A, %select_n3A_198, %dot_general3A_227 {dimension_numbers = #tpu.dot_dimension_numbers<[1], [1], [0], [0], [0, 0, 1, 0], [], []>, precision = #tpu.contract_precision<fp32>, transpose_lhs_hint = false} : vector<160x384xf32>, vector<8x384xf32>, vector<160x8xf32> -> vector<160x8xf32>
    %log3A = math.log %dot_general3A_228 : vector<160x8xf32>
    %dot_general3A_229 = arith.constant dense<0.000000e+00> : vector<160x384xf32>
    %dot_general3A_230 = tpu.matmul %log3A, %select_n3A_132, %dot_general3A_229 {dimension_numbers = #tpu.dot_dimension_numbers<[1], [0], [0], [1], [0, 0, 1, 1], [], []>, precision = #tpu.contract_precision<fp32>, transpose_lhs_hint = false} : vector<160x8xf32>, vector<8x384xf32>, vector<160x384xf32> -> vector<160x384xf32>
    %sub3A_231 = arith.subf %sub3A_226, %dot_general3A_230 : vector<160x384xf32>
    %swap3A = arith.constant 0 : index
    %swap3A_232 = arith.constant 0 : index
    %swap3A_233 = vector.load %arg5[%swap3A, %swap3A_232] : memref<160x384xf32, #tpu.memory_space<vmem>>, vector<160x384xf32>
    tpu.vector_store %arg5[%swap3A, %swap3A_232], %sub3A_231 {strides = array<i32>} : memref<160x384xf32, #tpu.memory_space<vmem>>, vector<160x384xf32>,
    return
  }
  func.func @transform_0(%arg0: i32) -> (i32, i32, i32) {
    %c0_i32 = arith.constant 0 : i32
    %c0_i32_0 = arith.constant 0 : i32
    %c0_i32_1 = arith.constant 0 : i32
    return %c0_i32, %arg0, %c0_i32_0 : i32, i32, i32
  }
  func.func @transform_1(%arg0: i32) -> (i32, i32) {
    %c0_i32 = arith.constant 0 : i32
    %c0_i32_0 = arith.constant 0 : i32
    return %arg0, %c0_i32 : i32, i32
  }
  func.func @transform_2(%arg0: i32) -> (i32, i32, i32) {
    %c0_i32 = arith.constant 0 : i32
    %c0_i32_0 = arith.constant 0 : i32
    %c0_i32_1 = arith.constant 0 : i32
    return %c0_i32, %arg0, %c0_i32_0 : i32, i32, i32
  }
  func.func @transform_3(%arg0: i32) -> (i32, i32) {
    %c0_i32 = arith.constant 0 : i32
    %c0_i32_0 = arith.constant 0 : i32
    %c0_i32_1 = arith.constant 0 : i32
    return %c0_i32, %c0_i32_0 : i32, i32
  }
  func.func @transform_4(%arg0: i32) -> (i32, i32) {
    %c0_i32 = arith.constant 0 : i32
    %c0_i32_0 = arith.constant 0 : i32
    return %arg0, %c0_i32 : i32, i32
  }
}

</mosaic_0001>

<sc_bundles>
// kernel: kernel.11.cloned.1.call-start
scs
__scs_entry_jumppad:
0x0: {  	(pc) =	sbr.rel $0x88, $3  }
0x1: {  	(tag) =	ssettag $0x0;
	lr =	simm.s32 $0x1  }
0x2: {  	[smem:$0x3F9B] =	sst lr;
	_ =	strace $0xD0000000  }
0x3: {  	_ = 	snop  }
0x4: {  	_ = 	snop  }
0x5: {  	_ = 	snop  }
0x6: {  	_ = 	snop  }
0x7: {  	_ = 	snop  }
__scs_overlays_trampoline_lowered:
0x8: {  	[smem:$0x3FAA] =	sst s0  }
0x9: {  	[smem:$0x3FAB] =	sst s1  }
0xa: {  	[smem:$0x3FAC] =	sst s2  }
0xb: {  	[smem:$0x3FAD] =	sst s3  }
0xc: {  	[smem:$0x3FAE] =	sst s4  }
0xd: {  	[smem:$0x3FAF] =	sst s5  }
0xe: {  	[smem:$0x3FB0] =	sst s6  }
0xf: {  	[smem:$0x3FB1] =	sst s7  }
0x10: {  	[smem:$0x3FB2] =	sst s8  }
0x11: {  	[smem:$0x3FB3] =	sst s9;
	s0 =	simm.s32 @!p0 $0x0  }
0x12: {  	s1 =	sld [smem:$0x3F99];
	s0 =	simm.s32 @p0 $0x1  }
0x13: {  	[smem:$0x3FB4] =	sst s0;
	s0 =	simm.s32 @!p1 $0x0  }
0x14: {  	s2 =	sld [smem:$0x3F98];
	s0 =	simm.s32 @p1 $0x1  }
0x15: {  	[smem:$0x3FB5] =	sst s0;
	s0 =	simm.s32 @!p2 $0x0  }
0x16: {  	s3 =	sld [smem:$0x3FDB];
	s0 =	simm.s32 @p2 $0x1  }
0x17: {  	s4 =	simm.s32 $0x1BF5;
	[smem:$0x3FB7] =	sst s0  }
0x18: {  	s0 =	sld [smem:$0x3F9A];
	_ =	swait.ge [sflag:s4], $0x0  }
0x19: {  	s7 =	sld [smem:$0x3F9B]  }
0x1a: {  	s8 =	sadd.s32 $0xFFFFE003, lr  }
0x1b: {  	s9 =	sadd.s32 $0xFFFFFEF7, lr;
	s5 =	simm.s32 $0xFFFFFFFF;
	p2 =	slt.u32 s8, $0xFFFFF086  }
0x1c: {  	p1 =	slt.u32 s9, $0xF7A;
	s5 =	simm.s32 @!p2 $0x0  }
0x1d: {  	s5 =	simm.s32 @p1 $0x1;
	p0 =	seq.s32 s7, s2  }
0x1e: {  	s7 =	smul.u32 @!p0 $0xF7A, s2;
	p2 =	seq.s32 @!p0 s5, $0x0  }
0x1f: {  	s9 =	smul.u32 $0xF7A, s1;
	s8 =	simm.s32 @!p0 $0x1BF5;
	p2 =	por !p2, p0  }
0x20: {  	[sflag:s8] =	ssyncset.s32 @!p0 $0xFFFFF086;
	s6 =	sadd.s32 @!p0 s3, s7;
	s7 =	simm.s32 @!p0 $0x108  }
0x21: {  	s3 =	sadd.s32 s3, s9;
	s6 =	sadd.s32 @!p0 $0x88, s6;
	s7 =	simm.s32 @p2 $0x1082  }
0x22: {  	[simem:s7], [sflag:s8] =	dma.local @!p0 [hbm:s6], $0xF7A  }
0x23: {  	s9 =	sor.u32 $0xD0000000, s2;
	s6 =	simm.s32 $0x108;
	_ =	swait.ge @!p0 [sflag:s8], $0x0  }
0x24: {  	s3 =	sadd.s32 $0x88, s3;
	s6 =	simm.s32 @!p1 $0x1082;
	[sflag:s4] =	ssyncset.s32 $0xFFFFF086  }
0x25: {  	[simem:s6], [sflag:s4] =	dma.local [hbm:s3], $0xF7A  }
0x26: {  	[smem:$0x3F9B] =	sst s1;
	(tag) =	ssettag s2;
	_ =	strace s9  }
0x27: {  	s1 =	sld [smem:$0x3FAB]  }
0x28: {  	s2 =	sld [smem:$0x3FAC]  }
0x29: {  	s4 =	sld [smem:$0x3FAE]  }
0x2a: {  	p0 =	seq.s32 s5, $0x0;
	s5 =	sld [smem:$0x3FAF]  }
0x2b: {  	s6 =	sld [smem:$0x3FB0]  }
0x2c: {  	s7 =	sld [smem:$0x3FB1]  }
0x2d: {  	s3 =	simm.s32 $0x108;
	s8 =	sld [smem:$0x3FB2]  }
0x2e: {  	s3 =	simm.s32 @!p0 $0x1082;
	s9 =	sld [smem:$0x3FB3]  }
0x2f: {  	lr =	sadd.s32 s0, s3;
	s0 =	sld [smem:$0x3FAA]  }
0x30: {  	s3 =	sld [smem:$0x3FAD]  }
0x31: {  	[smem:$0x3FB6] =	sst s10  }
0x32: {  	s10 =	sld [smem:$0x3FB4];
	_ =	sdelay $0x3  }
0x33: {  	p0 =	seq.s32 s10, $0x1;
	s10 =	sld [smem:$0x3FB6];
	_ =	sdelay $0x3  }
0x34: {  	[smem:$0x3FB6] =	sst s10  }
0x35: {  	s10 =	sld [smem:$0x3FB5];
	_ =	sdelay $0x3  }
0x36: {  	p1 =	seq.s32 s10, $0x1;
	s10 =	sld [smem:$0x3FB6];
	_ =	sdelay $0x3  }
0x37: {  	[smem:$0x3FB6] =	sst s10  }
0x38: {  	s10 =	sld [smem:$0x3FB7]  }
0x39: {  	_ = 	snop;
	(pc) =	sbr.ind lr, $3  }
0x3a: {  	_ = 	snop  }
0x3b: {  	_ = 	snop  }
0x3c: {  	p2 =	seq.s32 s10, $0x1;
	s10 =	sld [smem:$0x3FB6]  }
0x3d: {  	_ =	shalt  }
0x3e: {  	_ =	shalt  }
0x3f: {  	_ =	shalt  }
0x40: {  	_ =	shalt  }
0x41: {  	_ =	shalt  }
0x42: {  	_ =	shalt  }
0x43: {  	_ =	shalt  }
0x44: {  	_ =	shalt  }
0x45: {  	_ =	shalt  }
0x46: {  	_ =	shalt  }
0x47: {  	_ =	shalt  }
0x48: {  	_ =	shalt  }
0x49: {  	_ =	shalt  }
0x4a: {  	_ =	shalt  }
0x4b: {  	_ =	shalt  }
0x4c: {  	_ =	shalt  }
0x4d: {  	_ =	shalt  }
0x4e: {  	_ =	shalt  }
0x4f: {  	_ =	shalt  }
0x50: {  	_ =	shalt  }
0x51: {  	_ =	shalt  }
0x52: {  	_ =	shalt  }
0x53: {  	_ =	shalt  }
0x54: {  	_ =	shalt  }
0x55: {  	_ =	shalt  }
0x56: {  	_ =	shalt  }
0x57: {  	_ =	shalt  }
0x58: {  	_ =	shalt  }
0x59: {  	_ =	shalt  }
0x5a: {  	_ =	shalt  }
0x5b: {  	_ =	shalt  }
0x5c: {  	_ =	shalt  }
0x5d: {  	_ =	shalt  }
0x5e: {  	_ =	shalt  }
0x5f: {  	_ =	shalt  }
0x60: {  	_ =	shalt  }
0x61: {  	_ =	shalt  }
0x62: {  	_ =	shalt  }
0x63: {  	_ =	shalt  }
0x64: {  	_ =	shalt  }
0x65: {  	_ =	shalt  }
0x66: {  	_ =	shalt  }
0x67: {  	_ =	shalt  }
0x68: {  	_ =	shalt  }
0x69: {  	_ =	shalt  }
0x6a: {  	_ =	shalt  }
0x6b: {  	_ =	shalt  }
0x6c: {  	_ =	shalt  }
0x6d: {  	_ =	shalt  }
0x6e: {  	_ =	shalt  }
0x6f: {  	_ =	shalt  }
0x70: {  	_ =	shalt  }
0x71: {  	_ =	shalt  }
0x72: {  	_ =	shalt  }
0x73: {  	_ =	shalt  }
0x74: {  	_ =	shalt  }
0x75: {  	_ =	shalt  }
0x76: {  	_ =	shalt  }
0x77: {  	_ =	shalt  }
0x78: {  	_ =	shalt  }
0x79: {  	_ =	shalt  }
0x7a: {  	_ =	shalt  }
0x7b: {  	_ =	shalt  }
0x7c: {  	_ =	shalt  }
0x7d: {  	_ =	shalt  }
0x7e: {  	_ =	shalt  }
0x7f: {  	_ =	shalt  }
0x80: {  	_ =	shalt  }
0x81: {  	_ =	shalt  }
0x82: {  	_ =	shalt  }
0x83: {  	_ =	shalt  }
0x84: {  	_ =	shalt  }
0x85: {  	_ =	shalt  }
0x86: {  	_ =	shalt  }
0x87: {  	_ =	shalt  }
.Lfunc_end0:
.L_simem_size_0:
called_computation.1_lowered:
.L_overlay_start_0:
0x88: {  	s2 =	sld [smem:$0x3FD9]  }
0x89: {  	s3 =	sld [smem:$0x3FFE];
	_ =	sdelay $0x1  }
0x8a: {  	s1 =	srdreg.scid  }
0x8b: {  	s0 =	sand.u32 $0x1, s1  }
0x8c: {  	s17 =	sshll.u32 s0, $0xA;
	s2 =	sadd.s32 s3, s2  }
0x8d: {  	s2 =	sadd.s32 s2, s17  }
0x8e: {  	[smem:$0x3FC2] =	sst s2  }
0x8f: {  	_ = 	snop  }
0x90: {  	s2 =	sld [smem:$0x3FD0];
	(tm) =	ssettm $0x1  }
0x91: {  	s18 =	sld [smem:$0x3FFB];
	_ =	sdelay $0x3  }
0x92: {  	_ =	strace s18  }
0x93: {  	s3 =	sld [smem:$0x3FFC];
	_ =	sdelay $0x3  }
0x94: {  	_ =	strace s3  }
0x95: {  	s3 =	sld [smem:$0x3FFD];
	_ =	sdelay $0x3  }
0x96: {  	_ =	strace s3  }
0x97: {  	_ =	strace $0x8FFFFFFF  }
0x98: {  	s19 =	sld [smem:$0x3FDB];
	_ =	sdelay $0x1  }
0x99: {  	s4 =	simm.s32 $_scs_section_size  }
0x9a: {  	s5 =	simm.s32 $_size__tile_overlayer_lowered;
	s6 =	simm.s32 $_tile_overlayer_lowered  }
0x9b: {  	s22 =	simm.s32 $0x1BFF;
	s21 =	sshll.u32 s6, $0x1;
	s3 =	sadd.s32 s4, s19  }
0x9c: {  	s7 =	simm.s32 $0x0;
	s20 =	sshll.u32 s5, $0x1;
	s5 =	sadd.s32 s21, s3  }
0x9d: {  	[timem:s7], [sflag:s22] =	dma.local [hbm:s5], s20  }
0x9e: {  	_ =	swait.ge [sflag:s22], s20  }
0x9f: {  	s4 =	ssub.s32 $0x0, s20;
	[sflag:s22] =	ssyncset.done $0x0  }
0xa0: {  	[sflag:s22] =	ssyncadd.s32 s4;
	_ =	sdelay $0x1  }
0xa1: {  	s23 =	simm.s32 $0x1B8B  }
0xa2: {  	_ =	swait.ge [sflag:s23], $0x1  }
0xa3: {  	[sflag:s23] =	ssyncset.done $0x0  }
0xa4: {  	s25 =	simm.s32 $0x1B8E;
	s24 =	sld [smem:$0x3FFE];
	[sflag:s23] =	ssyncadd.s32 $0xFFFFFFFF  }
0xa5: {  	s26 =	simm.s32 $execute0_lowered;
	[smem:$0x3FD2] =	sst s25  }
0xa6: {  	s5 =	sshll.u32 s26, $0x1;
	_ =	strace $0x80000049;
	[dreg:$0x1] =	wrdreg $0xFFFFFFFF  }
0xa7: {  	s28 =	simm.s32 $_size_execute0_lowered;
	s3 =	sadd.s32 s3, s5;
	[dreg:$0x0] =	wrdreg $0x0  }
0xa8: {  	s5 =	sshll.u32 s28, $0x1;
	[dreg:$0x2] =	wrdreg s3  }
0xa9: {  	[dreg:$0x3] =	wrdreg s5  }
0xaa: {  	[dreg:$0x4] =	wrdreg $0xC0  }
0xab: {  	_ =	task [dreg:s7], $0x5FFFF  }
0xac: {  	[dreg:$0x1] =	wrdreg $0xFFFFFFFF  }
0xad: {  	[dreg:$0x0] =	wrdreg $0x60  }
0xae: {  	[dreg:$0x2] =	wrdreg s24  }
0xaf: {  	[dreg:$0x3] =	wrdreg s2  }
0xb0: {  	[dreg:$0x4] =	wrdreg $0x97000  }
0xb1: {  	[dreg:$0x5] =	wrdreg $0x9  }
0xb2: {  	_ =	task.clear_ibuf [dreg:s7], $0x6FFFF;
	_ =	strace $0x90000049  }
0xb3: {  	s29 =	simm.s32 $0x9;
	_ =	strace $0x8000004B  }
0xb4: {  	_ =	swait.ge [sflag:s29], $0x1  }
0xb5: {  	[sflag:s29] =	ssyncadd.s32 $0xFFFFFFFF  }
0xb6: {  	_ =	strace $0x9000004B  }
0xb7: {  	_ =	sfence  }
0xb8: {  	s30 =	sld [smem:$0x0];
	_ =	sdelay $0x2  }
0xb9: {  	s31 =	sshll.u32 s1, $0xD;
	s1 =	sshrl.u32 s1, $0x2  }
0xba: {  	s3 =	sand.u32 $0x4000, s31;
	s1 =	sadd.s32 s1, s30  }
0xbb: {  	s0 =	sor.u32 s3, s0;
	s1 =	sshll.u32 s1, $0x11  }
0xbc: {  	s0 =	sor.u32 s1, s0  }
0xbd: {  	s0 =	sadd.s32 $0x8F2B, s0  }
0xbe: {  	[sflag:s0] =	ssyncadd.remote.s32 $0x1  }
0xbf: {  	_ =	sfence.sel $0xFFFF  }
0xc0: {  	[dreg:$0x0] =	wrdreg $0xFFFFFFFF;
	(pc) =	sbr.abs _section_cstart, $3  }
0xc1: {  	[dreg:$0x1] =	wrdreg $0xFFFFFFFF  }
0xc2: {  	_ =	task.clear_ibuf [dreg:s7], $0x2FFFF;
	_ =	strace $0x9FFFFFFF  }
0xc3: {  	(tm) =	ssettm $0x7FFFFFFF  }
tec
execute0_lowered:
.L_overlay_start_1:
0x0: {  	(tag) =	ssettag $0x1  }
0x1: {  	s1 =	rddreg [dreg:$0x0]  }
0x2: {  	s0 =	srdreg.scid;
	s6 =	rddreg [dreg:$0x1]  }
0x3: {  	s9 =	stileid.u32;
	s2 =	rddreg [dreg:$0x2]  }
0x4: {  	s18 =	simm.s32 $0x0;
	s14 =	simm.s32 $0x8F00;
	s15 =	simm.s32 $0x11  }
0x5: {  	s17 =	simm.s32 $0x80;
	s28 =	simm.s32 $0x4;
	s31 =	simm.s32 $0x10  }
0x6: {  	s0 =	sand.u32 $0x1, s0;
	[smem:$0x7FF] =	sst s18;
	s5 =	smul.u32 $0xA000, s9  }
0x7: {  	s29 =	simm.s32 $0xE;
	s3 =	sshll.u32 s0, $0x4;
	_ =	strace $0x8000004A  }
0x8: {  	s19 =	ssub.s32 $0x2, s0;
	s0 =	smul.u32 $0x28000, s0;
	s5 =	sshrl.u32 s5, $0x2  }
0x9: {  	s4 =	sor.u32 s9, s3;
	s9 =	smul.u32 $0x2800, s9;
	s20 =	sadd.s32 s5, s2  }
0xa: {  	s8 =	sshrl.u32 s19, $0x1;
	s4 =	smul.u32 $0x2780, s4;
	s21 =	sadd.s32 $0x800, s20  }
0xb: {  	s5 =	sadd.s32 s9, s2;
	s22 =	sadd.s32 $0x1000, s20;
	[dreg:$0x4] =	wrdreg s21  }
0xc: {  	s23 =	sadd.s32 $0x1800, s20;
	s24 =	sadd.s32 $0x2000, s20;
	[dreg:$0x5] =	wrdreg s22  }
0xd: {  	s0 =	sadd.s32 s9, s0;
	s20 =	simm.s32 $0x3;
	[dreg:$0x6] =	wrdreg s23  }
0xe: {  	s4 =	sshrl.u32 s4, $0x3;
	[dreg:$0x7] =	wrdreg s24;
	s0 =	sshrl.u32 s0, $0x3  }
0xf: {  	s22 =	simm.s32 $0xB;
	s24 =	simm.s32 $0xC;
	s7 =	sadd.s32 s4, s1  }
0x10: {  	s4 =	sadd.s32 $0x2000, s1;
	s1 =	ssub.s32 s19, s8;
	s0 =	sadd.s32 s6, s0  }
0x11: {  	s6 =	simm.s32 $0xF;
	s25 =	sadd.s32 $0x16000, s7;
	[dreg:$0xa] =	wrdreg s0  }
0x12: {  	s26 =	sadd.s32 $0x1FE00, s7;
	s30 =	smax.u32 s1, $0x1;
	[dreg:$0x8] =	wrdreg s25  }
0x13: {  	s1 =	simm.s32 $0x9;
	s0 =	simm.s32 $0xA;
	[dreg:$0x9] =	wrdreg s26  }
0x14: {  	v0 =	vimm.f32 $0.0e+00;
	s7 =	simm.s32 $0x0;
	[dreg:$0xb] =	wrdreg s30;
	s25 =	simm.s32 $0xD  }
.LBB2_1:
0x15: {  	s8 =	simm.s32 $0x40;
	s9 =	simm.s32 $0x0  }
.LBB2_2:
0x16: {  	p0 =	sne.s32 s8, $0x1FC0;
	[tilespmem:s9+$0x8F00] =	vst v0;
	s9 =	smov.u32 s8;
	s8 =	sadd.s32 $0x40, s8  }
.Ltmp0:
0x17: {  	(pc) =	sbr.rel @p0 .LBB2_2-.Ltmp0, $2  }
0x18: {  	_ =	sdelay $0x2  }
0x19: {  	s9 =	sshra.s32 s9, $0x2  }
0x1a: {  	[tilespmem:s9+$0x8F00] =	vst v0  }
0x1b: {  	[spmem:s5] =	stream.linear.scatter [tilespmem:s14], [sflag:$0x11], $0x800, $0x38;
	[tilespmem:$0xBF00] =	vst v63  }
0x1c: {  	_ =	swait.ge [sflag:s15], $0x800  }
0x1d: {  	[sflag:s15] =	ssyncset.done $0x0  }
0x1e: {  	s3 =	rddreg [dreg:$0x4];
	[sflag:s15] =	ssyncadd.s32 $0xFFFFF800  }
0x1f: {  	[spmem:s3] =	stream.linear.scatter [tilespmem:s14], [sflag:$0x11], $0x800, $0x38;
	[tilespmem:$0xBF00] =	vst v63  }
0x20: {  	_ =	swait.ge [sflag:s15], $0x800  }
0x21: {  	[sflag:s15] =	ssyncset.done $0x0  }
0x22: {  	s18 =	rddreg [dreg:$0x5];
	[sflag:s15] =	ssyncadd.s32 $0xFFFFF800  }
0x23: {  	[spmem:s18] =	stream.linear.scatter [tilespmem:s14], [sflag:$0x11], $0x800, $0x38;
	[tilespmem:$0xBF00] =	vst v63  }
0x24: {  	_ =	swait.ge [sflag:s15], $0x800  }
0x25: {  	[sflag:s15] =	ssyncset.done $0x0  }
0x26: {  	s19 =	rddreg [dreg:$0x6];
	[sflag:s15] =	ssyncadd.s32 $0xFFFFF800  }
0x27: {  	[spmem:s19] =	stream.linear.scatter [tilespmem:s14], [sflag:$0x11], $0x800, $0x38;
	[tilespmem:$0xBF00] =	vst v63  }
0x28: {  	_ =	swait.ge [sflag:s15], $0x800  }
0x29: {  	[sflag:s15] =	ssyncset.done $0x0  }
0x2a: {  	s21 =	rddreg [dreg:$0x7];
	[sflag:s15] =	ssyncadd.s32 $0xFFFFF800  }
0x2b: {  	[spmem:s21] =	stream.linear.scatter [tilespmem:s14], [sflag:$0x11], $0x800, $0x38;
	[tilespmem:$0xBF00] =	vst v63  }
0x2c: {  	_ =	swait.ge [sflag:s15], $0x800  }
0x2d: {  	[sflag:s15] =	ssyncset.done $0x0  }
0x2e: {  	[sflag:s15] =	ssyncadd.s32 $0xFFFFF800  }
0x2f: {  	[bflag:$0x0] =	sbarrier.arrive $0xFFFF  }
0x30: {  	s23 =	simm.s32 $0x0;
	s8 =	rddreg [dreg:$0x8]  }
0x31: {  	[tilespmem:s23], [sflag:$0x11] =	stream.linear.gather [hbm4b:s8+s23], $0x2780, $0x38;
	[tilespmem:$0xBF00] =	vst v63  }
0x32: {  	_ =	swait.ge [sflag:s15], $0x2780  }
0x33: {  	[sflag:s15] =	ssyncset.done $0x0  }
0x34: {  	s30 =	simm.s32 $0x2780;
	s26 =	rddreg [dreg:$0x9];
	[sflag:s15] =	ssyncadd.s32 $0xFFFFD880  }
0x35: {  	[tilespmem:s30], [sflag:$0x11] =	stream.linear.gather [hbm4b:s26+s23], $0x2780, $0x38;
	[tilespmem:$0xBF00] =	vst v63  }
0x36: {  	_ =	swait.ge [sflag:s15], $0x2780  }
0x37: {  	[sflag:s15] =	ssyncset.done $0x0  }
0x38: {  	s16 =	simm.s32 $0x4F00;
	[sflag:s15] =	ssyncadd.s32 $0xFFFFD880  }
0x39: {  	[tilespmem:s16], [sflag:$0x1] =	stream.indirect.gather [hbm4b:s4+s17], $0x10, s23, s17, $0xb8;
	[tilespmem:$0xBF00] =	vst v63  }
0x3a: {  	s18 =	simm.s32 $0x5700  }
0x3b: {  	[tilespmem:s18], [sflag:$0x2] =	stream.indirect.gather [hbm4b:s4+s17], $0x10, s17, s17, $0xb8;
	[tilespmem:$0xBF00] =	vst v63  }
0x3c: {  	s10 =	simm.s32 $0x100;
	s11 =	simm.s32 $0x5F00  }
0x3d: {  	[tilespmem:s11], [sflag:$0x3] =	stream.indirect.gather [hbm4b:s4+s17], $0x10, s10, s17, $0xb8;
	[tilespmem:$0xBF00] =	vst v63  }
0x3e: {  	s12 =	simm.s32 $0x6700;
	s19 =	simm.s32 $0x180  }
0x3f: {  	[tilespmem:s12], [sflag:$0x4] =	stream.indirect.gather [hbm4b:s4+s17], $0x10, s19, s17, $0xb8;
	[tilespmem:$0xBF00] =	vst v63  }
0x40: {  	s13 =	simm.s32 $0x6F00;
	s21 =	simm.s32 $0x200;
	s23 =	simm.s32 $0x1  }
0x41: {  	[tilespmem:s13], [sflag:$0x5] =	stream.indirect.gather [hbm4b:s4+s17], $0x10, s21, s17, $0xb8;
	[tilespmem:$0xBF00] =	vst v63  }
0x42: {  	_ =	swait.ge [sflag:s23], $0x800  }
0x43: {  	[sflag:s23] =	ssyncset.done $0x0  }
0x44: {  	[sflag:s23] =	ssyncadd.s32 $0xFFFFF800  }
0x45: {  	[spmem:s2] =	stream.indirect.scatter.add.f32 [tilespmem:s16], [sflag:$0x9], $0x10, s30, s17, $0xb8;
	[tilespmem:$0xBF00] =	vst v63  }
0x46: {  	s26 =	simm.s32 $0x280;
	s10 =	simm.s32 $0x2;
	s30 =	simm.s32 $0x7700  }
0x47: {  	[tilespmem:s30], [sflag:$0x6] =	stream.indirect.gather [hbm4b:s4+s17], $0x10, s26, s17, $0xb8;
	[tilespmem:$0xBF00] =	vst v63  }
0x48: {  	_ =	swait.ge [sflag:s10], $0x800  }
0x49: {  	[sflag:s10] =	ssyncset.done $0x0  }
0x4a: {  	s13 =	simm.s32 $0x2800;
	[sflag:s10] =	ssyncadd.s32 $0xFFFFF800  }
0x4b: {  	[spmem:s2] =	stream.indirect.scatter.add.f32 [tilespmem:s18], [sflag:$0xA], $0x10, s13, s17, $0xb8;
	[tilespmem:$0xBF00] =	vst v63  }
0x4c: {  	s16 =	simm.s32 $0x300;
	s18 =	simm.s32 $0x7F00  }
0x4d: {  	[tilespmem:s18], [sflag:$0x7] =	stream.indirect.gather [hbm4b:s4+s17], $0x10, s16, s17, $0xb8;
	[tilespmem:$0xBF00] =	vst v63  }
0x4e: {  	_ =	swait.ge [sflag:s20], $0x800  }
0x4f: {  	p0 =	por $0x0, $0x0;
	[sflag:s20] =	ssyncset.done $0x0  }
0x50: {  	s9 =	simm.s32 $0x400;
	s19 =	simm.s32 $0x2880;
	[sflag:s20] =	ssyncadd.s32 $0xFFFFF800  }
0x51: {  	[spmem:s2] =	stream.indirect.scatter.add.f32 [tilespmem:s11], [sflag:$0xB], $0x10, s19, s17, $0xb8;
	[tilespmem:$0xBF00] =	vst v63  }
0x52: {  	s8 =	simm.s32 $0x8;
	s21 =	simm.s32 $0x380;
	s23 =	simm.s32 $0x8700  }
0x53: {  	[tilespmem:s23], [sflag:$0x8] =	stream.indirect.gather [hbm4b:s4+s17], $0x10, s21, s17, $0xb8;
	[tilespmem:$0xBF00] =	vst v63  }
0x54: {  	s8 =	sand.u32 @!p0 $0x7, s8;
	s26 =	simm.s32 $0x2900;
	_ =	swait.ge [sflag:s28], $0x800  }
0x55: {  	s30 =	simm.s32 $0x4;
	s10 =	sshll.u32 @!p0 s8, $0xB;
	[sflag:s28] =	ssyncset.done $0x0  }
0x56: {  	s10 =	sadd.s32 @!p0 $0x4F00, s10;
	s18 =	simm.s32 $0x2980;
	[sflag:s28] =	ssyncadd.s32 $0xFFFFF800  }
0x57: {  	[spmem:s2] =	stream.indirect.scatter.add.f32 [tilespmem:s12], [sflag:$0xC], $0x10, s26, s17, $0xb8;
	[tilespmem:$0xBF00] =	vst v63  }
0x58: {  	s16 =	simm.s32 $0xA;
	s21 =	sand.u32 $0x7, s30;
	s12 =	sadd.s32 @!p0 $0x9, s8  }
0x59: {  	s11 =	simm.s32 $0x9;
	s19 =	sadd.s32 $0x1, s21;
	_ =	swait.ge @!p0 [sflag:s12], $0x800  }
0x5a: {  	s23 =	sshll.u32 s21, $0xB;
	s21 =	sadd.s32 $0x9, s21;
	[sflag:s12] =	ssyncset.done @!p0 $0x0  }
0x5b: {  	s8 =	sadd.s32 @!p0 $0x1, s8;
	[sflag:s12] =	ssyncadd.s32 @!p0 $0xFFFFF800;
	s12 =	simm.s32 @!p0 $0x80  }
0x5c: {  	[tilespmem:s10], [sflag:s8] =	stream.indirect.gather @!p0 [hbm4b:s4+s12], $0x10, s9, s12, $0xb8;
	[tilespmem:$0xBF00] =	vst v63  }
0x5d: {  	s12 =	simm.s32 $0x5;
	s8 =	simm.s32 $0x2A00;
	_ =	swait.ge [sflag:s19], $0x800  }
0x5e: {  	s10 =	simm.s32 $0x480;
	s9 =	sand.u32 $0x7, s12;
	[sflag:s19] =	ssyncset.done $0x0  }
0x5f: {  	s13 =	sshll.u32 s9, $0xB;
	[sflag:s19] =	ssyncadd.s32 $0xFFFFF800;
	s19 =	sadd.s32 $0x4F00, s23  }
.LBB2_4:
0x60: {  	[spmem:s2] =	stream.indirect.scatter.add.f32 [tilespmem:s19], [sflag:s21], $0x10, s18, s17, $0xb8;
	[tilespmem:$0xBF00] =	vst v63  }
0x61: {  	s18 =	smov.u32 s16;
	s21 =	smov.u32 s9;
	s19 =	smov.u32 s13  }
0x62: {  	s16 =	sadd.s32 $0x1, s16;
	p1 =	sgt.u32 s12, $0x4A;
	s12 =	sadd.s32 $0xFFFFFFFC, s18  }
0x63: {  	p0 =	sne.s32 s16, $0x53;
	s11 =	sand.u32 @!p1 $0x7, s11;
	s9 =	sand.u32 $0x7, s12  }
0x64: {  	s23 =	sadd.s32 @!p1 $0x9, s11;
	s3 =	sshll.u32 @!p1 s11, $0xB;
	s26 =	sadd.s32 @!p1 $0x1, s11  }
0x65: {  	s13 =	sshll.u32 s9, $0xB;
	s3 =	sadd.s32 @!p1 $0x4F00, s3;
	_ =	swait.ge @!p1 [sflag:s23], $0x800  }
0x66: {  	s30 =	sadd.s32 $0x1, s21;
	s11 =	smov.u32 s18;
	[sflag:s23] =	ssyncset.done @!p1 $0x0  }
.Ltmp1:
0x67: {  	s18 =	simm.s32 @!p1 $0x80;
	[sflag:s23] =	ssyncadd.s32 @!p1 $0xFFFFF800;
	(pc) =	sbr.rel @p0 .LBB2_4-.Ltmp1, $4  }
0x68: {  	[tilespmem:s3], [sflag:s26] =	stream.indirect.gather @!p1 [hbm4b:s4+s18], $0x10, s10, s18, $0xb8;
	[tilespmem:$0xBF00] =	vst v63  }
0x69: {  	s18 =	smov.u32 s8;
	_ =	swait.ge [sflag:s30], $0x800  }
0x6a: {  	s8 =	sadd.s32 $0x80, s8;
	s10 =	sadd.s32 $0x80, s10;
	[sflag:s30] =	ssyncset.done $0x0  }
0x6b: {  	s19 =	sadd.s32 $0x4F00, s19;
	s21 =	sadd.s32 $0x9, s21;
	[sflag:s30] =	ssyncadd.s32 $0xFFFFF800  }
0x6c: {  	[spmem:s2] =	stream.indirect.scatter.add.f32 [tilespmem:s19], [sflag:s21], $0x10, s18, s17, $0xb8;
	[tilespmem:$0xBF00] =	vst v63  }
0x6d: {  	p0 =	sgt.u32 s12, $0x4A  }
0x6e: {  	s3 =	sand.u32 @!p0 $0x7, s11  }
0x6f: {  	s11 =	sadd.s32 @!p0 $0x9, s3  }
0x70: {  	s16 =	sadd.s32 $0x1, s9;
	_ =	swait.ge @!p0 [sflag:s11], $0x800  }
0x71: {  	s12 =	sshll.u32 @!p0 s3, $0xB;
	s3 =	sadd.s32 @!p0 $0x1, s3;
	[sflag:s11] =	ssyncset.done @!p0 $0x0  }
0x72: {  	s12 =	sadd.s32 @!p0 $0x4F00, s12;
	[sflag:s11] =	ssyncadd.s32 @!p0 $0xFFFFF800;
	s11 =	simm.s32 @!p0 $0x80  }
0x73: {  	[tilespmem:s12], [sflag:s3] =	stream.indirect.gather @!p0 [hbm4b:s4+s11], $0x10, s10, s11, $0xb8;
	[tilespmem:$0xBF00] =	vst v63  }
0x74: {  	_ =	swait.ge [sflag:s16], $0x800  }
0x75: {  	[sflag:s16] =	ssyncset.done $0x0  }
0x76: {  	s18 =	sadd.s32 $0x4F00, s13;
	s19 =	sadd.s32 $0x9, s9;
	[sflag:s16] =	ssyncadd.s32 $0xFFFFF800  }
0x77: {  	[spmem:s2] =	stream.indirect.scatter.add.f32 [tilespmem:s18], [sflag:s19], $0x10, s8, s17, $0xb8;
	[tilespmem:$0xBF00] =	vst v63  }
0x78: {  	_ =	swait.ge [sflag:s31], $0x800  }
0x79: {  	[sflag:s31] =	ssyncset.done $0x0  }
0x7a: {  	[sflag:s31] =	ssyncadd.s32 $0xFFFFF800  }
0x7b: {  	_ =	swait.ge [sflag:s1], $0x800  }
0x7c: {  	[sflag:s1] =	ssyncset.done $0x0  }
0x7d: {  	[sflag:s1] =	ssyncadd.s32 $0xFFFFF800  }
0x7e: {  	_ =	swait.ge [sflag:s0], $0x800  }
0x7f: {  	[sflag:s0] =	ssyncset.done $0x0  }
0x80: {  	[sflag:s0] =	ssyncadd.s32 $0xFFFFF800  }
0x81: {  	_ =	swait.ge [sflag:s22], $0x800  }
0x82: {  	[sflag:s22] =	ssyncset.done $0x0  }
0x83: {  	[sflag:s22] =	ssyncadd.s32 $0xFFFFF800  }
0x84: {  	_ =	swait.ge [sflag:s24], $0x800  }
0x85: {  	[sflag:s24] =	ssyncset.done $0x0  }
0x86: {  	[sflag:s24] =	ssyncadd.s32 $0xFFFFF800  }
0x87: {  	_ =	swait.ge [sflag:s25], $0x800  }
0x88: {  	[sflag:s25] =	ssyncset.done $0x0  }
0x89: {  	[sflag:s25] =	ssyncadd.s32 $0xFFFFF800  }
0x8a: {  	_ =	swait.ge [sflag:s29], $0x800  }
0x8b: {  	[sflag:s29] =	ssyncset.done $0x0  }
0x8c: {  	[sflag:s29] =	ssyncadd.s32 $0xFFFFF800  }
0x8d: {  	_ =	swait.ge [sflag:s6], $0x800  }
0x8e: {  	[sflag:s6] =	ssyncset.done $0x0  }
0x8f: {  	s21 =	stileid.u32;
	[sflag:s6] =	ssyncadd.s32 $0xFFFFF800  }
0x90: {  	s3 =	sshll.u32 s21, $0x6;
	[bflag:$0x0] =	sbarrier.arrive $0xFFFF  }
0x91: {  	s23 =	sshrl.u32 s5, $0x3;
	s3 =	sor.u32 $0x1C11, s3;
	s26 =	rddreg [dreg:$0xa]  }
0x92: {  	[hbm:s26], [sflag:s3] =	dma.local [spmem:s23], $0x500  }
0x93: {  	_ =	swait.ge [sflag:s15], $0x500  }
0x94: {  	s7 =	sadd.s32 $0x1, s7;
	s30 =	rddreg [dreg:$0xb]  }
0x95: {  	p0 =	sne.s32 s7, s30  }
.Ltmp2:
0x96: {  	_ = 	snop;
	(pc) =	sbr.rel @p0 .LBB2_1-.Ltmp2, $3  }
0x97: {  	_ =	sdelay $0x1  }
0x98: {  	[sflag:s15] =	ssyncset.done $0x0  }
0x99: {  	[sflag:s15] =	ssyncadd.s32 $0xFFFFFB00  }
0x9a: {  	_ =	sfence.sel $0x180000  }
0x9b: {  	[bflag:$0x0] =	sbarrier.arrive $0xFFFF  }
0x9c: {  	_ =	strace $0x9000004A  }
0x9d: {  	s0 =	stileid.u32;
	[bflag:$0x2] =	sbarrier.arrive $0xFFFF  }
0x9e: {  	p0 =	sne.s32 s0, $0x0;
	s0 =	rddreg [dreg:$0x3]  }
0x9f: {  	s0 =	sadd.s32 @!p0 $0x100000, s0  }
0xa0: {  	[sflag:s0] =	ssyncadd.tile.s32 @!p0 $0x1;
	_ =	shalt  }
.Lfunc_end2:
_tile_overlayer_lowered:
.L_overlay_start_2:
0xa1: {  	(tag) =	ssettag $0x2  }
0xa2: {  	s0 =	rddreg [dreg:$0x0];
	s2 =	stileid.u32  }
0xa3: {  	s1 =	rddreg [dreg:$0x1];
	p0 =	sne.s32 s2, $0x0  }
0xa4: {  	s3 =	rddreg [dreg:$0x2];
	[bflag:$0x3] =	sbarrier.arrive $0xFFFF;
	s2 =	simm.s32 @!p0 $0x1C11  }
0xa5: {  	[timem:s3], [sflag:s2] =	dma.local @!p0 [hbm:s0], s1  }
0xa6: {  	s0 =	simm.s32 @!p0 $0x11  }
0xa7: {  	_ =	swait.ge @!p0 [sflag:s0], s1  }
0xa8: {  	s1 =	ssub.s32 @!p0 $0x0, s1;
	[sflag:s0] =	ssyncset.done @!p0 $0x0  }
0xa9: {  	[sflag:s0] =	ssyncadd.s32 @!p0 s1  }
0xaa: {  	[bflag:$0x3] =	sbarrier.arrive $0xFFFF  }
0xab: {  	_ =	shalt  }

// kernel: kernel.14.cloned.1.call-start
scs
__scs_entry_jumppad:
0x0: {  	(pc) =	sbr.rel $0x88, $3  }
0x1: {  	(tag) =	ssettag $0x0;
	lr =	simm.s32 $0x1  }
0x2: {  	[smem:$0x3F9B] =	sst lr;
	_ =	strace $0xD0000000  }
0x3: {  	_ = 	snop  }
0x4: {  	_ = 	snop  }
0x5: {  	_ = 	snop  }
0x6: {  	_ = 	snop  }
0x7: {  	_ = 	snop  }
__scs_overlays_trampoline_lowered:
0x8: {  	[smem:$0x3FAA] =	sst s0  }
0x9: {  	[smem:$0x3FAB] =	sst s1  }
0xa: {  	[smem:$0x3FAC] =	sst s2  }
0xb: {  	[smem:$0x3FAD] =	sst s3  }
0xc: {  	[smem:$0x3FAE] =	sst s4  }
0xd: {  	[smem:$0x3FAF] =	sst s5  }
0xe: {  	[smem:$0x3FB0] =	sst s6  }
0xf: {  	[smem:$0x3FB1] =	sst s7  }
0x10: {  	[smem:$0x3FB2] =	sst s8  }
0x11: {  	[smem:$0x3FB3] =	sst s9;
	s0 =	simm.s32 @!p0 $0x0  }
0x12: {  	s1 =	sld [smem:$0x3F99];
	s0 =	simm.s32 @p0 $0x1  }
0x13: {  	[smem:$0x3FB4] =	sst s0;
	s0 =	simm.s32 @!p1 $0x0  }
0x14: {  	s2 =	sld [smem:$0x3F98];
	s0 =	simm.s32 @p1 $0x1  }
0x15: {  	[smem:$0x3FB5] =	sst s0;
	s0 =	simm.s32 @!p2 $0x0  }
0x16: {  	s3 =	sld [smem:$0x3FDB];
	s0 =	simm.s32 @p2 $0x1  }
0x17: {  	s4 =	simm.s32 $0x1BF5;
	[smem:$0x3FB7] =	sst s0  }
0x18: {  	s0 =	sld [smem:$0x3F9A];
	_ =	swait.ge [sflag:s4], $0x0  }
0x19: {  	s7 =	sld [smem:$0x3F9B]  }
0x1a: {  	s8 =	sadd.s32 $0xFFFFE003, lr  }
0x1b: {  	s9 =	sadd.s32 $0xFFFFFEF7, lr;
	s5 =	simm.s32 $0xFFFFFFFF;
	p2 =	slt.u32 s8, $0xFFFFF086  }
0x1c: {  	p1 =	slt.u32 s9, $0xF7A;
	s5 =	simm.s32 @!p2 $0x0  }
0x1d: {  	s5 =	simm.s32 @p1 $0x1;
	p0 =	seq.s32 s7, s2  }
0x1e: {  	s7 =	smul.u32 @!p0 $0xF7A, s2;
	p2 =	seq.s32 @!p0 s5, $0x0  }
0x1f: {  	s9 =	smul.u32 $0xF7A, s1;
	s8 =	simm.s32 @!p0 $0x1BF5;
	p2 =	por !p2, p0  }
0x20: {  	[sflag:s8] =	ssyncset.s32 @!p0 $0xFFFFF086;
	s6 =	sadd.s32 @!p0 s3, s7;
	s7 =	simm.s32 @!p0 $0x108  }
0x21: {  	s3 =	sadd.s32 s3, s9;
	s6 =	sadd.s32 @!p0 $0x88, s6;
	s7 =	simm.s32 @p2 $0x1082  }
0x22: {  	[simem:s7], [sflag:s8] =	dma.local @!p0 [hbm:s6], $0xF7A  }
0x23: {  	s9 =	sor.u32 $0xD0000000, s2;
	s6 =	simm.s32 $0x108;
	_ =	swait.ge @!p0 [sflag:s8], $0x0  }
0x24: {  	s3 =	sadd.s32 $0x88, s3;
	s6 =	simm.s32 @!p1 $0x1082;
	[sflag:s4] =	ssyncset.s32 $0xFFFFF086  }
0x25: {  	[simem:s6], [sflag:s4] =	dma.local [hbm:s3], $0xF7A  }
0x26: {  	[smem:$0x3F9B] =	sst s1;
	(tag) =	ssettag s2;
	_ =	strace s9  }
0x27: {  	s1 =	sld [smem:$0x3FAB]  }
0x28: {  	s2 =	sld [smem:$0x3FAC]  }
0x29: {  	s4 =	sld [smem:$0x3FAE]  }
0x2a: {  	p0 =	seq.s32 s5, $0x0;
	s5 =	sld [smem:$0x3FAF]  }
0x2b: {  	s6 =	sld [smem:$0x3FB0]  }
0x2c: {  	s7 =	sld [smem:$0x3FB1]  }
0x2d: {  	s3 =	simm.s32 $0x108;
	s8 =	sld [smem:$0x3FB2]  }
0x2e: {  	s3 =	simm.s32 @!p0 $0x1082;
	s9 =	sld [smem:$0x3FB3]  }
0x2f: {  	lr =	sadd.s32 s0, s3;
	s0 =	sld [smem:$0x3FAA]  }
0x30: {  	s3 =	sld [smem:$0x3FAD]  }
0x31: {  	[smem:$0x3FB6] =	sst s10  }
0x32: {  	s10 =	sld [smem:$0x3FB4];
	_ =	sdelay $0x3  }
0x33: {  	p0 =	seq.s32 s10, $0x1;
	s10 =	sld [smem:$0x3FB6];
	_ =	sdelay $0x3  }
0x34: {  	[smem:$0x3FB6] =	sst s10  }
0x35: {  	s10 =	sld [smem:$0x3FB5];
	_ =	sdelay $0x3  }
0x36: {  	p1 =	seq.s32 s10, $0x1;
	s10 =	sld [smem:$0x3FB6];
	_ =	sdelay $0x3  }
0x37: {  	[smem:$0x3FB6] =	sst s10  }
0x38: {  	s10 =	sld [smem:$0x3FB7]  }
0x39: {  	_ = 	snop;
	(pc) =	sbr.ind lr, $3  }
0x3a: {  	_ = 	snop  }
0x3b: {  	_ = 	snop  }
0x3c: {  	p2 =	seq.s32 s10, $0x1;
	s10 =	sld [smem:$0x3FB6]  }
0x3d: {  	_ =	shalt  }
0x3e: {  	_ =	shalt  }
0x3f: {  	_ =	shalt  }
0x40: {  	_ =	shalt  }
0x41: {  	_ =	shalt  }
0x42: {  	_ =	shalt  }
0x43: {  	_ =	shalt  }
0x44: {  	_ =	shalt  }
0x45: {  	_ =	shalt  }
0x46: {  	_ =	shalt  }
0x47: {  	_ =	shalt  }
0x48: {  	_ =	shalt  }
0x49: {  	_ =	shalt  }
0x4a: {  	_ =	shalt  }
0x4b: {  	_ =	shalt  }
0x4c: {  	_ =	shalt  }
0x4d: {  	_ =	shalt  }
0x4e: {  	_ =	shalt  }
0x4f: {  	_ =	shalt  }
0x50: {  	_ =	shalt  }
0x51: {  	_ =	shalt  }
0x52: {  	_ =	shalt  }
0x53: {  	_ =	shalt  }
0x54: {  	_ =	shalt  }
0x55: {  	_ =	shalt  }
0x56: {  	_ =	shalt  }
0x57: {  	_ =	shalt  }
0x58: {  	_ =	shalt  }
0x59: {  	_ =	shalt  }
0x5a: {  	_ =	shalt  }
0x5b: {  	_ =	shalt  }
0x5c: {  	_ =	shalt  }
0x5d: {  	_ =	shalt  }
0x5e: {  	_ =	shalt  }
0x5f: {  	_ =	shalt  }
0x60: {  	_ =	shalt  }
0x61: {  	_ =	shalt  }
0x62: {  	_ =	shalt  }
0x63: {  	_ =	shalt  }
0x64: {  	_ =	shalt  }
0x65: {  	_ =	shalt  }
0x66: {  	_ =	shalt  }
0x67: {  	_ =	shalt  }
0x68: {  	_ =	shalt  }
0x69: {  	_ =	shalt  }
0x6a: {  	_ =	shalt  }
0x6b: {  	_ =	shalt  }
0x6c: {  	_ =	shalt  }
0x6d: {  	_ =	shalt  }
0x6e: {  	_ =	shalt  }
0x6f: {  	_ =	shalt  }
0x70: {  	_ =	shalt  }
0x71: {  	_ =	shalt  }
0x72: {  	_ =	shalt  }
0x73: {  	_ =	shalt  }
0x74: {  	_ =	shalt  }
0x75: {  	_ =	shalt  }
0x76: {  	_ =	shalt  }
0x77: {  	_ =	shalt  }
0x78: {  	_ =	shalt  }
0x79: {  	_ =	shalt  }
0x7a: {  	_ =	shalt  }
0x7b: {  	_ =	shalt  }
0x7c: {  	_ =	shalt  }
0x7d: {  	_ =	shalt  }
0x7e: {  	_ =	shalt  }
0x7f: {  	_ =	shalt  }
0x80: {  	_ =	shalt  }
0x81: {  	_ =	shalt  }
0x82: {  	_ =	shalt  }
0x83: {  	_ =	shalt  }
0x84: {  	_ =	shalt  }
0x85: {  	_ =	shalt  }
0x86: {  	_ =	shalt  }
0x87: {  	_ =	shalt  }
.Lfunc_end0:
.L_simem_size_0:
called_computation.2_lowered:
.L_overlay_start_0:
0x88: {  	s2 =	sld [smem:$0x3FD9]  }
0x89: {  	s3 =	sld [smem:$0x3FFE];
	_ =	sdelay $0x1  }
0x8a: {  	s1 =	srdreg.scid  }
0x8b: {  	s0 =	sand.u32 $0x1, s1  }
0x8c: {  	s16 =	sshll.u32 s0, $0xA;
	s2 =	sadd.s32 s3, s2  }
0x8d: {  	s2 =	sadd.s32 s2, s16  }
0x8e: {  	[smem:$0x3FC2] =	sst s2  }
0x8f: {  	_ = 	snop  }
0x90: {  	(tm) =	ssettm $0x1  }
0x91: {  	s17 =	sld [smem:$0x3FFB];
	_ =	sdelay $0x3  }
0x92: {  	_ =	strace s17  }
0x93: {  	s2 =	sld [smem:$0x3FFC];
	_ =	sdelay $0x3  }
0x94: {  	_ =	strace s2  }
0x95: {  	s2 =	sld [smem:$0x3FFD];
	_ =	sdelay $0x3  }
0x96: {  	_ =	strace s2  }
0x97: {  	_ =	strace $0x8FFFFFFF  }
0x98: {  	s18 =	sld [smem:$0x3FDB];
	_ =	sdelay $0x1  }
0x99: {  	s19 =	simm.s32 $_scs_section_size  }
0x9a: {  	s4 =	simm.s32 $_size__tile_overlayer_lowered;
	s5 =	simm.s32 $_tile_overlayer_lowered  }
0x9b: {  	s22 =	simm.s32 $0x1BFF;
	s21 =	sshll.u32 s5, $0x1;
	s2 =	sadd.s32 s19, s18  }
0x9c: {  	s6 =	simm.s32 $0x0;
	s20 =	sshll.u32 s4, $0x1;
	s4 =	sadd.s32 s21, s2  }
0x9d: {  	[timem:s6], [sflag:s22] =	dma.local [hbm:s4], s20  }
0x9e: {  	_ =	swait.ge [sflag:s22], s20  }
0x9f: {  	s3 =	ssub.s32 $0x0, s20;
	[sflag:s22] =	ssyncset.done $0x0  }
0xa0: {  	[sflag:s22] =	ssyncadd.s32 s3;
	_ =	sdelay $0x1  }
0xa1: {  	s23 =	simm.s32 $0x1B8B  }
0xa2: {  	_ =	swait.ge [sflag:s23], $0x1  }
0xa3: {  	[sflag:s23] =	ssyncset.done $0x0  }
0xa4: {  	s25 =	simm.s32 $0x1B8E;
	s24 =	sld [smem:$0x3FFE];
	[sflag:s23] =	ssyncadd.s32 $0xFFFFFFFF  }
0xa5: {  	s26 =	simm.s32 $execute0_lowered;
	[smem:$0x3FD2] =	sst s25  }
0xa6: {  	s4 =	sshll.u32 s26, $0x1;
	_ =	strace $0x8000004C;
	[dreg:$0x1] =	wrdreg $0xFFFFFFFF  }
0xa7: {  	s28 =	simm.s32 $_size_execute0_lowered;
	s2 =	sadd.s32 s2, s4;
	[dreg:$0x0] =	wrdreg $0x0  }
0xa8: {  	s4 =	sshll.u32 s28, $0x1;
	[dreg:$0x2] =	wrdreg s2  }
0xa9: {  	[dreg:$0x3] =	wrdreg s4  }
0xaa: {  	[dreg:$0x4] =	wrdreg $0xC0  }
0xab: {  	_ =	task [dreg:s6], $0x5FFFF  }
0xac: {  	[dreg:$0x1] =	wrdreg $0xFFFFFFFF  }
0xad: {  	[dreg:$0x0] =	wrdreg $0x60  }
0xae: {  	[dreg:$0x2] =	wrdreg s24  }
0xaf: {  	[dreg:$0x3] =	wrdreg $0x127000  }
0xb0: {  	[dreg:$0x4] =	wrdreg $0x9  }
0xb1: {  	_ =	task.clear_ibuf [dreg:s6], $0x5FFFF;
	_ =	strace $0x9000004C  }
0xb2: {  	s29 =	simm.s32 $0x9;
	_ =	strace $0x8000004E  }
0xb3: {  	_ =	swait.ge [sflag:s29], $0x1  }
0xb4: {  	[sflag:s29] =	ssyncadd.s32 $0xFFFFFFFF  }
0xb5: {  	_ =	strace $0x9000004E  }
0xb6: {  	_ =	sfence  }
0xb7: {  	s30 =	sld [smem:$0x0];
	_ =	sdelay $0x2  }
0xb8: {  	s31 =	sshll.u32 s1, $0xD;
	s1 =	sshrl.u32 s1, $0x2  }
0xb9: {  	s3 =	sand.u32 $0x4000, s31;
	s1 =	sadd.s32 s1, s30  }
0xba: {  	s0 =	sor.u32 s3, s0;
	s1 =	sshll.u32 s1, $0x11  }
0xbb: {  	s0 =	sor.u32 s1, s0  }
0xbc: {  	s0 =	sadd.s32 $0x8F2B, s0  }
0xbd: {  	[sflag:s0] =	ssyncadd.remote.s32 $0x1  }
0xbe: {  	_ =	sfence.sel $0xFFFF  }
0xbf: {  	[dreg:$0x0] =	wrdreg $0xFFFFFFFF;
	(pc) =	sbr.abs _section_cstart, $3  }
0xc0: {  	[dreg:$0x1] =	wrdreg $0xFFFFFFFF  }
0xc1: {  	_ =	task.clear_ibuf [dreg:s6], $0x2FFFF;
	_ =	strace $0x9FFFFFFF  }
0xc2: {  	(tm) =	ssettm $0x7FFFFFFF  }
0xc3: {  	_ =	shalt  }
tec
execute0_lowered:
.L_overlay_start_1:
0x0: {  	(tag) =	ssettag $0x1  }
0x1: {  	s0 =	srdreg.scid;
	s5 =	rddreg [dreg:$0x0]  }
0x2: {  	s8 =	stileid.u32;
	s2 =	rddreg [dreg:$0x1]  }
0x3: {  	s3 =	simm.s32 $0x0;
	s14 =	simm.s32 $0x10F00;
	s15 =	simm.s32 $0x11  }
0x4: {  	s17 =	simm.s32 $0x80;
	s30 =	simm.s32 $0x2;
	s20 =	simm.s32 $0x3  }
0x5: {  	s28 =	simm.s32 $0x4;
	s31 =	simm.s32 $0x10;
	s29 =	simm.s32 $0xE  }
0x6: {  	s0 =	sand.u32 $0x1, s0;
	s6 =	smul.u32 $0x7800, s8;
	[smem:$0x7FF] =	sst s3  }
0x7: {  	s1 =	sshll.u32 s0, $0x4;
	s4 =	smul.u32 $0x78000, s0;
	_ =	strace $0x8000004D  }
0x8: {  	s0 =	ssub.s32 $0x2, s0;
	s1 =	sor.u32 s8, s1;
	s8 =	smul.u32 $0x1E000, s8  }
0x9: {  	s21 =	sshrl.u32 s0, $0x1;
	s1 =	smul.u32 $0x2780, s1;
	s7 =	sadd.s32 s6, s4  }
0xa: {  	s4 =	sadd.s32 $0x2000, s5;
	s0 =	ssub.s32 s0, s21;
	s7 =	sshrl.u32 s7, $0x3  }
0xb: {  	s8 =	sshrl.u32 s8, $0x2;
	s0 =	smax.u32 s0, $0x1;
	s1 =	sshrl.u32 s1, $0x3  }
0xc: {  	s7 =	sadd.s32 s7, s5;
	s22 =	sadd.s32 s8, s2;
	[dreg:$0xa] =	wrdreg s0  }
0xd: {  	s0 =	simm.s32 $0xA;
	s1 =	sadd.s32 s1, s5;
	s8 =	sadd.s32 $0x1800, s22  }
0xe: {  	s5 =	sadd.s32 s6, s2;
	s23 =	sadd.s32 $0x3000, s22;
	[dreg:$0x3] =	wrdreg s8  }
0xf: {  	s24 =	sadd.s32 $0x4800, s22;
	s6 =	sadd.s32 $0x6000, s22;
	[dreg:$0x4] =	wrdreg s23  }
0x10: {  	s26 =	sadd.s32 $0x29C00, s7;
	s22 =	simm.s32 $0xB;
	[dreg:$0x5] =	wrdreg s24  }
0x11: {  	s7 =	simm.s32 $0x0;
	[dreg:$0x6] =	wrdreg s6;
	s25 =	sadd.s32 $0x16000, s1  }
0x12: {  	s1 =	sadd.s32 $0x1FE00, s1;
	[dreg:$0x9] =	wrdreg s26;
	s26 =	simm.s32 $0x1  }
0x13: {  	s24 =	simm.s32 $0xC;
	s6 =	simm.s32 $0xF;
	[dreg:$0x7] =	wrdreg s25  }
0x14: {  	v0 =	vimm.f32 $0.0e+00;
	[dreg:$0x8] =	wrdreg s1;
	s1 =	simm.s32 $0x9;
	s25 =	simm.s32 $0xD  }
.LBB2_1:
0x15: {  	s8 =	simm.s32 $0xC0;
	s9 =	simm.s32 $0x0  }
.LBB2_2:
0x16: {  	p0 =	sne.s32 s8, $0x5F40;
	[tilespmem:s9+$0x10F20] =	vst v0;
	s10 =	smov.u32 s8;
	s8 =	sadd.s32 $0xC0, s8  }
.Ltmp0:
0x17: {  	[tilespmem:s9+$0x10F00] =	vst v0;
	(pc) =	sbr.rel @p0 .LBB2_2-.Ltmp0, $2  }
0x18: {  	[tilespmem:s9+$0x10F10] =	vst v0;
	_ =	sdelay $0x2  }
0x19: {  	s9 =	sshra.s32 s10, $0x2  }
0x1a: {  	[tilespmem:s9+$0x10F20] =	vst v0  }
0x1b: {  	[tilespmem:s9+$0x10F00] =	vst v0  }
0x1c: {  	[tilespmem:s9+$0x10F10] =	vst v0  }
0x1d: {  	[spmem:s5] =	stream.linear.scatter [tilespmem:s14], [sflag:$0x11], $0x1800, $0x38;
	[tilespmem:$0x19F00] =	vst v63  }
0x1e: {  	_ =	swait.ge [sflag:s15], $0x1800  }
0x1f: {  	[sflag:s15] =	ssyncset.done $0x0  }
0x20: {  	s8 =	rddreg [dreg:$0x3];
	[sflag:s15] =	ssyncadd.s32 $0xFFFFE800  }
0x21: {  	[spmem:s8] =	stream.linear.scatter [tilespmem:s14], [sflag:$0x11], $0x1800, $0x38;
	[tilespmem:$0x19F00] =	vst v63  }
0x22: {  	_ =	swait.ge [sflag:s15], $0x1800  }
0x23: {  	[sflag:s15] =	ssyncset.done $0x0  }
0x24: {  	s10 =	rddreg [dreg:$0x4];
	[sflag:s15] =	ssyncadd.s32 $0xFFFFE800  }
0x25: {  	[spmem:s10] =	stream.linear.scatter [tilespmem:s14], [sflag:$0x11], $0x1800, $0x38;
	[tilespmem:$0x19F00] =	vst v63  }
0x26: {  	_ =	swait.ge [sflag:s15], $0x1800  }
0x27: {  	[sflag:s15] =	ssyncset.done $0x0  }
0x28: {  	s11 =	rddreg [dreg:$0x5];
	[sflag:s15] =	ssyncadd.s32 $0xFFFFE800  }
0x29: {  	[spmem:s11] =	stream.linear.scatter [tilespmem:s14], [sflag:$0x11], $0x1800, $0x38;
	[tilespmem:$0x19F00] =	vst v63  }
0x2a: {  	_ =	swait.ge [sflag:s15], $0x1800  }
0x2b: {  	[sflag:s15] =	ssyncset.done $0x0  }
0x2c: {  	s12 =	rddreg [dreg:$0x6];
	[sflag:s15] =	ssyncadd.s32 $0xFFFFE800  }
0x2d: {  	[spmem:s12] =	stream.linear.scatter [tilespmem:s14], [sflag:$0x11], $0x1800, $0x38;
	[tilespmem:$0x19F00] =	vst v63  }
0x2e: {  	_ =	swait.ge [sflag:s15], $0x1800  }
0x2f: {  	[sflag:s15] =	ssyncset.done $0x0  }
0x30: {  	[sflag:s15] =	ssyncadd.s32 $0xFFFFE800  }
0x31: {  	[bflag:$0x0] =	sbarrier.arrive $0xFFFF  }
0x32: {  	s13 =	rddreg [dreg:$0x7]  }
0x33: {  	[tilespmem:s3], [sflag:$0x11] =	stream.linear.gather [hbm4b:s13+s3], $0x2780, $0x38;
	[tilespmem:$0x19F00] =	vst v63  }
0x34: {  	_ =	swait.ge [sflag:s15], $0x2780  }
0x35: {  	[sflag:s15] =	ssyncset.done $0x0  }
0x36: {  	s18 =	simm.s32 $0x2780;
	s16 =	rddreg [dreg:$0x8];
	[sflag:s15] =	ssyncadd.s32 $0xFFFFD880  }
0x37: {  	[tilespmem:s18], [sflag:$0x11] =	stream.linear.gather [hbm4b:s16+s3], $0x2780, $0x38;
	[tilespmem:$0x19F00] =	vst v63  }
0x38: {  	_ =	swait.ge [sflag:s15], $0x2780  }
0x39: {  	[sflag:s15] =	ssyncset.done $0x0  }
0x3a: {  	s19 =	simm.s32 $0x4F00;
	[sflag:s15] =	ssyncadd.s32 $0xFFFFD880  }
0x3b: {  	[tilespmem:s19], [sflag:$0x1] =	stream.indirect.gather [hbm4b:s4+s17], $0x30, s3, s17, $0xb8;
	[tilespmem:$0x19F00] =	vst v63  }
0x3c: {  	s10 =	simm.s32 $0x6700  }
0x3d: {  	[tilespmem:s10], [sflag:$0x2] =	stream.indirect.gather [hbm4b:s4+s17], $0x30, s17, s17, $0xb8;
	[tilespmem:$0x19F00] =	vst v63  }
0x3e: {  	s11 =	simm.s32 $0x100;
	s12 =	simm.s32 $0x7F00  }
0x3f: {  	[tilespmem:s12], [sflag:$0x3] =	stream.indirect.gather [hbm4b:s4+s17], $0x30, s11, s17, $0xb8;
	[tilespmem:$0x19F00] =	vst v63  }
0x40: {  	s21 =	simm.s32 $0x180;
	s13 =	simm.s32 $0x9700  }
0x41: {  	[tilespmem:s13], [sflag:$0x4] =	stream.indirect.gather [hbm4b:s4+s17], $0x30, s21, s17, $0xb8;
	[tilespmem:$0x19F00] =	vst v63  }
0x42: {  	s23 =	simm.s32 $0x200;
	s16 =	simm.s32 $0xAF00  }
0x43: {  	[tilespmem:s16], [sflag:$0x5] =	stream.indirect.gather [hbm4b:s4+s17], $0x30, s23, s17, $0xb8;
	[tilespmem:$0x19F00] =	vst v63  }
0x44: {  	_ =	swait.ge [sflag:s26], $0x1800  }
0x45: {  	[sflag:s26] =	ssyncset.done $0x0  }
0x46: {  	[sflag:s26] =	ssyncadd.s32 $0xFFFFE800  }
0x47: {  	[spmem:s2] =	stream.indirect.scatter.add.f32 [tilespmem:s19], [sflag:$0x9], $0x30, s18, s17, $0xb8;
	[tilespmem:$0x19F00] =	vst v63  }
0x48: {  	s16 =	simm.s32 $0x280;
	s18 =	simm.s32 $0xC700  }
0x49: {  	[tilespmem:s18], [sflag:$0x6] =	stream.indirect.gather [hbm4b:s4+s17], $0x30, s16, s17, $0xb8;
	[tilespmem:$0x19F00] =	vst v63  }
0x4a: {  	_ =	swait.ge [sflag:s30], $0x1800  }
0x4b: {  	[sflag:s30] =	ssyncset.done $0x0  }
0x4c: {  	s19 =	simm.s32 $0x2800;
	[sflag:s30] =	ssyncadd.s32 $0xFFFFE800  }
0x4d: {  	[spmem:s2] =	stream.indirect.scatter.add.f32 [tilespmem:s10], [sflag:$0xA], $0x30, s19, s17, $0xb8;
	[tilespmem:$0x19F00] =	vst v63  }
0x4e: {  	s21 =	simm.s32 $0x300;
	s23 =	simm.s32 $0xDF00  }
0x4f: {  	[tilespmem:s23], [sflag:$0x7] =	stream.indirect.gather [hbm4b:s4+s17], $0x30, s21, s17, $0xb8;
	[tilespmem:$0x19F00] =	vst v63  }
0x50: {  	_ =	swait.ge [sflag:s20], $0x1800  }
0x51: {  	p0 =	por $0x0, $0x0;
	s9 =	simm.s32 $0x400;
	[sflag:s20] =	ssyncset.done $0x0  }
0x52: {  	s8 =	simm.s32 $0x8;
	s10 =	simm.s32 $0x2880;
	[sflag:s20] =	ssyncadd.s32 $0xFFFFE800  }
0x53: {  	[spmem:s2] =	stream.indirect.scatter.add.f32 [tilespmem:s12], [sflag:$0xB], $0x30, s10, s17, $0xb8;
	[tilespmem:$0x19F00] =	vst v63  }
0x54: {  	s11 =	simm.s32 $0x380;
	s18 =	simm.s32 $0x4;
	s12 =	simm.s32 $0xF700  }
0x55: {  	[tilespmem:s12], [sflag:$0x8] =	stream.indirect.gather [hbm4b:s4+s17], $0x30, s11, s17, $0xb8;
	[tilespmem:$0x19F00] =	vst v63  }
0x56: {  	s8 =	sand.u32 @!p0 $0x7, s8;
	s19 =	sand.u32 $0x7, s18;
	_ =	swait.ge [sflag:s28], $0x1800  }
0x57: {  	s16 =	simm.s32 $0x2900;
	s21 =	smul.u32 $0x6000, s19;
	[sflag:s28] =	ssyncset.done $0x0  }
0x58: {  	s11 =	sadd.s32 @!p0 $0x9, s8;
	s12 =	smul.u32 @!p0 $0x6000, s8;
	[sflag:s28] =	ssyncadd.s32 $0xFFFFE800  }
0x59: {  	[spmem:s2] =	stream.indirect.scatter.add.f32 [tilespmem:s13], [sflag:$0xC], $0x30, s16, s17, $0xb8;
	[tilespmem:$0x19F00] =	vst v63  }
0x5a: {  	s23 =	sshrl.u32 s21, $0x2;
	s10 =	sadd.s32 $0x1, s19;
	_ =	swait.ge @!p0 [sflag:s11], $0x1800  }
0x5b: {  	s8 =	sadd.s32 @!p0 $0x1, s8;
	s12 =	sshrl.u32 @!p0 s12, $0x2;
	[sflag:s11] =	ssyncset.done @!p0 $0x0  }
0x5c: {  	s12 =	sadd.s32 @!p0 $0x4F00, s12;
	[sflag:s11] =	ssyncadd.s32 @!p0 $0xFFFFE800;
	s11 =	simm.s32 @!p0 $0x80  }
0x5d: {  	[tilespmem:s12], [sflag:s8] =	stream.indirect.gather @!p0 [hbm4b:s4+s11], $0x30, s9, s11, $0xb8;
	[tilespmem:$0x19F00] =	vst v63  }
0x5e: {  	s16 =	sadd.s32 $0x9, s19;
	s11 =	simm.s32 $0x2980;
	_ =	swait.ge [sflag:s10], $0x1800  }
0x5f: {  	s8 =	simm.s32 $0x9;
	s9 =	simm.s32 $0x2A00;
	[sflag:s10] =	ssyncset.done $0x0  }
0x60: {  	s12 =	sadd.s32 $0x4F00, s23;
	[sflag:s10] =	ssyncadd.s32 $0xFFFFE800;
	s10 =	simm.s32 $0x480  }
.LBB2_4:
0x61: {  	[spmem:s2] =	stream.indirect.scatter.add.f32 [tilespmem:s12], [sflag:s16], $0x30, s11, s17, $0xb8;
	[tilespmem:$0x19F00] =	vst v63  }
0x62: {  	s11 =	sadd.s32 $0xFFFFFFFC, s8;
	s12 =	smov.u32 s8;
	s8 =	sadd.s32 $0x1, s8  }
0x63: {  	p1 =	sgt.u32 s11, $0x4A;
	s16 =	sand.u32 $0x7, s11;
	p0 =	sne.s32 s8, $0x53  }
0x64: {  	s11 =	smov.u32 s9;
	s12 =	sand.u32 @!p1 $0x7, s12;
	s13 =	smul.u32 $0x6000, s16  }
0x65: {  	s18 =	sadd.s32 @!p1 $0x9, s12;
	s19 =	smul.u32 @!p1 $0x6000, s12;
	s12 =	sadd.s32 @!p1 $0x1, s12  }
0x66: {  	s21 =	sadd.s32 $0x1, s16;
	s13 =	sshrl.u32 s13, $0x2;
	_ =	swait.ge @!p1 [sflag:s18], $0x1800  }
0x67: {  	s23 =	simm.s32 @!p1 $0x80;
	s19 =	sshrl.u32 @!p1 s19, $0x2;
	[sflag:s18] =	ssyncset.done @!p1 $0x0  }
.Ltmp1:
0x68: {  	[sflag:s18] =	ssyncadd.s32 @!p1 $0xFFFFE800;
	s18 =	sadd.s32 @!p1 $0x4F00, s19;
	(pc) =	sbr.rel @p0 .LBB2_4-.Ltmp1, $4  }
0x69: {  	[tilespmem:s18], [sflag:s12] =	stream.indirect.gather @!p1 [hbm4b:s4+s23], $0x30, s10, s23, $0xb8;
	[tilespmem:$0x19F00] =	vst v63  }
0x6a: {  	_ =	swait.ge [sflag:s21], $0x1800  }
0x6b: {  	s9 =	sadd.s32 $0x80, s9;
	s10 =	sadd.s32 $0x80, s10;
	[sflag:s21] =	ssyncset.done $0x0  }
0x6c: {  	s16 =	sadd.s32 $0x9, s16;
	s12 =	sadd.s32 $0x4F00, s13;
	[sflag:s21] =	ssyncadd.s32 $0xFFFFE800  }
0x6d: {  	[spmem:s2] =	stream.indirect.scatter.add.f32 [tilespmem:s12], [sflag:s16], $0x30, s11, s17, $0xb8;
	[tilespmem:$0x19F00] =	vst v63  }
0x6e: {  	_ =	swait.ge [sflag:s31], $0x1800  }
0x6f: {  	[sflag:s31] =	ssyncset.done $0x0  }
0x70: {  	[sflag:s31] =	ssyncadd.s32 $0xFFFFE800  }
0x71: {  	_ =	swait.ge [sflag:s1], $0x1800  }
0x72: {  	[sflag:s1] =	ssyncset.done $0x0  }
0x73: {  	[sflag:s1] =	ssyncadd.s32 $0xFFFFE800  }
0x74: {  	_ =	swait.ge [sflag:s0], $0x1800  }
0x75: {  	[sflag:s0] =	ssyncset.done $0x0  }
0x76: {  	[sflag:s0] =	ssyncadd.s32 $0xFFFFE800  }
0x77: {  	_ =	swait.ge [sflag:s22], $0x1800  }
0x78: {  	[sflag:s22] =	ssyncset.done $0x0  }
0x79: {  	[sflag:s22] =	ssyncadd.s32 $0xFFFFE800  }
0x7a: {  	_ =	swait.ge [sflag:s24], $0x1800  }
0x7b: {  	[sflag:s24] =	ssyncset.done $0x0  }
0x7c: {  	[sflag:s24] =	ssyncadd.s32 $0xFFFFE800  }
0x7d: {  	_ =	swait.ge [sflag:s25], $0x1800  }
0x7e: {  	[sflag:s25] =	ssyncset.done $0x0  }
0x7f: {  	[sflag:s25] =	ssyncadd.s32 $0xFFFFE800  }
0x80: {  	_ =	swait.ge [sflag:s29], $0x1800  }
0x81: {  	[sflag:s29] =	ssyncset.done $0x0  }
0x82: {  	[sflag:s29] =	ssyncadd.s32 $0xFFFFE800  }
0x83: {  	_ =	swait.ge [sflag:s6], $0x1800  }
0x84: {  	[sflag:s6] =	ssyncset.done $0x0  }
0x85: {  	s8 =	stileid.u32;
	[sflag:s6] =	ssyncadd.s32 $0xFFFFE800  }
0x86: {  	s8 =	sshll.u32 s8, $0x6;
	[bflag:$0x0] =	sbarrier.arrive $0xFFFF  }
0x87: {  	s9 =	sshrl.u32 s5, $0x3;
	s8 =	sor.u32 $0x1C11, s8;
	s10 =	rddreg [dreg:$0x9]  }
0x88: {  	[hbm:s10], [sflag:s8] =	dma.local [spmem:s9], $0xF00  }
0x89: {  	_ =	swait.ge [sflag:s15], $0xF00  }
0x8a: {  	s7 =	sadd.s32 $0x1, s7;
	s23 =	rddreg [dreg:$0xa]  }
0x8b: {  	p0 =	sne.s32 s7, s23  }
.Ltmp2:
0x8c: {  	_ = 	snop;
	(pc) =	sbr.rel @p0 .LBB2_1-.Ltmp2, $3  }
0x8d: {  	_ =	sdelay $0x1  }
0x8e: {  	[sflag:s15] =	ssyncset.done $0x0  }
0x8f: {  	[sflag:s15] =	ssyncadd.s32 $0xFFFFF100  }
0x90: {  	_ =	sfence.sel $0x180000  }
0x91: {  	[bflag:$0x0] =	sbarrier.arrive $0xFFFF  }
0x92: {  	_ =	strace $0x9000004D  }
0x93: {  	s0 =	stileid.u32;
	[bflag:$0x2] =	sbarrier.arrive $0xFFFF  }
0x94: {  	p0 =	sne.s32 s0, $0x0;
	s0 =	rddreg [dreg:$0x2]  }
0x95: {  	s0 =	sadd.s32 @!p0 $0x100000, s0  }
0x96: {  	[sflag:s0] =	ssyncadd.tile.s32 @!p0 $0x1;
	_ =	shalt  }
.Lfunc_end2:
_tile_overlayer_lowered:
.L_overlay_start_2:
0x97: {  	(tag) =	ssettag $0x2  }
0x98: {  	s0 =	rddreg [dreg:$0x0];
	s2 =	stileid.u32  }
0x99: {  	s1 =	rddreg [dreg:$0x1];
	p0 =	sne.s32 s2, $0x0  }
0x9a: {  	s3 =	rddreg [dreg:$0x2];
	[bflag:$0x3] =	sbarrier.arrive $0xFFFF;
	s2 =	simm.s32 @!p0 $0x1C11  }
0x9b: {  	[timem:s3], [sflag:s2] =	dma.local @!p0 [hbm:s0], s1  }
0x9c: {  	s0 =	simm.s32 @!p0 $0x11  }
0x9d: {  	_ =	swait.ge @!p0 [sflag:s0], s1  }
0x9e: {  	s1 =	ssub.s32 @!p0 $0x0, s1;
	[sflag:s0] =	ssyncset.done @!p0 $0x0  }
0x9f: {  	[sflag:s0] =	ssyncadd.s32 @!p0 s1  }
0xa0: {  	[bflag:$0x3] =	sbarrier.arrive $0xFFFF  }
0xa1: {  	_ =	shalt  }

// kernel: kernel.8.cloned.1.call-start
scs
__scs_entry_jumppad:
0x0: {  	(pc) =	sbr.rel $0x88, $3  }
0x1: {  	(tag) =	ssettag $0x0;
	lr =	simm.s32 $0x1  }
0x2: {  	[smem:$0x3F9B] =	sst lr;
	_ =	strace $0xD0000000  }
0x3: {  	_ = 	snop  }
0x4: {  	_ = 	snop  }
0x5: {  	_ = 	snop  }
0x6: {  	_ = 	snop  }
0x7: {  	_ = 	snop  }
__scs_overlays_trampoline_lowered:
0x8: {  	[smem:$0x3FAA] =	sst s0  }
0x9: {  	[smem:$0x3FAB] =	sst s1  }
0xa: {  	[smem:$0x3FAC] =	sst s2  }
0xb: {  	[smem:$0x3FAD] =	sst s3  }
0xc: {  	[smem:$0x3FAE] =	sst s4  }
0xd: {  	[smem:$0x3FAF] =	sst s5  }
0xe: {  	[smem:$0x3FB0] =	sst s6  }
0xf: {  	[smem:$0x3FB1] =	sst s7  }
0x10: {  	[smem:$0x3FB2] =	sst s8  }
0x11: {  	[smem:$0x3FB3] =	sst s9;
	s0 =	simm.s32 @!p0 $0x0  }
0x12: {  	s1 =	sld [smem:$0x3F99];
	s0 =	simm.s32 @p0 $0x1  }
0x13: {  	[smem:$0x3FB4] =	sst s0;
	s0 =	simm.s32 @!p1 $0x0  }
0x14: {  	s2 =	sld [smem:$0x3F98];
	s0 =	simm.s32 @p1 $0x1  }
0x15: {  	[smem:$0x3FB5] =	sst s0;
	s0 =	simm.s32 @!p2 $0x0  }
0x16: {  	s3 =	sld [smem:$0x3FDB];
	s0 =	simm.s32 @p2 $0x1  }
0x17: {  	s4 =	simm.s32 $0x1BF5;
	[smem:$0x3FB7] =	sst s0  }
0x18: {  	s0 =	sld [smem:$0x3F9A];
	_ =	swait.ge [sflag:s4], $0x0  }
0x19: {  	s7 =	sld [smem:$0x3F9B]  }
0x1a: {  	s8 =	sadd.s32 $0xFFFFE003, lr  }
0x1b: {  	s9 =	sadd.s32 $0xFFFFFEF7, lr;
	s5 =	simm.s32 $0xFFFFFFFF;
	p2 =	slt.u32 s8, $0xFFFFF086  }
0x1c: {  	p1 =	slt.u32 s9, $0xF7A;
	s5 =	simm.s32 @!p2 $0x0  }
0x1d: {  	s5 =	simm.s32 @p1 $0x1;
	p0 =	seq.s32 s7, s2  }
0x1e: {  	s7 =	smul.u32 @!p0 $0xF7A, s2;
	p2 =	seq.s32 @!p0 s5, $0x0  }
0x1f: {  	s9 =	smul.u32 $0xF7A, s1;
	s8 =	simm.s32 @!p0 $0x1BF5;
	p2 =	por !p2, p0  }
0x20: {  	[sflag:s8] =	ssyncset.s32 @!p0 $0xFFFFF086;
	s6 =	sadd.s32 @!p0 s3, s7;
	s7 =	simm.s32 @!p0 $0x108  }
0x21: {  	s3 =	sadd.s32 s3, s9;
	s6 =	sadd.s32 @!p0 $0x88, s6;
	s7 =	simm.s32 @p2 $0x1082  }
0x22: {  	[simem:s7], [sflag:s8] =	dma.local @!p0 [hbm:s6], $0xF7A  }
0x23: {  	s9 =	sor.u32 $0xD0000000, s2;
	s6 =	simm.s32 $0x108;
	_ =	swait.ge @!p0 [sflag:s8], $0x0  }
0x24: {  	s3 =	sadd.s32 $0x88, s3;
	s6 =	simm.s32 @!p1 $0x1082;
	[sflag:s4] =	ssyncset.s32 $0xFFFFF086  }
0x25: {  	[simem:s6], [sflag:s4] =	dma.local [hbm:s3], $0xF7A  }
0x26: {  	[smem:$0x3F9B] =	sst s1;
	(tag) =	ssettag s2;
	_ =	strace s9  }
0x27: {  	s1 =	sld [smem:$0x3FAB]  }
0x28: {  	s2 =	sld [smem:$0x3FAC]  }
0x29: {  	s4 =	sld [smem:$0x3FAE]  }
0x2a: {  	p0 =	seq.s32 s5, $0x0;
	s5 =	sld [smem:$0x3FAF]  }
0x2b: {  	s6 =	sld [smem:$0x3FB0]  }
0x2c: {  	s7 =	sld [smem:$0x3FB1]  }
0x2d: {  	s3 =	simm.s32 $0x108;
	s8 =	sld [smem:$0x3FB2]  }
0x2e: {  	s3 =	simm.s32 @!p0 $0x1082;
	s9 =	sld [smem:$0x3FB3]  }
0x2f: {  	lr =	sadd.s32 s0, s3;
	s0 =	sld [smem:$0x3FAA]  }
0x30: {  	s3 =	sld [smem:$0x3FAD]  }
0x31: {  	[smem:$0x3FB6] =	sst s10  }
0x32: {  	s10 =	sld [smem:$0x3FB4];
	_ =	sdelay $0x3  }
0x33: {  	p0 =	seq.s32 s10, $0x1;
	s10 =	sld [smem:$0x3FB6];
	_ =	sdelay $0x3  }
0x34: {  	[smem:$0x3FB6] =	sst s10  }
0x35: {  	s10 =	sld [smem:$0x3FB5];
	_ =	sdelay $0x3  }
0x36: {  	p1 =	seq.s32 s10, $0x1;
	s10 =	sld [smem:$0x3FB6];
	_ =	sdelay $0x3  }
0x37: {  	[smem:$0x3FB6] =	sst s10  }
0x38: {  	s10 =	sld [smem:$0x3FB7]  }
0x39: {  	_ = 	snop;
	(pc) =	sbr.ind lr, $3  }
0x3a: {  	_ = 	snop  }
0x3b: {  	_ = 	snop  }
0x3c: {  	p2 =	seq.s32 s10, $0x1;
	s10 =	sld [smem:$0x3FB6]  }
0x3d: {  	_ =	shalt  }
0x3e: {  	_ =	shalt  }
0x3f: {  	_ =	shalt  }
0x40: {  	_ =	shalt  }
0x41: {  	_ =	shalt  }
0x42: {  	_ =	shalt  }
0x43: {  	_ =	shalt  }
0x44: {  	_ =	shalt  }
0x45: {  	_ =	shalt  }
0x46: {  	_ =	shalt  }
0x47: {  	_ =	shalt  }
0x48: {  	_ =	shalt  }
0x49: {  	_ =	shalt  }
0x4a: {  	_ =	shalt  }
0x4b: {  	_ =	shalt  }
0x4c: {  	_ =	shalt  }
0x4d: {  	_ =	shalt  }
0x4e: {  	_ =	shalt  }
0x4f: {  	_ =	shalt  }
0x50: {  	_ =	shalt  }
0x51: {  	_ =	shalt  }
0x52: {  	_ =	shalt  }
0x53: {  	_ =	shalt  }
0x54: {  	_ =	shalt  }
0x55: {  	_ =	shalt  }
0x56: {  	_ =	shalt  }
0x57: {  	_ =	shalt  }
0x58: {  	_ =	shalt  }
0x59: {  	_ =	shalt  }
0x5a: {  	_ =	shalt  }
0x5b: {  	_ =	shalt  }
0x5c: {  	_ =	shalt  }
0x5d: {  	_ =	shalt  }
0x5e: {  	_ =	shalt  }
0x5f: {  	_ =	shalt  }
0x60: {  	_ =	shalt  }
0x61: {  	_ =	shalt  }
0x62: {  	_ =	shalt  }
0x63: {  	_ =	shalt  }
0x64: {  	_ =	shalt  }
0x65: {  	_ =	shalt  }
0x66: {  	_ =	shalt  }
0x67: {  	_ =	shalt  }
0x68: {  	_ =	shalt  }
0x69: {  	_ =	shalt  }
0x6a: {  	_ =	shalt  }
0x6b: {  	_ =	shalt  }
0x6c: {  	_ =	shalt  }
0x6d: {  	_ =	shalt  }
0x6e: {  	_ =	shalt  }
0x6f: {  	_ =	shalt  }
0x70: {  	_ =	shalt  }
0x71: {  	_ =	shalt  }
0x72: {  	_ =	shalt  }
0x73: {  	_ =	shalt  }
0x74: {  	_ =	shalt  }
0x75: {  	_ =	shalt  }
0x76: {  	_ =	shalt  }
0x77: {  	_ =	shalt  }
0x78: {  	_ =	shalt  }
0x79: {  	_ =	shalt  }
0x7a: {  	_ =	shalt  }
0x7b: {  	_ =	shalt  }
0x7c: {  	_ =	shalt  }
0x7d: {  	_ =	shalt  }
0x7e: {  	_ =	shalt  }
0x7f: {  	_ =	shalt  }
0x80: {  	_ =	shalt  }
0x81: {  	_ =	shalt  }
0x82: {  	_ =	shalt  }
0x83: {  	_ =	shalt  }
0x84: {  	_ =	shalt  }
0x85: {  	_ =	shalt  }
0x86: {  	_ =	shalt  }
0x87: {  	_ =	shalt  }
.Lfunc_end0:
.L_simem_size_0:
called_computation_lowered:
.L_overlay_start_0:
0x88: {  	s2 =	sld [smem:$0x3FD9]  }
0x89: {  	s3 =	sld [smem:$0x3FFE];
	_ =	sdelay $0x1  }
0x8a: {  	s1 =	srdreg.scid  }
0x8b: {  	s0 =	sand.u32 $0x1, s1  }
0x8c: {  	s17 =	sshll.u32 s0, $0xA;
	s2 =	sadd.s32 s3, s2  }
0x8d: {  	s2 =	sadd.s32 s2, s17  }
0x8e: {  	[smem:$0x3FC2] =	sst s2  }
0x8f: {  	_ = 	snop  }
0x90: {  	s2 =	sld [smem:$0x3FD0];
	(tm) =	ssettm $0x1  }
0x91: {  	s18 =	sld [smem:$0x3FFB];
	_ =	sdelay $0x3  }
0x92: {  	_ =	strace s18  }
0x93: {  	s3 =	sld [smem:$0x3FFC];
	_ =	sdelay $0x3  }
0x94: {  	_ =	strace s3  }
0x95: {  	s3 =	sld [smem:$0x3FFD];
	_ =	sdelay $0x3  }
0x96: {  	_ =	strace s3  }
0x97: {  	_ =	strace $0x8FFFFFFF  }
0x98: {  	s19 =	sld [smem:$0x3FDB];
	_ =	sdelay $0x1  }
0x99: {  	s4 =	simm.s32 $_scs_section_size  }
0x9a: {  	s5 =	simm.s32 $_size__tile_overlayer_lowered;
	s6 =	simm.s32 $_tile_overlayer_lowered  }
0x9b: {  	s22 =	simm.s32 $0x1BFF;
	s21 =	sshll.u32 s6, $0x1;
	s3 =	sadd.s32 s4, s19  }
0x9c: {  	s7 =	simm.s32 $0x0;
	s20 =	sshll.u32 s5, $0x1;
	s5 =	sadd.s32 s21, s3  }
0x9d: {  	[timem:s7], [sflag:s22] =	dma.local [hbm:s5], s20  }
0x9e: {  	_ =	swait.ge [sflag:s22], s20  }
0x9f: {  	s4 =	ssub.s32 $0x0, s20;
	[sflag:s22] =	ssyncset.done $0x0  }
0xa0: {  	[sflag:s22] =	ssyncadd.s32 s4;
	_ =	sdelay $0x1  }
0xa1: {  	s23 =	simm.s32 $0x1B8B  }
0xa2: {  	_ =	swait.ge [sflag:s23], $0x1  }
0xa3: {  	[sflag:s23] =	ssyncset.done $0x0  }
0xa4: {  	s25 =	simm.s32 $0x1B8E;
	s24 =	sld [smem:$0x3FFE];
	[sflag:s23] =	ssyncadd.s32 $0xFFFFFFFF  }
0xa5: {  	s26 =	simm.s32 $execute0_lowered;
	[smem:$0x3FD2] =	sst s25  }
0xa6: {  	s5 =	sshll.u32 s26, $0x1;
	_ =	strace $0x80000046;
	[dreg:$0x1] =	wrdreg $0xFFFFFFFF  }
0xa7: {  	s28 =	simm.s32 $_size_execute0_lowered;
	s3 =	sadd.s32 s3, s5;
	[dreg:$0x0] =	wrdreg $0x0  }
0xa8: {  	s5 =	sshll.u32 s28, $0x1;
	[dreg:$0x2] =	wrdreg s3  }
0xa9: {  	[dreg:$0x3] =	wrdreg s5  }
0xaa: {  	[dreg:$0x4] =	wrdreg $0xC0  }
0xab: {  	_ =	task [dreg:s7], $0x5FFFF  }
0xac: {  	[dreg:$0x1] =	wrdreg $0xFFFFFFFF  }
0xad: {  	[dreg:$0x0] =	wrdreg $0x60  }
0xae: {  	[dreg:$0x2] =	wrdreg s24  }
0xaf: {  	[dreg:$0x3] =	wrdreg s2  }
0xb0: {  	[dreg:$0x4] =	wrdreg $0x2B000  }
0xb1: {  	[dreg:$0x5] =	wrdreg $0x9  }
0xb2: {  	_ =	task.clear_ibuf [dreg:s7], $0x6FFFF;
	_ =	strace $0x90000046  }
0xb3: {  	s29 =	simm.s32 $0x9;
	_ =	strace $0x80000048  }
0xb4: {  	_ =	swait.ge [sflag:s29], $0x1  }
0xb5: {  	[sflag:s29] =	ssyncadd.s32 $0xFFFFFFFF  }
0xb6: {  	_ =	strace $0x90000048  }
0xb7: {  	_ =	sfence  }
0xb8: {  	s30 =	sld [smem:$0x0];
	_ =	sdelay $0x2  }
0xb9: {  	s31 =	sshll.u32 s1, $0xD;
	s1 =	sshrl.u32 s1, $0x2  }
0xba: {  	s3 =	sand.u32 $0x4000, s31;
	s1 =	sadd.s32 s1, s30  }
0xbb: {  	s0 =	sor.u32 s3, s0;
	s1 =	sshll.u32 s1, $0x11  }
0xbc: {  	s0 =	sor.u32 s1, s0  }
0xbd: {  	s0 =	sadd.s32 $0x8F2B, s0  }
0xbe: {  	[sflag:s0] =	ssyncadd.remote.s32 $0x1  }
0xbf: {  	_ =	sfence.sel $0xFFFF  }
0xc0: {  	[dreg:$0x0] =	wrdreg $0xFFFFFFFF;
	(pc) =	sbr.abs _section_cstart, $3  }
0xc1: {  	[dreg:$0x1] =	wrdreg $0xFFFFFFFF  }
0xc2: {  	_ =	task.clear_ibuf [dreg:s7], $0x2FFFF;
	_ =	strace $0x9FFFFFFF  }
0xc3: {  	(tm) =	ssettm $0x7FFFFFFF  }
tec
execute0_lowered:
.L_overlay_start_1:
0x0: {  	(tag) =	ssettag $0x1  }
0x1: {  	s4 =	rddreg [dreg:$0x0]  }
0x2: {  	s0 =	srdreg.scid;
	s6 =	rddreg [dreg:$0x1]  }
0x3: {  	s2 =	rddreg [dreg:$0x2];
	s1 =	stileid.u32;
	s3 =	simm.s32 $0x0  }
0x4: {  	s12 =	simm.s32 $0x1;
	s15 =	simm.s32 $0x20;
	s16 =	simm.s32 $0x10  }
0x5: {  	s5 =	sand.u32 $0x1, s0;
	s0 =	rddreg [dreg:$0x3];
	s9 =	smul.u32 $0x500, s1  }
0x6: {  	s17 =	simm.s32 $0x0;
	[smem:$0x7FF] =	sst s3;
	s11 =	smul.u32 $0xA00, s1  }
0x7: {  	s13 =	sshll.u32 s1, $0x6;
	s7 =	sshll.u32 s5, $0x4;
	_ =	strace $0x80000047  }
0x8: {  	s8 =	ssub.s32 $0x2, s5;
	s5 =	sshll.u32 s5, $0x7;
	s7 =	sor.u32 s1, s7  }
0x9: {  	s13 =	sor.u32 $0x1C02, s13;
	s10 =	sshrl.u32 s8, $0x1;
	s7 =	smul.u32 $0x2800, s7  }
0xa: {  	s5 =	sor.u32 s5, s9;
	s30 =	sshrl.u32 s11, $0x2;
	s9 =	simm.s32 $0x2  }
0xb: {  	s11 =	simm.s32 $0x2800;
	s8 =	ssub.s32 s8, s10;
	s7 =	sshrl.u32 s7, $0x3  }
0xc: {  	s31 =	sshrl.u32 s5, $0x3;
	s10 =	simm.s32 $0x80;
	s7 =	sadd.s32 s4, s7  }
0xd: {  	s6 =	sadd.s32 s6, s31;
	s4 =	sadd.s32 s30, s2;
	s5 =	sadd.s32 $0xC000, s7  }
0xe: {  	v0 =	vimm.f32 $1.000000000e+00;
	v1 =	vimm.f32 $0.0e+00;
	s7 =	smax.u32 s8, $0x1;
	s8 =	simm.s32 $0x2880;
	s14 =	sshrl.u32 s4, $0x3  }
.LBB2_1:
0xf: {  	[tilespmem:$0x2800] =	vst v0  }
0x10: {  	[tilespmem:$0x2810] =	vst v0  }
0x11: {  	[tilespmem:$0x2820] =	vst v0  }
0x12: {  	[tilespmem:$0x2830] =	vst v0  }
0x13: {  	[tilespmem:$0x2840] =	vst v0  }
0x14: {  	[tilespmem:$0x2850] =	vst v0  }
0x15: {  	[tilespmem:$0x2860] =	vst v0  }
0x16: {  	[tilespmem:$0x2870] =	vst v0  }
0x17: {  	[tilespmem:$0x2880] =	vst v1  }
0x18: {  	[tilespmem:$0x2890] =	vst v1  }
0x19: {  	[tilespmem:$0x28A0] =	vst v1  }
0x1a: {  	[tilespmem:$0x28B0] =	vst v1  }
0x1b: {  	[tilespmem:$0x28C0] =	vst v1  }
0x1c: {  	[tilespmem:$0x28D0] =	vst v1  }
0x1d: {  	[tilespmem:$0x28E0] =	vst v1  }
0x1e: {  	[tilespmem:$0x28F0] =	vst v1  }
0x1f: {  	[tilespmem:$0x2900] =	vst v1  }
0x20: {  	[tilespmem:$0x2910] =	vst v1  }
0x21: {  	[tilespmem:$0x2920] =	vst v1  }
0x22: {  	[tilespmem:$0x2930] =	vst v1  }
0x23: {  	[tilespmem:$0x2940] =	vst v1  }
0x24: {  	[tilespmem:$0x2950] =	vst v1  }
0x25: {  	[tilespmem:$0x2960] =	vst v1  }
0x26: {  	[tilespmem:$0x2970] =	vst v1  }
0x27: {  	[tilespmem:$0x2980] =	vst v1  }
0x28: {  	[tilespmem:$0x2990] =	vst v1  }
0x29: {  	[tilespmem:$0x29A0] =	vst v1  }
0x2a: {  	[tilespmem:$0x29B0] =	vst v1  }
0x2b: {  	[tilespmem:$0x29C0] =	vst v1  }
0x2c: {  	[tilespmem:$0x29D0] =	vst v1  }
0x2d: {  	[tilespmem:$0x29E0] =	vst v1  }
0x2e: {  	[tilespmem:$0x29F0] =	vst v1  }
0x2f: {  	[tilespmem:$0x2A00] =	vst v1  }
0x30: {  	[tilespmem:$0x2A10] =	vst v1  }
0x31: {  	[tilespmem:$0x2A20] =	vst v1  }
0x32: {  	[tilespmem:$0x2A30] =	vst v1  }
0x33: {  	[tilespmem:$0x2A40] =	vst v1  }
0x34: {  	[tilespmem:$0x2A50] =	vst v1  }
0x35: {  	[tilespmem:$0x2A60] =	vst v1  }
0x36: {  	[tilespmem:$0x2A70] =	vst v1  }
0x37: {  	[tilespmem:$0x2A80] =	vst v1  }
0x38: {  	[tilespmem:$0x2A90] =	vst v1  }
0x39: {  	[tilespmem:$0x2AA0] =	vst v1  }
0x3a: {  	[tilespmem:$0x2AB0] =	vst v1  }
0x3b: {  	[tilespmem:$0x2AC0] =	vst v1  }
0x3c: {  	[tilespmem:$0x2AD0] =	vst v1  }
0x3d: {  	[tilespmem:$0x2AE0] =	vst v1  }
0x3e: {  	[tilespmem:$0x2AF0] =	vst v1  }
0x3f: {  	[spmem:s4] =	stream.linear.scatter [tilespmem:s8], [sflag:$0x2], $0x280, $0x38;
	[tilespmem:$0x2D80] =	vst v63  }
0x40: {  	_ =	swait.ge [sflag:s9], $0x280  }
0x41: {  	[sflag:s9] =	ssyncset.done $0x0  }
0x42: {  	[sflag:s9] =	ssyncadd.s32 $0xFFFFFD80  }
0x43: {  	[bflag:$0x0] =	sbarrier.arrive $0xFFFF  }
0x44: {  	[tilespmem:s3], [sflag:$0x2] =	stream.linear.gather [hbm4b:s5+s3], $0x2780, $0x38;
	[tilespmem:$0x2D80] =	vst v63  }
0x45: {  	_ =	swait.ge [sflag:s9], $0x2780  }
0x46: {  	[sflag:s9] =	ssyncset.done $0x0  }
0x47: {  	s18 =	simm.s32 $0x0;
	[sflag:s9] =	ssyncadd.s32 $0xFFFFD880  }
.LBB2_2:
0x48: {  	p0 =	sne.s32 s18, $0x9C00  }
.Ltmp0:
0x49: {  	_ = 	snop;
	(pc) =	sbr.rel @p0 .LBB2_2-.Ltmp0, $3  }
0x4a: {  	_ =	sdelay $0x1  }
0x4b: {  	s19 =	sshra.s32 s18, $0x2;
	s18 =	sadd.s32 $0x200, s18  }
0x4c: {  	[spmem:s2] =	stream.indirect.scatter.add.f32 [tilespmem:s11], [sflag:$0x1], $0x1, s19, s10, $0xb8;
	[tilespmem:$0x2D80] =	vst v63  }
0x4d: {  	_ =	swait.ge [sflag:s12], $0x80  }
0x4e: {  	s18 =	simm.s32 $0x4E;
	[sflag:s12] =	ssyncset.done $0x0  }
.LBB2_4:
0x4f: {  	p0 =	sne.s32 s18, $0x1;
	s18 =	sadd.s32 $0xFFFFFFFF, s18;
	[sflag:s12] =	ssyncadd.s32 $0xFFFFFF80  }
.Ltmp1:
0x50: {  	(pc) =	sbr.rel @p0 .LBB2_4-.Ltmp1, $3  }
0x51: {  	_ =	sdelay $0x1  }
0x52: {  	_ =	swait.ge [sflag:s12], $0x80  }
0x53: {  	[sflag:s12] =	ssyncset.done $0x0  }
0x54: {  	s17 =	sadd.s32 $0x1, s17  }
0x55: {  	[sflag:s12] =	ssyncadd.s32 $0xFFFFFF80;
	p0 =	sne.s32 s17, s7  }
.Ltmp2:
0x56: {  	[bflag:$0x0] =	sbarrier.arrive $0xFFFF;
	(pc) =	sbr.rel @p0 .LBB2_1-.Ltmp2, $4  }
0x57: {  	[hbm:s6@s15], [sflag:s13] =	dma.strided [spmem:s14@s16], $0x50, s12, $0x10   }
0x58: {  	_ =	swait.ge [sflag:s9], $0x50  }
0x59: {  	[sflag:s9] =	ssyncset.done $0x0  }
0x5a: {  	[sflag:s9] =	ssyncadd.s32 $0xFFFFFFB0  }
0x5b: {  	_ =	sfence.sel $0x180000  }
0x5c: {  	[bflag:$0x0] =	sbarrier.arrive $0xFFFF  }
0x5d: {  	p0 =	sne.s32 s1, $0x0;
	_ =	strace $0x90000047  }
0x5e: {  	s0 =	sadd.s32 @!p0 $0x100000, s0;
	[bflag:$0x2] =	sbarrier.arrive $0xFFFF  }
0x5f: {  	[sflag:s0] =	ssyncadd.tile.s32 @!p0 $0x1;
	_ =	shalt  }
.Lfunc_end2:
_tile_overlayer_lowered:
.L_overlay_start_2:
0x60: {  	(tag) =	ssettag $0x2  }
0x61: {  	s0 =	rddreg [dreg:$0x0];
	s2 =	stileid.u32  }
0x62: {  	s1 =	rddreg [dreg:$0x1];
	p0 =	sne.s32 s2, $0x0  }
0x63: {  	s3 =	rddreg [dreg:$0x2];
	[bflag:$0x3] =	sbarrier.arrive $0xFFFF;
	s2 =	simm.s32 @!p0 $0x1C02  }
0x64: {  	[timem:s3], [sflag:s2] =	dma.local @!p0 [hbm:s0], s1  }
0x65: {  	s0 =	simm.s32 @!p0 $0x2  }
0x66: {  	_ =	swait.ge @!p0 [sflag:s0], s1  }
0x67: {  	s1 =	ssub.s32 @!p0 $0x0, s1;
	[sflag:s0] =	ssyncset.done @!p0 $0x0  }
0x68: {  	[sflag:s0] =	ssyncadd.s32 @!p0 s1  }
0x69: {  	[bflag:$0x3] =	sbarrier.arrive $0xFFFF  }
0x6a: {  	_ =	shalt  }

</sc_bundles>
